<compile_context>
chip_gen: v7x
topology: tpu7x:2x2x1
jax: 0.10.2.dev20260603
libtpu: 0.0.44.dev20260713+nightly
codegen_flags: <defaults>
</compile_context>

<pallas_src>
import functools

import jax
import jax.numpy as jnp
from jax import lax
from jax.experimental import pallas as pl
from jax.experimental.pallas import tpu as pltpu
from jax.experimental.pallas import tpu_sc as plsc

NC, NS = 2, 16
NW = NC * NS
N, D, E, Q = 10000, 128, 320000, 1000
H1, U1, H2, U2 = 8, 8, 8, 16
F1, F2 = H1 * U1, H2 * U2

_mesh = plsc.VectorSubcoreMesh(core_axis_name="c", subcore_axis_name="s")
_sc_params = pltpu.CompilerParams(use_tc_tiling_on_sc=False)


def _make_gather(C):
    EP = E // NW
    nit = EP // C

    @functools.partial(
        pl.kernel,
        out_type=(jax.ShapeDtypeStruct((E, F2), jnp.float32),
                  jax.ShapeDtypeStruct((E, F2), jnp.float32)),
        mesh=_mesh,
        compiler_params=_sc_params,
        scratch_types=[
            pltpu.VMEM((C,), jnp.int32), pltpu.VMEM((C,), jnp.int32),
            pltpu.VMEM((C, F2), jnp.float32),
            pltpu.VMEM((C, F2), jnp.float32),
            pltpu.SemaphoreType.DMA, pltpu.SemaphoreType.DMA,
        ],
    )
    def k(table, src, dst, hs_out, hd_out, idx_s, idx_d, buf_s, buf_d, s1, s2):
        wid = lax.axis_index("s") * NC + lax.axis_index("c")
        base = wid * EP

        def body(i, carry):
            off = base + i * C
            pltpu.sync_copy(src.at[pl.ds(off, C)], idx_s)
            pltpu.sync_copy(dst.at[pl.ds(off, C)], idx_d)
            cp1 = pltpu.async_copy(table.at[idx_s], buf_s, s1)
            cp2 = pltpu.async_copy(table.at[idx_d], buf_d, s2)
            cp1.wait()
            cp2.wait()
            pltpu.sync_copy(buf_s, hs_out.at[pl.ds(off, C)])
            pltpu.sync_copy(buf_d, hd_out.at[pl.ds(off, C)])
            return carry

        lax.fori_loop(0, nit, body, 0)

    return k



def _make_scatter(C, with_ee):
    EP = E // NW
    nit = EP // C
    NP = N // NS
    ZR = 125

    out_type = [jax.ShapeDtypeStruct((NC, N, F2), jnp.float32)]
    scratch = [
        pltpu.VMEM((C,), jnp.int32),
        pltpu.VMEM((C, F2), jnp.float32),
        pltpu.VMEM((ZR, F2), jnp.float32),
        pltpu.VMEM_SHARED((N, F2), jnp.float32),
    ]
    if with_ee:
        out_type.append(jax.ShapeDtypeStruct((NC, N, 16), jnp.float32))
        scratch += [
            pltpu.VMEM((C, 16), jnp.float32),
            pltpu.VMEM((ZR, 16), jnp.float32),
            pltpu.VMEM_SHARED((N, 16), jnp.float32),
        ]

    @functools.partial(
        pl.kernel,
        out_type=tuple(out_type) if with_ee else out_type[0],
        mesh=_mesh,
        compiler_params=_sc_params,
        scratch_types=scratch,
    )
    def k(*args):
        if with_ee:
            (w, ee, dstids, zrow, zrow16, acc_out, den_out,
             idx_v, w_v, stg, acc_s, ee_v, stg16, den_s) = args
        else:
            (w, dstids, zrow, acc_out,
             idx_v, w_v, stg, acc_s) = args
        cid = lax.axis_index("c")
        sid = lax.axis_index("s")
        wid = sid * NC + cid

        pltpu.sync_copy(zrow, stg)
        if with_ee:
            pltpu.sync_copy(zrow16, stg16)
        for t in range(NP // ZR):
            r0 = sid * NP + t * ZR
            pltpu.sync_copy(stg, acc_s.at[pl.ds(r0, ZR)])
            if with_ee:
                pltpu.sync_copy(stg16, den_s.at[pl.ds(r0, ZR)])
        plsc.subcore_barrier()

        def body(i, carry):
            off = wid * EP + i * C
            pltpu.sync_copy(dstids.at[pl.ds(off, C)], idx_v)
            pltpu.sync_copy(w.at[pl.ds(off, C)], w_v)
            pltpu.sync_copy(w_v, acc_s.at[idx_v], add=True)
            if with_ee:
                pltpu.sync_copy(ee.at[pl.ds(off, C)], ee_v)
                pltpu.sync_copy(ee_v, den_s.at[idx_v], add=True)
            return carry

        lax.fori_loop(0, nit, body, 0)
        plsc.subcore_barrier()

        for t in range(NP // ZR):
            r0 = sid * NP + t * ZR
            pltpu.sync_copy(acc_s.at[pl.ds(r0, ZR)], stg)
            pltpu.sync_copy(stg, acc_out.at[cid].at[pl.ds(r0, ZR)])
            if with_ee:
                pltpu.sync_copy(den_s.at[pl.ds(r0, ZR)], stg16)
                pltpu.sync_copy(stg16, den_out.at[cid].at[pl.ds(r0, ZR)])

    return k



QP = 1024


@functools.partial(
    pl.kernel,
    out_type=jax.ShapeDtypeStruct((QP, 16), jnp.float32),
    mesh=_mesh,
    compiler_params=_sc_params,
    scratch_types=[
        pltpu.VMEM((QP // NW,), jnp.int32),
        pltpu.VMEM((QP // NW, 16), jnp.float32),
        pltpu.SemaphoreType.DMA,
    ],
)
def _take_k(table, idx, out, idx_v, rows_v, sem):
    wid = lax.axis_index("s") * NC + lax.axis_index("c")
    base = wid * (QP // NW)
    pltpu.sync_copy(idx.at[pl.ds(base, QP // NW)], idx_v)
    pltpu.async_copy(table.at[idx_v], rows_v, sem).wait()
    pltpu.sync_copy(rows_v, out.at[pl.ds(base, QP // NW)])



_HI = lax.Precision.HIGHEST


def _mm_body(x_ref, w_ref, o_ref):
    o_ref[...] = jnp.dot(x_ref[...], w_ref[...],
                         preferred_element_type=jnp.float32, precision=_HI)


def _mm(x, w, bn):
    n, d = x.shape
    dout = w.shape[1]
    return pl.pallas_call(
        _mm_body,
        grid=(n // bn,),
        in_specs=[pl.BlockSpec((bn, d), lambda i: (i, 0)),
                  pl.BlockSpec((d, dout), lambda i: (0, 0))],
        out_specs=pl.BlockSpec((bn, dout), lambda i: (i, 0)),
        out_shape=jax.ShapeDtypeStruct((n, dout), jnp.float32),
    )(x, w)


def _edge1_body(hs_ref, hd_ref, A_ref, X_ref, P_ref, w_ref):
    m = hs_ref[...] + hd_ref[...]
    m = jnp.where(m > 0, m, 0.2 * m)
    e = jnp.dot(m, A_ref[...], preferred_element_type=jnp.float32,
                precision=_HI)
    col = lax.broadcasted_iota(jnp.int32, e.shape, 1)
    ee = jnp.where(col < H1, jnp.exp(e), 0.0)
    w_ref[...] = (jnp.dot(ee, X_ref[...], preferred_element_type=jnp.float32,
                          precision=_HI) * hs_ref[...]
                  + jnp.dot(ee, P_ref[...], preferred_element_type=jnp.float32,
                            precision=_HI))


def _edge1(hs, hd, A, X, P, BE):
    return pl.pallas_call(
        _edge1_body,
        grid=(E // BE,),
        in_specs=[pl.BlockSpec((BE, F2), lambda i: (i, 0)),
                  pl.BlockSpec((BE, F2), lambda i: (i, 0)),
                  pl.BlockSpec((F2, 16), lambda i: (0, 0)),
                  pl.BlockSpec((16, F2), lambda i: (0, 0)),
                  pl.BlockSpec((16, F2), lambda i: (0, 0))],
        out_specs=pl.BlockSpec((BE, F2), lambda i: (i, 0)),
        out_shape=jax.ShapeDtypeStruct((E, F2), jnp.float32),
    )(hs, hd, A, X, P)


def _edge2_body(hs_ref, hd_ref, A_ref, X_ref, ee_ref, w_ref):
    m = hs_ref[...] + hd_ref[...]
    m = jnp.where(m > 0, m, 0.2 * m)
    e = jnp.dot(m, A_ref[...], preferred_element_type=jnp.float32,
                precision=_HI)
    col = lax.broadcasted_iota(jnp.int32, e.shape, 1)
    ee = jnp.where(col < H2, jnp.exp(e), 0.0)
    ee_ref[...] = ee
    w_ref[...] = jnp.dot(ee, X_ref[...], preferred_element_type=jnp.float32,
                         precision=_HI) * hs_ref[...]


def _edge2(hs, hd, A, X, BE):
    return pl.pallas_call(
        _edge2_body,
        grid=(E // BE,),
        in_specs=[pl.BlockSpec((BE, F2), lambda i: (i, 0)),
                  pl.BlockSpec((BE, F2), lambda i: (i, 0)),
                  pl.BlockSpec((F2, 16), lambda i: (0, 0)),
                  pl.BlockSpec((16, F2), lambda i: (0, 0))],
        out_specs=(pl.BlockSpec((BE, 16), lambda i: (i, 0)),
                   pl.BlockSpec((BE, F2), lambda i: (i, 0))),
        out_shape=(jax.ShapeDtypeStruct((E, 16), jnp.float32),
                   jax.ShapeDtypeStruct((E, F2), jnp.float32)),
    )(hs, hd, A, X)


def _fin1_body(acc_ref, b_ref, W_ref, X_ref, o_ref):
    a = acc_ref[0] + acc_ref[1]
    den = a[:, F1:F1 + 16]
    d = jnp.dot(den, X_ref[...], preferred_element_type=jnp.float32,
                precision=_HI) + 1e-9
    h = a[:, :F1] / d + b_ref[...]
    h = jnp.where(h > 0, h, jnp.exp(h) - 1.0)
    o_ref[...] = jnp.dot(h, W_ref[...], preferred_element_type=jnp.float32,
                         precision=_HI)


def _fin1(acc, b1, W2, X1p, bn):
    return pl.pallas_call(
        _fin1_body,
        grid=(N // bn,),
        in_specs=[pl.BlockSpec((NC, bn, F2), lambda i: (0, i, 0)),
                  pl.BlockSpec((1, F1), lambda i: (0, 0)),
                  pl.BlockSpec((F1, F2), lambda i: (0, 0)),
                  pl.BlockSpec((16, F1), lambda i: (0, 0))],
        out_specs=pl.BlockSpec((bn, F2), lambda i: (i, 0)),
        out_shape=jax.ShapeDtypeStruct((N, F2), jnp.float32),
    )(acc, b1, W2, X1p)


def _fin2_body(acc_ref, den_ref, b_ref, X_ref, M_ref, o_ref):
    acc = acc_ref[0] + acc_ref[1]
    den = den_ref[0] + den_ref[1]
    d = jnp.dot(den, X_ref[...], preferred_element_type=jnp.float32,
                precision=_HI) + 1e-9
    o_ref[...] = jnp.dot(acc / d, M_ref[...], preferred_element_type=jnp.float32,
                         precision=_HI) + b_ref[...]


def _fin2(acc, den, b2, X2, M, bn):
    return pl.pallas_call(
        _fin2_body,
        grid=(N // bn,),
        in_specs=[pl.BlockSpec((NC, bn, F2), lambda i: (0, i, 0)),
                  pl.BlockSpec((NC, bn, 16), lambda i: (0, i, 0)),
                  pl.BlockSpec((1, 16), lambda i: (0, 0)),
                  pl.BlockSpec((16, F2), lambda i: (0, 0)),
                  pl.BlockSpec((F2, 16), lambda i: (0, 0))],
        out_specs=pl.BlockSpec((bn, 16), lambda i: (i, 0)),
        out_shape=jax.ShapeDtypeStruct((N, 16), jnp.float32),
    )(acc, den, b2, X2, M)


_gatherk = _make_gather(80)
_scatter1 = _make_scatter(80, False)
_scatter2 = _make_scatter(80, True)


def kernel(x, edge_index, indices, W1, a1, b1, W2, a2, b2):
    src = edge_index[0]
    dst = edge_index[1]

    r1 = jnp.arange(F1)
    A1 = jnp.zeros((F2, 16), jnp.float32).at[r1, r1 // U1].set(a1.reshape(-1))
    X1 = jnp.zeros((16, F2), jnp.float32).at[r1 // U1, r1].set(1.0)
    X1p = jnp.zeros((16, F1), jnp.float32).at[r1 // U1, r1].set(1.0)
    P1 = jnp.zeros((16, F2), jnp.float32).at[jnp.arange(H1),
                                             F1 + jnp.arange(H1)].set(1.0)
    r2 = jnp.arange(F2)
    A2 = jnp.zeros((F2, 16), jnp.float32).at[r2, r2 // U2].set(a2.reshape(-1))
    X2 = jnp.zeros((16, F2), jnp.float32).at[r2 // U2, r2].set(1.0)
    M2 = jnp.zeros((F2, 16), jnp.float32).at[r2, r2 % U2].set(1.0 / H2)
    W1p = jnp.pad(W1, ((0, 0), (0, F2 - F1)))
    zrow128 = jnp.zeros((125, F2), jnp.float32)
    zrow16 = jnp.zeros((125, 16), jnp.float32)

    h1p = _mm(x, W1p, 1000)
    hs, hd = _gatherk(h1p, src, dst)
    w = _edge1(hs, hd, A1, X1, P1, 1280)
    acc = _scatter1(w, dst, zrow128)
    h2p = _fin1(acc, b1.reshape(1, F1), W2, X1p, 1000)

    hs2, hd2 = _gatherk(h2p, src, dst)
    ee2, w2 = _edge2(hs2, hd2, A2, X2, 1280)
    acc2, den2 = _scatter2(w2, ee2, dst, zrow128, zrow16)
    out = _fin2(acc2, den2, b2.reshape(1, 16), X2, M2, 1000)

    idxp = jnp.concatenate([indices, jnp.zeros((QP - Q,), jnp.int32)])
    res = _take_k(out, idxp)
    return res[:Q]

# --- scband reference (transcript-rebuilt; emitter-appended) ---
"""Pipeline reference for scband-graph-attention-network-transductive2-25314537243086 (READ-ONLY COPY).

The authoritative reference and input builder live on the scoring server;
editing this copy changes nothing except your own understanding.
"""

import jax, jax.numpy as jnp
import numpy as np

N, D, H1, U1, H2, OUT, E, Q = 10000, 128, 8, 8, 8, 16, 320000, 1000


def _gat_v2_layer(x, edge_index, W, a, b, merge):
    # GATv2 multi-head attention (inference mode, dropout disabled).
    n = x.shape[0]
    H, U = a.shape
    h = (x @ W).reshape(n, H, U)
    src = edge_index[0]
    dst = edge_index[1]
    h_src = h[src]                                   # gather: (E, H, U)
    h_dst = h[dst]                                   # gather: (E, H, U)
    m = jax.nn.leaky_relu(h_src + h_dst, negative_slope=0.2)
    e = jnp.sum(m * a[None, :, :], axis=-1)          # (E, H)
    e_max = jax.ops.segment_max(e, dst, num_segments=n)
    e_max = jnp.where(jnp.isfinite(e_max), e_max, 0.0)
    e_max = jax.lax.stop_gradient(e_max)
    ee = jnp.exp(e - e_max[dst])
    denom = jax.ops.segment_sum(ee, dst, num_segments=n) + 1e-9
    alpha = ee / denom[dst]                          # edge softmax per dst node
    out = jax.ops.segment_sum(alpha[:, :, None] * h_src, dst, num_segments=n)
    if merge == 'concat':
        out = out.reshape(n, H * U) + b
    else:
        out = jnp.mean(out, axis=1) + b
    return out


def setup_inputs(seed: int = 0):
    key = jax.random.key(seed)
    ks = jax.random.split(key, 10)
    x = jax.random.normal(ks[0], (N, D), dtype=jnp.float32)
    edge_index = jax.random.randint(ks[1], (2, E), 0, N, dtype=jnp.int32)
    indices = jax.random.randint(ks[2], (Q,), 0, N, dtype=jnp.int32)
    W1 = jax.random.normal(ks[3], (D, H1 * U1), dtype=jnp.float32) / np.sqrt(D)
    a1 = jax.random.normal(ks[4], (H1, U1), dtype=jnp.float32) / np.sqrt(U1)
    b1 = jnp.zeros((H1 * U1,), dtype=jnp.float32)
    W2 = jax.random.normal(ks[5], (H1 * U1, H2 * OUT), dtype=jnp.float32) / np.sqrt(H1 * U1)
    a2 = jax.random.normal(ks[6], (H2, OUT), dtype=jnp.float32) / np.sqrt(OUT)
    b2 = jnp.zeros((OUT,), dtype=jnp.float32)
    return {"x": x, "edge_index": edge_index, "indices": indices,
            "W1": W1, "a1": a1, "b1": b1, "W2": W2, "a2": a2, "b2": b2}


def reference(x, edge_index, indices, W1, a1, b1, W2, a2, b2):
    # layer1: 8 heads x 8 units, concat (-> 64), ELU (standard GAT hidden activation)
    h1 = jax.nn.elu(_gat_v2_layer(x, edge_index, W1, a1, b1, 'concat'))
    # layer2: 8 heads x output_dim units, merge_type='avg'
    out = _gat_v2_layer(h1, edge_index, W2, a2, b2, 'avg')
    # transductive readout at query node indices
    return jnp.take(out, indices, axis=0)

if __name__ == "__main__":
    import jax
    _d = setup_inputs()
    print(jax.jit(kernel)(*tuple(_d.values())))

</pallas_src>

<mosaic_0001>
#map = affine_map<(d0, d1) -> (0, 0)>
#map1 = affine_map<(d0, d1) -> (0)>
module attributes {stable_mosaic.version = 14 : i64} {
  func.func @k(%arg0: i32, %arg1: i32, %arg2: memref<10000x128xf32, #tpu.memory_space<hbm>>, %arg3: memref<320000xi32, #tpu.memory_space<hbm>>, %arg4: memref<320000xi32, #tpu.memory_space<hbm>>, %arg5: memref<320000x128xf32, #tpu.memory_space<hbm>>, %arg6: memref<320000x128xf32, #tpu.memory_space<hbm>>, %arg7: memref<80xi32, #tpu.memory_space<vmem>>, %arg8: memref<80xi32, #tpu.memory_space<vmem>>, %arg9: memref<80x128xf32, #tpu.memory_space<vmem>>, %arg10: memref<80x128xf32, #tpu.memory_space<vmem>>, %arg11: memref<!tpu.dma_semaphore, #tpu.memory_space<semaphore_mem>>, %arg12: memref<!tpu.dma_semaphore, #tpu.memory_space<semaphore_mem>>) attributes {dimension_semantics = [#tpu.dimension_semantics<core_parallel>, #tpu.dimension_semantics<subcore_parallel>], iteration_bounds = array<i64: 2, 16>, scalar_prefetch = 0 : i64, scratch_operands = 6 : i64, tpu.core_type = #tpu.core_type<sc_vector_subcore>, window_params = [{transform_indices = #map}, {transform_indices = #map1}, {transform_indices = #map1}, {transform_indices = #map}, {transform_indices = #map}]} {
    %mul3A = arith.constant 2 : i32
    %mul3A_0 = arith.muli %arg1, %mul3A : i32
    %add3A = arith.addi %mul3A_0, %arg0 : i32
    %mul3A_1 = arith.constant 10000 : i32
    %mul3A_2 = arith.muli %add3A, %mul3A_1 : i32
    %scan3A = arith.constant 0 : i32
    %scan3A_3 = arith.constant 0 : i32
    %scan3A_4 = arith.constant 125 : i32
    %scan3A_5 = arith.addi %scan3A_3, %scan3A_4 : i32
    %scan3A_6 = arith.constant 1 : i32
    scf.for %scan3A_8 = %scan3A_3 to %scan3A_5 step %scan3A_6  : i32 {
      %mul3A_9 = arith.constant 80 : i32
      %mul3A_10 = arith.muli %scan3A_8, %mul3A_9 : i32
      %add3A_11 = arith.addi %mul3A_2, %mul3A_10 : i32
      "tpu.region"() ({
        %run_scoped3A = tpu.sem_alloc : memref<!tpu.dma_semaphore, #tpu.memory_space<semaphore_mem>>
        %dma_start3A_22 = tpu.memref_slice %arg3[%add3A_11] : memref<320000xi32, #tpu.memory_space<hbm>> -> memref<80xi32, #tpu.memory_space<hbm>>
        %dma_start3A_23 = tpu.memref_slice %arg3[%add3A_11] : memref<320000xi32, #tpu.memory_space<hbm>> -> memref<80xi32, #tpu.memory_space<hbm>>
        tpu.enqueue_dma source(%dma_start3A_23 : memref<80xi32, #tpu.memory_space<hbm>>) target(%arg7 : memref<80xi32, #tpu.memory_space<vmem>>) target_semaphore(%run_scoped3A : memref<!tpu.dma_semaphore, #tpu.memory_space<semaphore_mem>>)
        %dma_wait3A_24 = tpu.memref_slice %arg3[%add3A_11] : memref<320000xi32, #tpu.memory_space<hbm>> -> memref<80xi32, #tpu.memory_space<hbm>>
        %dma_wait3A_25 = tpu.memref_slice %arg3[%add3A_11] : memref<320000xi32, #tpu.memory_space<hbm>> -> memref<80xi32, #tpu.memory_space<hbm>>
        tpu.wait_dma2 semaphore(%run_scoped3A : memref<!tpu.dma_semaphore, #tpu.memory_space<semaphore_mem>>) src(%dma_wait3A_25 : memref<80xi32, #tpu.memory_space<hbm>>) dst(%arg7 : memref<80xi32, #tpu.memory_space<vmem>>)
        tpu.yield
      }) : () -> ()
      "tpu.region"() ({
        %run_scoped3A = tpu.sem_alloc : memref<!tpu.dma_semaphore, #tpu.memory_space<semaphore_mem>>
        %dma_start3A_22 = tpu.memref_slice %arg4[%add3A_11] : memref<320000xi32, #tpu.memory_space<hbm>> -> memref<80xi32, #tpu.memory_space<hbm>>
        %dma_start3A_23 = tpu.memref_slice %arg4[%add3A_11] : memref<320000xi32, #tpu.memory_space<hbm>> -> memref<80xi32, #tpu.memory_space<hbm>>
        tpu.enqueue_dma source(%dma_start3A_23 : memref<80xi32, #tpu.memory_space<hbm>>) target(%arg8 : memref<80xi32, #tpu.memory_space<vmem>>) target_semaphore(%run_scoped3A : memref<!tpu.dma_semaphore, #tpu.memory_space<semaphore_mem>>)
        %dma_wait3A_24 = tpu.memref_slice %arg4[%add3A_11] : memref<320000xi32, #tpu.memory_space<hbm>> -> memref<80xi32, #tpu.memory_space<hbm>>
        %dma_wait3A_25 = tpu.memref_slice %arg4[%add3A_11] : memref<320000xi32, #tpu.memory_space<hbm>> -> memref<80xi32, #tpu.memory_space<hbm>>
        tpu.wait_dma2 semaphore(%run_scoped3A : memref<!tpu.dma_semaphore, #tpu.memory_space<semaphore_mem>>) src(%dma_wait3A_25 : memref<80xi32, #tpu.memory_space<hbm>>) dst(%arg8 : memref<80xi32, #tpu.memory_space<vmem>>)
        tpu.yield
      }) : () -> ()
      %dma_start3A = arith.constant 0 : i32
      %dma_start3A_12 = arith.constant 0 : i32
      %dma_start3A_13 = tpu.memref_slice %arg2[%dma_start3A, %dma_start3A_12] : memref<10000x128xf32, #tpu.memory_space<hbm>> -> memref<10000x128xf32, #tpu.memory_space<hbm>>
      tpu.enqueue_indirect_dma source(%dma_start3A_13 : memref<10000x128xf32, #tpu.memory_space<hbm>>) target(%arg9 : memref<80x128xf32, #tpu.memory_space<vmem>>) offsets(%arg7 : memref<80xi32, #tpu.memory_space<vmem>>) semaphore(%arg11 : memref<!tpu.dma_semaphore, #tpu.memory_space<semaphore_mem>>)
      %dma_start3A_14 = arith.constant 0 : i32
      %dma_start3A_15 = arith.constant 0 : i32
      %dma_start3A_16 = tpu.memref_slice %arg2[%dma_start3A_14, %dma_start3A_15] : memref<10000x128xf32, #tpu.memory_space<hbm>> -> memref<10000x128xf32, #tpu.memory_space<hbm>>
      tpu.enqueue_indirect_dma source(%dma_start3A_16 : memref<10000x128xf32, #tpu.memory_space<hbm>>) target(%arg10 : memref<80x128xf32, #tpu.memory_space<vmem>>) offsets(%arg8 : memref<80xi32, #tpu.memory_space<vmem>>) semaphore(%arg12 : memref<!tpu.dma_semaphore, #tpu.memory_space<semaphore_mem>>)
      %dma_wait3A = arith.constant 0 : i32
      %dma_wait3A_17 = arith.constant 0 : i32
      %dma_wait3A_18 = tpu.memref_slice %arg2[%dma_wait3A, %dma_wait3A_17] : memref<10000x128xf32, #tpu.memory_space<hbm>> -> memref<10000x128xf32, #tpu.memory_space<hbm>>
      tpu.wait_indirect_dma semaphore(%arg11 : memref<!tpu.dma_semaphore, #tpu.memory_space<semaphore_mem>>) src(%dma_wait3A_18 : memref<10000x128xf32, #tpu.memory_space<hbm>>) dst(%arg9 : memref<80x128xf32, #tpu.memory_space<vmem>>)
      %dma_wait3A_19 = arith.constant 0 : i32
      %dma_wait3A_20 = arith.constant 0 : i32
      %dma_wait3A_21 = tpu.memref_slice %arg2[%dma_wait3A_19, %dma_wait3A_20] : memref<10000x128xf32, #tpu.memory_space<hbm>> -> memref<10000x128xf32, #tpu.memory_space<hbm>>
      tpu.wait_indirect_dma semaphore(%arg12 : memref<!tpu.dma_semaphore, #tpu.memory_space<semaphore_mem>>) src(%dma_wait3A_21 : memref<10000x128xf32, #tpu.memory_space<hbm>>) dst(%arg10 : memref<80x128xf32, #tpu.memory_space<vmem>>)
      "tpu.region"() ({
        %run_scoped3A = tpu.sem_alloc : memref<!tpu.dma_semaphore, #tpu.memory_space<semaphore_mem>>
        %dma_start3A_22 = arith.constant 0 : i32
        %dma_start3A_23 = tpu.memref_slice %arg5[%add3A_11, %dma_start3A_22] : memref<320000x128xf32, #tpu.memory_space<hbm>> -> memref<80x128xf32, #tpu.memory_space<hbm>>
        %dma_start3A_24 = arith.constant 0 : i32
        %dma_start3A_25 = tpu.memref_slice %arg5[%add3A_11, %dma_start3A_24] : memref<320000x128xf32, #tpu.memory_space<hbm>> -> memref<80x128xf32, #tpu.memory_space<hbm>>
        tpu.enqueue_dma source(%arg9 : memref<80x128xf32, #tpu.memory_space<vmem>>) target(%dma_start3A_25 : memref<80x128xf32, #tpu.memory_space<hbm>>) target_semaphore(%run_scoped3A : memref<!tpu.dma_semaphore, #tpu.memory_space<semaphore_mem>>)
        %dma_wait3A_26 = arith.constant 0 : i32
        %dma_wait3A_27 = tpu.memref_slice %arg5[%add3A_11, %dma_wait3A_26] : memref<320000x128xf32, #tpu.memory_space<hbm>> -> memref<80x128xf32, #tpu.memory_space<hbm>>
        %dma_wait3A_28 = arith.constant 0 : i32
        %dma_wait3A_29 = tpu.memref_slice %arg5[%add3A_11, %dma_wait3A_28] : memref<320000x128xf32, #tpu.memory_space<hbm>> -> memref<80x128xf32, #tpu.memory_space<hbm>>
        tpu.wait_dma2 semaphore(%run_scoped3A : memref<!tpu.dma_semaphore, #tpu.memory_space<semaphore_mem>>) src(%arg9 : memref<80x128xf32, #tpu.memory_space<vmem>>) dst(%dma_wait3A_29 : memref<80x128xf32, #tpu.memory_space<hbm>>)
        tpu.yield
      }) : () -> ()
      "tpu.region"() ({
        %run_scoped3A = tpu.sem_alloc : memref<!tpu.dma_semaphore, #tpu.memory_space<semaphore_mem>>
        %dma_start3A_22 = arith.constant 0 : i32
        %dma_start3A_23 = tpu.memref_slice %arg6[%add3A_11, %dma_start3A_22] : memref<320000x128xf32, #tpu.memory_space<hbm>> -> memref<80x128xf32, #tpu.memory_space<hbm>>
        %dma_start3A_24 = arith.constant 0 : i32
        %dma_start3A_25 = tpu.memref_slice %arg6[%add3A_11, %dma_start3A_24] : memref<320000x128xf32, #tpu.memory_space<hbm>> -> memref<80x128xf32, #tpu.memory_space<hbm>>
        tpu.enqueue_dma source(%arg10 : memref<80x128xf32, #tpu.memory_space<vmem>>) target(%dma_start3A_25 : memref<80x128xf32, #tpu.memory_space<hbm>>) target_semaphore(%run_scoped3A : memref<!tpu.dma_semaphore, #tpu.memory_space<semaphore_mem>>)
        %dma_wait3A_26 = arith.constant 0 : i32
        %dma_wait3A_27 = tpu.memref_slice %arg6[%add3A_11, %dma_wait3A_26] : memref<320000x128xf32, #tpu.memory_space<hbm>> -> memref<80x128xf32, #tpu.memory_space<hbm>>
        %dma_wait3A_28 = arith.constant 0 : i32
        %dma_wait3A_29 = tpu.memref_slice %arg6[%add3A_11, %dma_wait3A_28] : memref<320000x128xf32, #tpu.memory_space<hbm>> -> memref<80x128xf32, #tpu.memory_space<hbm>>
        tpu.wait_dma2 semaphore(%run_scoped3A : memref<!tpu.dma_semaphore, #tpu.memory_space<semaphore_mem>>) src(%arg10 : memref<80x128xf32, #tpu.memory_space<vmem>>) dst(%dma_wait3A_29 : memref<80x128xf32, #tpu.memory_space<hbm>>)
        tpu.yield
      }) : () -> ()
    }
    %scan3A_7 = arith.constant 125 : i32
    return
  }
}

#map = affine_map<(d0, d1) -> (0, 0)>
#map1 = affine_map<(d0, d1) -> (0)>
module attributes {stable_mosaic.version = 14 : i64} {
  func.func @k(%arg0: i32, %arg1: i32, %arg2: memref<10000x128xf32, #tpu.memory_space<hbm>>, %arg3: memref<320000xi32, #tpu.memory_space<hbm>>, %arg4: memref<320000xi32, #tpu.memory_space<hbm>>, %arg5: memref<320000x128xf32, #tpu.memory_space<hbm>>, %arg6: memref<320000x128xf32, #tpu.memory_space<hbm>>, %arg7: memref<80xi32, #tpu.memory_space<vmem>>, %arg8: memref<80xi32, #tpu.memory_space<vmem>>, %arg9: memref<80x128xf32, #tpu.memory_space<vmem>>, %arg10: memref<80x128xf32, #tpu.memory_space<vmem>>, %arg11: memref<!tpu.dma_semaphore, #tpu.memory_space<semaphore_mem>>, %arg12: memref<!tpu.dma_semaphore, #tpu.memory_space<semaphore_mem>>) attributes {dimension_semantics = [#tpu.dimension_semantics<core_parallel>, #tpu.dimension_semantics<subcore_parallel>], iteration_bounds = array<i64: 2, 16>, scalar_prefetch = 0 : i64, scratch_operands = 6 : i64, tpu.core_type = #tpu.core_type<sc_vector_subcore>, window_params = [{transform_indices = #map}, {transform_indices = #map1}, {transform_indices = #map1}, {transform_indices = #map}, {transform_indices = #map}]} {
    %mul3A = arith.constant 2 : i32
    %mul3A_0 = arith.muli %arg1, %mul3A : i32
    %add3A = arith.addi %mul3A_0, %arg0 : i32
    %mul3A_1 = arith.constant 10000 : i32
    %mul3A_2 = arith.muli %add3A, %mul3A_1 : i32
    %scan3A = arith.constant 0 : i32
    %scan3A_3 = arith.constant 0 : i32
    %scan3A_4 = arith.constant 125 : i32
    %scan3A_5 = arith.addi %scan3A_3, %scan3A_4 : i32
    %scan3A_6 = arith.constant 1 : i32
    scf.for %scan3A_8 = %scan3A_3 to %scan3A_5 step %scan3A_6  : i32 {
      %mul3A_9 = arith.constant 80 : i32
      %mul3A_10 = arith.muli %scan3A_8, %mul3A_9 : i32
      %add3A_11 = arith.addi %mul3A_2, %mul3A_10 : i32
      "tpu.region"() ({
        %run_scoped3A = tpu.sem_alloc : memref<!tpu.dma_semaphore, #tpu.memory_space<semaphore_mem>>
        %dma_start3A_22 = tpu.memref_slice %arg3[%add3A_11] : memref<320000xi32, #tpu.memory_space<hbm>> -> memref<80xi32, #tpu.memory_space<hbm>>
        %dma_start3A_23 = tpu.memref_slice %arg3[%add3A_11] : memref<320000xi32, #tpu.memory_space<hbm>> -> memref<80xi32, #tpu.memory_space<hbm>>
        tpu.enqueue_dma source(%dma_start3A_23 : memref<80xi32, #tpu.memory_space<hbm>>) target(%arg7 : memref<80xi32, #tpu.memory_space<vmem>>) target_semaphore(%run_scoped3A : memref<!tpu.dma_semaphore, #tpu.memory_space<semaphore_mem>>)
        %dma_wait3A_24 = tpu.memref_slice %arg3[%add3A_11] : memref<320000xi32, #tpu.memory_space<hbm>> -> memref<80xi32, #tpu.memory_space<hbm>>
        %dma_wait3A_25 = tpu.memref_slice %arg3[%add3A_11] : memref<320000xi32, #tpu.memory_space<hbm>> -> memref<80xi32, #tpu.memory_space<hbm>>
        tpu.wait_dma2 semaphore(%run_scoped3A : memref<!tpu.dma_semaphore, #tpu.memory_space<semaphore_mem>>) src(%dma_wait3A_25 : memref<80xi32, #tpu.memory_space<hbm>>) dst(%arg7 : memref<80xi32, #tpu.memory_space<vmem>>)
        tpu.yield
      }) : () -> ()
      "tpu.region"() ({
        %run_scoped3A = tpu.sem_alloc : memref<!tpu.dma_semaphore, #tpu.memory_space<semaphore_mem>>
        %dma_start3A_22 = tpu.memref_slice %arg4[%add3A_11] : memref<320000xi32, #tpu.memory_space<hbm>> -> memref<80xi32, #tpu.memory_space<hbm>>
        %dma_start3A_23 = tpu.memref_slice %arg4[%add3A_11] : memref<320000xi32, #tpu.memory_space<hbm>> -> memref<80xi32, #tpu.memory_space<hbm>>
        tpu.enqueue_dma source(%dma_start3A_23 : memref<80xi32, #tpu.memory_space<hbm>>) target(%arg8 : memref<80xi32, #tpu.memory_space<vmem>>) target_semaphore(%run_scoped3A : memref<!tpu.dma_semaphore, #tpu.memory_space<semaphore_mem>>)
        %dma_wait3A_24 = tpu.memref_slice %arg4[%add3A_11] : memref<320000xi32, #tpu.memory_space<hbm>> -> memref<80xi32, #tpu.memory_space<hbm>>
        %dma_wait3A_25 = tpu.memref_slice %arg4[%add3A_11] : memref<320000xi32, #tpu.memory_space<hbm>> -> memref<80xi32, #tpu.memory_space<hbm>>
        tpu.wait_dma2 semaphore(%run_scoped3A : memref<!tpu.dma_semaphore, #tpu.memory_space<semaphore_mem>>) src(%dma_wait3A_25 : memref<80xi32, #tpu.memory_space<hbm>>) dst(%arg8 : memref<80xi32, #tpu.memory_space<vmem>>)
        tpu.yield
      }) : () -> ()
      %dma_start3A = arith.constant 0 : i32
      %dma_start3A_12 = arith.constant 0 : i32
      %dma_start3A_13 = tpu.memref_slice %arg2[%dma_start3A, %dma_start3A_12] : memref<10000x128xf32, #tpu.memory_space<hbm>> -> memref<10000x128xf32, #tpu.memory_space<hbm>>
      tpu.enqueue_indirect_dma source(%dma_start3A_13 : memref<10000x128xf32, #tpu.memory_space<hbm>>) target(%arg9 : memref<80x128xf32, #tpu.memory_space<vmem>>) offsets(%arg7 : memref<80xi32, #tpu.memory_space<vmem>>) semaphore(%arg11 : memref<!tpu.dma_semaphore, #tpu.memory_space<semaphore_mem>>)
      %dma_start3A_14 = arith.constant 0 : i32
      %dma_start3A_15 = arith.constant 0 : i32
      %dma_start3A_16 = tpu.memref_slice %arg2[%dma_start3A_14, %dma_start3A_15] : memref<10000x128xf32, #tpu.memory_space<hbm>> -> memref<10000x128xf32, #tpu.memory_space<hbm>>
      tpu.enqueue_indirect_dma source(%dma_start3A_16 : memref<10000x128xf32, #tpu.memory_space<hbm>>) target(%arg10 : memref<80x128xf32, #tpu.memory_space<vmem>>) offsets(%arg8 : memref<80xi32, #tpu.memory_space<vmem>>) semaphore(%arg12 : memref<!tpu.dma_semaphore, #tpu.memory_space<semaphore_mem>>)
      %dma_wait3A = arith.constant 0 : i32
      %dma_wait3A_17 = arith.constant 0 : i32
      %dma_wait3A_18 = tpu.memref_slice %arg2[%dma_wait3A, %dma_wait3A_17] : memref<10000x128xf32, #tpu.memory_space<hbm>> -> memref<10000x128xf32, #tpu.memory_space<hbm>>
      tpu.wait_indirect_dma semaphore(%arg11 : memref<!tpu.dma_semaphore, #tpu.memory_space<semaphore_mem>>) src(%dma_wait3A_18 : memref<10000x128xf32, #tpu.memory_space<hbm>>) dst(%arg9 : memref<80x128xf32, #tpu.memory_space<vmem>>)
      %dma_wait3A_19 = arith.constant 0 : i32
      %dma_wait3A_20 = arith.constant 0 : i32
      %dma_wait3A_21 = tpu.memref_slice %arg2[%dma_wait3A_19, %dma_wait3A_20] : memref<10000x128xf32, #tpu.memory_space<hbm>> -> memref<10000x128xf32, #tpu.memory_space<hbm>>
      tpu.wait_indirect_dma semaphore(%arg12 : memref<!tpu.dma_semaphore, #tpu.memory_space<semaphore_mem>>) src(%dma_wait3A_21 : memref<10000x128xf32, #tpu.memory_space<hbm>>) dst(%arg10 : memref<80x128xf32, #tpu.memory_space<vmem>>)
      "tpu.region"() ({
        %run_scoped3A = tpu.sem_alloc : memref<!tpu.dma_semaphore, #tpu.memory_space<semaphore_mem>>
        %dma_start3A_22 = arith.constant 0 : i32
        %dma_start3A_23 = tpu.memref_slice %arg5[%add3A_11, %dma_start3A_22] : memref<320000x128xf32, #tpu.memory_space<hbm>> -> memref<80x128xf32, #tpu.memory_space<hbm>>
        %dma_start3A_24 = arith.constant 0 : i32
        %dma_start3A_25 = tpu.memref_slice %arg5[%add3A_11, %dma_start3A_24] : memref<320000x128xf32, #tpu.memory_space<hbm>> -> memref<80x128xf32, #tpu.memory_space<hbm>>
        tpu.enqueue_dma source(%arg9 : memref<80x128xf32, #tpu.memory_space<vmem>>) target(%dma_start3A_25 : memref<80x128xf32, #tpu.memory_space<hbm>>) target_semaphore(%run_scoped3A : memref<!tpu.dma_semaphore, #tpu.memory_space<semaphore_mem>>)
        %dma_wait3A_26 = arith.constant 0 : i32
        %dma_wait3A_27 = tpu.memref_slice %arg5[%add3A_11, %dma_wait3A_26] : memref<320000x128xf32, #tpu.memory_space<hbm>> -> memref<80x128xf32, #tpu.memory_space<hbm>>
        %dma_wait3A_28 = arith.constant 0 : i32
        %dma_wait3A_29 = tpu.memref_slice %arg5[%add3A_11, %dma_wait3A_28] : memref<320000x128xf32, #tpu.memory_space<hbm>> -> memref<80x128xf32, #tpu.memory_space<hbm>>
        tpu.wait_dma2 semaphore(%run_scoped3A : memref<!tpu.dma_semaphore, #tpu.memory_space<semaphore_mem>>) src(%arg9 : memref<80x128xf32, #tpu.memory_space<vmem>>) dst(%dma_wait3A_29 : memref<80x128xf32, #tpu.memory_space<hbm>>)
        tpu.yield
      }) : () -> ()
      "tpu.region"() ({
        %run_scoped3A = tpu.sem_alloc : memref<!tpu.dma_semaphore, #tpu.memory_space<semaphore_mem>>
        %dma_start3A_22 = arith.constant 0 : i32
        %dma_start3A_23 = tpu.memref_slice %arg6[%add3A_11, %dma_start3A_22] : memref<320000x128xf32, #tpu.memory_space<hbm>> -> memref<80x128xf32, #tpu.memory_space<hbm>>
        %dma_start3A_24 = arith.constant 0 : i32
        %dma_start3A_25 = tpu.memref_slice %arg6[%add3A_11, %dma_start3A_24] : memref<320000x128xf32, #tpu.memory_space<hbm>> -> memref<80x128xf32, #tpu.memory_space<hbm>>
        tpu.enqueue_dma source(%arg10 : memref<80x128xf32, #tpu.memory_space<vmem>>) target(%dma_start3A_25 : memref<80x128xf32, #tpu.memory_space<hbm>>) target_semaphore(%run_scoped3A : memref<!tpu.dma_semaphore, #tpu.memory_space<semaphore_mem>>)
        %dma_wait3A_26 = arith.constant 0 : i32
        %dma_wait3A_27 = tpu.memref_slice %arg6[%add3A_11, %dma_wait3A_26] : memref<320000x128xf32, #tpu.memory_space<hbm>> -> memref<80x128xf32, #tpu.memory_space<hbm>>
        %dma_wait3A_28 = arith.constant 0 : i32
        %dma_wait3A_29 = tpu.memref_slice %arg6[%add3A_11, %dma_wait3A_28] : memref<320000x128xf32, #tpu.memory_space<hbm>> -> memref<80x128xf32, #tpu.memory_space<hbm>>
        tpu.wait_dma2 semaphore(%run_scoped3A : memref<!tpu.dma_semaphore, #tpu.memory_space<semaphore_mem>>) src(%arg10 : memref<80x128xf32, #tpu.memory_space<vmem>>) dst(%dma_wait3A_29 : memref<80x128xf32, #tpu.memory_space<hbm>>)
        tpu.yield
      }) : () -> ()
    }
    %scan3A_7 = arith.constant 125 : i32
    return
  }
}

#map = affine_map<(d0, d1) -> (0, 0)>
#map1 = affine_map<(d0, d1) -> (0)>
#map2 = affine_map<(d0, d1) -> (0, 0, 0)>
module attributes {stable_mosaic.version = 14 : i64} {
  func.func @k(%arg0: i32, %arg1: i32, %arg2: memref<320000x128xf32, #tpu.memory_space<hbm>>, %arg3: memref<320000x16xf32, #tpu.memory_space<hbm>>, %arg4: memref<320000xi32, #tpu.memory_space<hbm>>, %arg5: memref<125x128xf32, #tpu.memory_space<hbm>>, %arg6: memref<125x16xf32, #tpu.memory_space<hbm>>, %arg7: memref<2x10000x128xf32, #tpu.memory_space<hbm>>, %arg8: memref<2x10000x16xf32, #tpu.memory_space<hbm>>, %arg9: memref<80xi32, #tpu.memory_space<vmem>>, %arg10: memref<80x128xf32, #tpu.memory_space<vmem>>, %arg11: memref<125x128xf32, #tpu.memory_space<vmem>>, %arg12: memref<10000x128xf32, #tpu.memory_space<vmem_shared>>, %arg13: memref<80x16xf32, #tpu.memory_space<vmem>>, %arg14: memref<125x16xf32, #tpu.memory_space<vmem>>, %arg15: memref<10000x16xf32, #tpu.memory_space<vmem_shared>>) attributes {dimension_semantics = [#tpu.dimension_semantics<core_parallel>, #tpu.dimension_semantics<subcore_parallel>], iteration_bounds = array<i64: 2, 16>, scalar_prefetch = 0 : i64, scratch_operands = 7 : i64, tpu.core_type = #tpu.core_type<sc_vector_subcore>, window_params = [{transform_indices = #map}, {transform_indices = #map}, {transform_indices = #map1}, {transform_indices = #map}, {transform_indices = #map}, {transform_indices = #map2}, {transform_indices = #map2}]} {
    %mul3A = arith.constant 2 : i32
    %mul3A_0 = arith.muli %arg1, %mul3A : i32
    %add3A = arith.addi %mul3A_0, %arg0 : i32
    "tpu.region"() ({
      %run_scoped3A = tpu.sem_alloc : memref<!tpu.dma_semaphore, #tpu.memory_space<semaphore_mem>>
      tpu.enqueue_dma source(%arg5 : memref<125x128xf32, #tpu.memory_space<hbm>>) target(%arg11 : memref<125x128xf32, #tpu.memory_space<vmem>>) target_semaphore(%run_scoped3A : memref<!tpu.dma_semaphore, #tpu.memory_space<semaphore_mem>>)
      tpu.wait_dma2 semaphore(%run_scoped3A : memref<!tpu.dma_semaphore, #tpu.memory_space<semaphore_mem>>) src(%arg5 : memref<125x128xf32, #tpu.memory_space<hbm>>) dst(%arg11 : memref<125x128xf32, #tpu.memory_space<vmem>>)
      tpu.yield
    }) : () -> ()
    "tpu.region"() ({
      %run_scoped3A = tpu.sem_alloc : memref<!tpu.dma_semaphore, #tpu.memory_space<semaphore_mem>>
      tpu.enqueue_dma source(%arg6 : memref<125x16xf32, #tpu.memory_space<hbm>>) target(%arg14 : memref<125x16xf32, #tpu.memory_space<vmem>>) target_semaphore(%run_scoped3A : memref<!tpu.dma_semaphore, #tpu.memory_space<semaphore_mem>>)
      tpu.wait_dma2 semaphore(%run_scoped3A : memref<!tpu.dma_semaphore, #tpu.memory_space<semaphore_mem>>) src(%arg6 : memref<125x16xf32, #tpu.memory_space<hbm>>) dst(%arg14 : memref<125x16xf32, #tpu.memory_space<vmem>>)
      tpu.yield
    }) : () -> ()
    %mul3A_1 = arith.constant 625 : i32
    %mul3A_2 = arith.muli %arg1, %mul3A_1 : i32
    %add3A_3 = arith.constant 0 : i32
    %add3A_4 = arith.addi %mul3A_2, %add3A_3 : i32
    "tpu.region"() ({
      %run_scoped3A = tpu.sem_alloc : memref<!tpu.dma_semaphore, #tpu.memory_space<semaphore_mem>>
      %dma_start3A = arith.constant 0 : i32
      %dma_start3A_47 = tpu.memref_slice %arg12[%add3A_4, %dma_start3A] : memref<10000x128xf32, #tpu.memory_space<vmem_shared>> -> memref<125x128xf32, #tpu.memory_space<vmem_shared>>
      %dma_start3A_48 = arith.constant 0 : i32
      %dma_start3A_49 = tpu.memref_slice %arg12[%add3A_4, %dma_start3A_48] : memref<10000x128xf32, #tpu.memory_space<vmem_shared>> -> memref<125x128xf32, #tpu.memory_space<vmem_shared>>
      tpu.enqueue_dma source(%arg11 : memref<125x128xf32, #tpu.memory_space<vmem>>) target(%dma_start3A_49 : memref<125x128xf32, #tpu.memory_space<vmem_shared>>) target_semaphore(%run_scoped3A : memref<!tpu.dma_semaphore, #tpu.memory_space<semaphore_mem>>)
      %dma_wait3A = arith.constant 0 : i32
      %dma_wait3A_50 = tpu.memref_slice %arg12[%add3A_4, %dma_wait3A] : memref<10000x128xf32, #tpu.memory_space<vmem_shared>> -> memref<125x128xf32, #tpu.memory_space<vmem_shared>>
      %dma_wait3A_51 = arith.constant 0 : i32
      %dma_wait3A_52 = tpu.memref_slice %arg12[%add3A_4, %dma_wait3A_51] : memref<10000x128xf32, #tpu.memory_space<vmem_shared>> -> memref<125x128xf32, #tpu.memory_space<vmem_shared>>
      tpu.wait_dma2 semaphore(%run_scoped3A : memref<!tpu.dma_semaphore, #tpu.memory_space<semaphore_mem>>) src(%arg11 : memref<125x128xf32, #tpu.memory_space<vmem>>) dst(%dma_wait3A_52 : memref<125x128xf32, #tpu.memory_space<vmem_shared>>)
      tpu.yield
    }) : () -> ()
    "tpu.region"() ({
      %run_scoped3A = tpu.sem_alloc : memref<!tpu.dma_semaphore, #tpu.memory_space<semaphore_mem>>
      %dma_start3A = arith.constant 0 : i32
      %dma_start3A_47 = tpu.memref_slice %arg15[%add3A_4, %dma_start3A] : memref<10000x16xf32, #tpu.memory_space<vmem_shared>> -> memref<125x16xf32, #tpu.memory_space<vmem_shared>>
      %dma_start3A_48 = arith.constant 0 : i32
      %dma_start3A_49 = tpu.memref_slice %arg15[%add3A_4, %dma_start3A_48] : memref<10000x16xf32, #tpu.memory_space<vmem_shared>> -> memref<125x16xf32, #tpu.memory_space<vmem_shared>>
      tpu.enqueue_dma source(%arg14 : memref<125x16xf32, #tpu.memory_space<vmem>>) target(%dma_start3A_49 : memref<125x16xf32, #tpu.memory_space<vmem_shared>>) target_semaphore(%run_scoped3A : memref<!tpu.dma_semaphore, #tpu.memory_space<semaphore_mem>>)
      %dma_wait3A = arith.constant 0 : i32
      %dma_wait3A_50 = tpu.memref_slice %arg15[%add3A_4, %dma_wait3A] : memref<10000x16xf32, #tpu.memory_space<vmem_shared>> -> memref<125x16xf32, #tpu.memory_space<vmem_shared>>
      %dma_wait3A_51 = arith.constant 0 : i32
      %dma_wait3A_52 = tpu.memref_slice %arg15[%add3A_4, %dma_wait3A_51] : memref<10000x16xf32, #tpu.memory_space<vmem_shared>> -> memref<125x16xf32, #tpu.memory_space<vmem_shared>>
      tpu.wait_dma2 semaphore(%run_scoped3A : memref<!tpu.dma_semaphore, #tpu.memory_space<semaphore_mem>>) src(%arg14 : memref<125x16xf32, #tpu.memory_space<vmem>>) dst(%dma_wait3A_52 : memref<125x16xf32, #tpu.memory_space<vmem_shared>>)
      tpu.yield
    }) : () -> ()
    %mul3A_5 = arith.constant 625 : i32
    %mul3A_6 = arith.muli %arg1, %mul3A_5 : i32
    %add3A_7 = arith.constant 125 : i32
    %add3A_8 = arith.addi %mul3A_6, %add3A_7 : i32
    "tpu.region"() ({
      %run_scoped3A = tpu.sem_alloc : memref<!tpu.dma_semaphore, #tpu.memory_space<semaphore_mem>>
      %dma_start3A = arith.constant 0 : i32
      %dma_start3A_47 = tpu.memref_slice %arg12[%add3A_8, %dma_start3A] : memref<10000x128xf32, #tpu.memory_space<vmem_shared>> -> memref<125x128xf32, #tpu.memory_space<vmem_shared>>
      %dma_start3A_48 = arith.constant 0 : i32
      %dma_start3A_49 = tpu.memref_slice %arg12[%add3A_8, %dma_start3A_48] : memref<10000x128xf32, #tpu.memory_space<vmem_shared>> -> memref<125x128xf32, #tpu.memory_space<vmem_shared>>
      tpu.enqueue_dma source(%arg11 : memref<125x128xf32, #tpu.memory_space<vmem>>) target(%dma_start3A_49 : memref<125x128xf32, #tpu.memory_space<vmem_shared>>) target_semaphore(%run_scoped3A : memref<!tpu.dma_semaphore, #tpu.memory_space<semaphore_mem>>)
      %dma_wait3A = arith.constant 0 : i32
      %dma_wait3A_50 = tpu.memref_slice %arg12[%add3A_8, %dma_wait3A] : memref<10000x128xf32, #tpu.memory_space<vmem_shared>> -> memref<125x128xf32, #tpu.memory_space<vmem_shared>>
      %dma_wait3A_51 = arith.constant 0 : i32
      %dma_wait3A_52 = tpu.memref_slice %arg12[%add3A_8, %dma_wait3A_51] : memref<10000x128xf32, #tpu.memory_space<vmem_shared>> -> memref<125x128xf32, #tpu.memory_space<vmem_shared>>
      tpu.wait_dma2 semaphore(%run_scoped3A : memref<!tpu.dma_semaphore, #tpu.memory_space<semaphore_mem>>) src(%arg11 : memref<125x128xf32, #tpu.memory_space<vmem>>) dst(%dma_wait3A_52 : memref<125x128xf32, #tpu.memory_space<vmem_shared>>)
      tpu.yield
    }) : () -> ()
    "tpu.region"() ({
      %run_scoped3A = tpu.sem_alloc : memref<!tpu.dma_semaphore, #tpu.memory_space<semaphore_mem>>
      %dma_start3A = arith.constant 0 : i32
      %dma_start3A_47 = tpu.memref_slice %arg15[%add3A_8, %dma_start3A] : memref<10000x16xf32, #tpu.memory_space<vmem_shared>> -> memref<125x16xf32, #tpu.memory_space<vmem_shared>>
      %dma_start3A_48 = arith.constant 0 : i32
      %dma_start3A_49 = tpu.memref_slice %arg15[%add3A_8, %dma_start3A_48] : memref<10000x16xf32, #tpu.memory_space<vmem_shared>> -> memref<125x16xf32, #tpu.memory_space<vmem_shared>>
      tpu.enqueue_dma source(%arg14 : memref<125x16xf32, #tpu.memory_space<vmem>>) target(%dma_start3A_49 : memref<125x16xf32, #tpu.memory_space<vmem_shared>>) target_semaphore(%run_scoped3A : memref<!tpu.dma_semaphore, #tpu.memory_space<semaphore_mem>>)
      %dma_wait3A = arith.constant 0 : i32
      %dma_wait3A_50 = tpu.memref_slice %arg15[%add3A_8, %dma_wait3A] : memref<10000x16xf32, #tpu.memory_space<vmem_shared>> -> memref<125x16xf32, #tpu.memory_space<vmem_shared>>
      %dma_wait3A_51 = arith.constant 0 : i32
      %dma_wait3A_52 = tpu.memref_slice %arg15[%add3A_8, %dma_wait3A_51] : memref<10000x16xf32, #tpu.memory_space<vmem_shared>> -> memref<125x16xf32, #tpu.memory_space<vmem_shared>>
      tpu.wait_dma2 semaphore(%run_scoped3A : memref<!tpu.dma_semaphore, #tpu.memory_space<semaphore_mem>>) src(%arg14 : memref<125x16xf32, #tpu.memory_space<vmem>>) dst(%dma_wait3A_52 : memref<125x16xf32, #tpu.memory_space<vmem_shared>>)
      tpu.yield
    }) : () -> ()
    %mul3A_9 = arith.constant 625 : i32
    %mul3A_10 = arith.muli %arg1, %mul3A_9 : i32
    %add3A_11 = arith.constant 250 : i32
    %add3A_12 = arith.addi %mul3A_10, %add3A_11 : i32
    "tpu.region"() ({
      %run_scoped3A = tpu.sem_alloc : memref<!tpu.dma_semaphore, #tpu.memory_space<semaphore_mem>>
      %dma_start3A = arith.constant 0 : i32
      %dma_start3A_47 = tpu.memref_slice %arg12[%add3A_12, %dma_start3A] : memref<10000x128xf32, #tpu.memory_space<vmem_shared>> -> memref<125x128xf32, #tpu.memory_space<vmem_shared>>
      %dma_start3A_48 = arith.constant 0 : i32
      %dma_start3A_49 = tpu.memref_slice %arg12[%add3A_12, %dma_start3A_48] : memref<10000x128xf32, #tpu.memory_space<vmem_shared>> -> memref<125x128xf32, #tpu.memory_space<vmem_shared>>
      tpu.enqueue_dma source(%arg11 : memref<125x128xf32, #tpu.memory_space<vmem>>) target(%dma_start3A_49 : memref<125x128xf32, #tpu.memory_space<vmem_shared>>) target_semaphore(%run_scoped3A : memref<!tpu.dma_semaphore, #tpu.memory_space<semaphore_mem>>)
      %dma_wait3A = arith.constant 0 : i32
      %dma_wait3A_50 = tpu.memref_slice %arg12[%add3A_12, %dma_wait3A] : memref<10000x128xf32, #tpu.memory_space<vmem_shared>> -> memref<125x128xf32, #tpu.memory_space<vmem_shared>>
      %dma_wait3A_51 = arith.constant 0 : i32
      %dma_wait3A_52 = tpu.memref_slice %arg12[%add3A_12, %dma_wait3A_51] : memref<10000x128xf32, #tpu.memory_space<vmem_shared>> -> memref<125x128xf32, #tpu.memory_space<vmem_shared>>
      tpu.wait_dma2 semaphore(%run_scoped3A : memref<!tpu.dma_semaphore, #tpu.memory_space<semaphore_mem>>) src(%arg11 : memref<125x128xf32, #tpu.memory_space<vmem>>) dst(%dma_wait3A_52 : memref<125x128xf32, #tpu.memory_space<vmem_shared>>)
      tpu.yield
    }) : () -> ()
    "tpu.region"() ({
      %run_scoped3A = tpu.sem_alloc : memref<!tpu.dma_semaphore, #tpu.memory_space<semaphore_mem>>
      %dma_start3A = arith.constant 0 : i32
      %dma_start3A_47 = tpu.memref_slice %arg15[%add3A_12, %dma_start3A] : memref<10000x16xf32, #tpu.memory_space<vmem_shared>> -> memref<125x16xf32, #tpu.memory_space<vmem_shared>>
      %dma_start3A_48 = arith.constant 0 : i32
      %dma_start3A_49 = tpu.memref_slice %arg15[%add3A_12, %dma_start3A_48] : memref<10000x16xf32, #tpu.memory_space<vmem_shared>> -> memref<125x16xf32, #tpu.memory_space<vmem_shared>>
      tpu.enqueue_dma source(%arg14 : memref<125x16xf32, #tpu.memory_space<vmem>>) target(%dma_start3A_49 : memref<125x16xf32, #tpu.memory_space<vmem_shared>>) target_semaphore(%run_scoped3A : memref<!tpu.dma_semaphore, #tpu.memory_space<semaphore_mem>>)
      %dma_wait3A = arith.constant 0 : i32
      %dma_wait3A_50 = tpu.memref_slice %arg15[%add3A_12, %dma_wait3A] : memref<10000x16xf32, #tpu.memory_space<vmem_shared>> -> memref<125x16xf32, #tpu.memory_space<vmem_shared>>
      %dma_wait3A_51 = arith.constant 0 : i32
      %dma_wait3A_52 = tpu.memref_slice %arg15[%add3A_12, %dma_wait3A_51] : memref<10000x16xf32, #tpu.memory_space<vmem_shared>> -> memref<125x16xf32, #tpu.memory_space<vmem_shared>>
      tpu.wait_dma2 semaphore(%run_scoped3A : memref<!tpu.dma_semaphore, #tpu.memory_space<semaphore_mem>>) src(%arg14 : memref<125x16xf32, #tpu.memory_space<vmem>>) dst(%dma_wait3A_52 : memref<125x16xf32, #tpu.memory_space<vmem_shared>>)
      tpu.yield
    }) : () -> ()
    %mul3A_13 = arith.constant 625 : i32
    %mul3A_14 = arith.muli %arg1, %mul3A_13 : i32
    %add3A_15 = arith.constant 375 : i32
    %add3A_16 = arith.addi %mul3A_14, %add3A_15 : i32
    "tpu.region"() ({
      %run_scoped3A = tpu.sem_alloc : memref<!tpu.dma_semaphore, #tpu.memory_space<semaphore_mem>>
      %dma_start3A = arith.constant 0 : i32
      %dma_start3A_47 = tpu.memref_slice %arg12[%add3A_16, %dma_start3A] : memref<10000x128xf32, #tpu.memory_space<vmem_shared>> -> memref<125x128xf32, #tpu.memory_space<vmem_shared>>
      %dma_start3A_48 = arith.constant 0 : i32
      %dma_start3A_49 = tpu.memref_slice %arg12[%add3A_16, %dma_start3A_48] : memref<10000x128xf32, #tpu.memory_space<vmem_shared>> -> memref<125x128xf32, #tpu.memory_space<vmem_shared>>
      tpu.enqueue_dma source(%arg11 : memref<125x128xf32, #tpu.memory_space<vmem>>) target(%dma_start3A_49 : memref<125x128xf32, #tpu.memory_space<vmem_shared>>) target_semaphore(%run_scoped3A : memref<!tpu.dma_semaphore, #tpu.memory_space<semaphore_mem>>)
      %dma_wait3A = arith.constant 0 : i32
      %dma_wait3A_50 = tpu.memref_slice %arg12[%add3A_16, %dma_wait3A] : memref<10000x128xf32, #tpu.memory_space<vmem_shared>> -> memref<125x128xf32, #tpu.memory_space<vmem_shared>>
      %dma_wait3A_51 = arith.constant 0 : i32
      %dma_wait3A_52 = tpu.memref_slice %arg12[%add3A_16, %dma_wait3A_51] : memref<10000x128xf32, #tpu.memory_space<vmem_shared>> -> memref<125x128xf32, #tpu.memory_space<vmem_shared>>
      tpu.wait_dma2 semaphore(%run_scoped3A : memref<!tpu.dma_semaphore, #tpu.memory_space<semaphore_mem>>) src(%arg11 : memref<125x128xf32, #tpu.memory_space<vmem>>) dst(%dma_wait3A_52 : memref<125x128xf32, #tpu.memory_space<vmem_shared>>)
      tpu.yield
    }) : () -> ()
    "tpu.region"() ({
      %run_scoped3A = tpu.sem_alloc : memref<!tpu.dma_semaphore, #tpu.memory_space<semaphore_mem>>
      %dma_start3A = arith.constant 0 : i32
      %dma_start3A_47 = tpu.memref_slice %arg15[%add3A_16, %dma_start3A] : memref<10000x16xf32, #tpu.memory_space<vmem_shared>> -> memref<125x16xf32, #tpu.memory_space<vmem_shared>>
      %dma_start3A_48 = arith.constant 0 : i32
      %dma_start3A_49 = tpu.memref_slice %arg15[%add3A_16, %dma_start3A_48] : memref<10000x16xf32, #tpu.memory_space<vmem_shared>> -> memref<125x16xf32, #tpu.memory_space<vmem_shared>>
      tpu.enqueue_dma source(%arg14 : memref<125x16xf32, #tpu.memory_space<vmem>>) target(%dma_start3A_49 : memref<125x16xf32, #tpu.memory_space<vmem_shared>>) target_semaphore(%run_scoped3A : memref<!tpu.dma_semaphore, #tpu.memory_space<semaphore_mem>>)
      %dma_wait3A = arith.constant 0 : i32
      %dma_wait3A_50 = tpu.memref_slice %arg15[%add3A_16, %dma_wait3A] : memref<10000x16xf32, #tpu.memory_space<vmem_shared>> -> memref<125x16xf32, #tpu.memory_space<vmem_shared>>
      %dma_wait3A_51 = arith.constant 0 : i32
      %dma_wait3A_52 = tpu.memref_slice %arg15[%add3A_16, %dma_wait3A_51] : memref<10000x16xf32, #tpu.memory_space<vmem_shared>> -> memref<125x16xf32, #tpu.memory_space<vmem_shared>>
      tpu.wait_dma2 semaphore(%run_scoped3A : memref<!tpu.dma_semaphore, #tpu.memory_space<semaphore_mem>>) src(%arg14 : memref<125x16xf32, #tpu.memory_space<vmem>>) dst(%dma_wait3A_52 : memref<125x16xf32, #tpu.memory_space<vmem_shared>>)
      tpu.yield
    }) : () -> ()
    %mul3A_17 = arith.constant 625 : i32
    %mul3A_18 = arith.muli %arg1, %mul3A_17 : i32
    %add3A_19 = arith.constant 500 : i32
    %add3A_20 = arith.addi %mul3A_18, %add3A_19 : i32
    "tpu.region"() ({
      %run_scoped3A = tpu.sem_alloc : memref<!tpu.dma_semaphore, #tpu.memory_space<semaphore_mem>>
      %dma_start3A = arith.constant 0 : i32
      %dma_start3A_47 = tpu.memref_slice %arg12[%add3A_20, %dma_start3A] : memref<10000x128xf32, #tpu.memory_space<vmem_shared>> -> memref<125x128xf32, #tpu.memory_space<vmem_shared>>
      %dma_start3A_48 = arith.constant 0 : i32
      %dma_start3A_49 = tpu.memref_slice %arg12[%add3A_20, %dma_start3A_48] : memref<10000x128xf32, #tpu.memory_space<vmem_shared>> -> memref<125x128xf32, #tpu.memory_space<vmem_shared>>
      tpu.enqueue_dma source(%arg11 : memref<125x128xf32, #tpu.memory_space<vmem>>) target(%dma_start3A_49 : memref<125x128xf32, #tpu.memory_space<vmem_shared>>) target_semaphore(%run_scoped3A : memref<!tpu.dma_semaphore, #tpu.memory_space<semaphore_mem>>)
      %dma_wait3A = arith.constant 0 : i32
      %dma_wait3A_50 = tpu.memref_slice %arg12[%add3A_20, %dma_wait3A] : memref<10000x128xf32, #tpu.memory_space<vmem_shared>> -> memref<125x128xf32, #tpu.memory_space<vmem_shared>>
      %dma_wait3A_51 = arith.constant 0 : i32
      %dma_wait3A_52 = tpu.memref_slice %arg12[%add3A_20, %dma_wait3A_51] : memref<10000x128xf32, #tpu.memory_space<vmem_shared>> -> memref<125x128xf32, #tpu.memory_space<vmem_shared>>
      tpu.wait_dma2 semaphore(%run_scoped3A : memref<!tpu.dma_semaphore, #tpu.memory_space<semaphore_mem>>) src(%arg11 : memref<125x128xf32, #tpu.memory_space<vmem>>) dst(%dma_wait3A_52 : memref<125x128xf32, #tpu.memory_space<vmem_shared>>)
      tpu.yield
    }) : () -> ()
    "tpu.region"() ({
      %run_scoped3A = tpu.sem_alloc : memref<!tpu.dma_semaphore, #tpu.memory_space<semaphore_mem>>
      %dma_start3A = arith.constant 0 : i32
      %dma_start3A_47 = tpu.memref_slice %arg15[%add3A_20, %dma_start3A] : memref<10000x16xf32, #tpu.memory_space<vmem_shared>> -> memref<125x16xf32, #tpu.memory_space<vmem_shared>>
      %dma_start3A_48 = arith.constant 0 : i32
      %dma_start3A_49 = tpu.memref_slice %arg15[%add3A_20, %dma_start3A_48] : memref<10000x16xf32, #tpu.memory_space<vmem_shared>> -> memref<125x16xf32, #tpu.memory_space<vmem_shared>>
      tpu.enqueue_dma source(%arg14 : memref<125x16xf32, #tpu.memory_space<vmem>>) target(%dma_start3A_49 : memref<125x16xf32, #tpu.memory_space<vmem_shared>>) target_semaphore(%run_scoped3A : memref<!tpu.dma_semaphore, #tpu.memory_space<semaphore_mem>>)
      %dma_wait3A = arith.constant 0 : i32
      %dma_wait3A_50 = tpu.memref_slice %arg15[%add3A_20, %dma_wait3A] : memref<10000x16xf32, #tpu.memory_space<vmem_shared>> -> memref<125x16xf32, #tpu.memory_space<vmem_shared>>
      %dma_wait3A_51 = arith.constant 0 : i32
      %dma_wait3A_52 = tpu.memref_slice %arg15[%add3A_20, %dma_wait3A_51] : memref<10000x16xf32, #tpu.memory_space<vmem_shared>> -> memref<125x16xf32, #tpu.memory_space<vmem_shared>>
      tpu.wait_dma2 semaphore(%run_scoped3A : memref<!tpu.dma_semaphore, #tpu.memory_space<semaphore_mem>>) src(%arg14 : memref<125x16xf32, #tpu.memory_space<vmem>>) dst(%dma_wait3A_52 : memref<125x16xf32, #tpu.memory_space<vmem_shared>>)
      tpu.yield
    }) : () -> ()
    %barrier3A = arith.constant 0 : index
    tpu.barrier barrier_id(%barrier3A)
    %scan3A = arith.constant 0 : i32
    %scan3A_21 = arith.constant 0 : i32
    %scan3A_22 = arith.constant 125 : i32
    %scan3A_23 = arith.addi %scan3A_21, %scan3A_22 : i32
    %scan3A_24 = arith.constant 1 : i32
    scf.for %scan3A_47 = %scan3A_21 to %scan3A_23 step %scan3A_24  : i32 {
      %mul3A_48 = arith.constant 10000 : i32
      %mul3A_49 = arith.muli %add3A, %mul3A_48 : i32
      %mul3A_50 = arith.constant 80 : i32
      %mul3A_51 = arith.muli %scan3A_47, %mul3A_50 : i32
      %add3A_52 = arith.addi %mul3A_49, %mul3A_51 : i32
      "tpu.region"() ({
        %run_scoped3A = tpu.sem_alloc : memref<!tpu.dma_semaphore, #tpu.memory_space<semaphore_mem>>
        %dma_start3A = tpu.memref_slice %arg4[%add3A_52] : memref<320000xi32, #tpu.memory_space<hbm>> -> memref<80xi32, #tpu.memory_space<hbm>>
        %dma_start3A_53 = tpu.memref_slice %arg4[%add3A_52] : memref<320000xi32, #tpu.memory_space<hbm>> -> memref<80xi32, #tpu.memory_space<hbm>>
        tpu.enqueue_dma source(%dma_start3A_53 : memref<80xi32, #tpu.memory_space<hbm>>) target(%arg9 : memref<80xi32, #tpu.memory_space<vmem>>) target_semaphore(%run_scoped3A : memref<!tpu.dma_semaphore, #tpu.memory_space<semaphore_mem>>)
        %dma_wait3A = tpu.memref_slice %arg4[%add3A_52] : memref<320000xi32, #tpu.memory_space<hbm>> -> memref<80xi32, #tpu.memory_space<hbm>>
        %dma_wait3A_54 = tpu.memref_slice %arg4[%add3A_52] : memref<320000xi32, #tpu.memory_space<hbm>> -> memref<80xi32, #tpu.memory_space<hbm>>
        tpu.wait_dma2 semaphore(%run_scoped3A : memref<!tpu.dma_semaphore, #tpu.memory_space<semaphore_mem>>) src(%dma_wait3A_54 : memref<80xi32, #tpu.memory_space<hbm>>) dst(%arg9 : memref<80xi32, #tpu.memory_space<vmem>>)
        tpu.yield
      }) : () -> ()
      "tpu.region"() ({
        %run_scoped3A = tpu.sem_alloc : memref<!tpu.dma_semaphore, #tpu.memory_space<semaphore_mem>>
        %dma_start3A = arith.constant 0 : i32
        %dma_start3A_53 = tpu.memref_slice %arg2[%add3A_52, %dma_start3A] : memref<320000x128xf32, #tpu.memory_space<hbm>> -> memref<80x128xf32, #tpu.memory_space<hbm>>
        %dma_start3A_54 = arith.constant 0 : i32
        %dma_start3A_55 = tpu.memref_slice %arg2[%add3A_52, %dma_start3A_54] : memref<320000x128xf32, #tpu.memory_space<hbm>> -> memref<80x128xf32, #tpu.memory_space<hbm>>
        tpu.enqueue_dma source(%dma_start3A_55 : memref<80x128xf32, #tpu.memory_space<hbm>>) target(%arg10 : memref<80x128xf32, #tpu.memory_space<vmem>>) target_semaphore(%run_scoped3A : memref<!tpu.dma_semaphore, #tpu.memory_space<semaphore_mem>>)
        %dma_wait3A = arith.constant 0 : i32
        %dma_wait3A_56 = tpu.memref_slice %arg2[%add3A_52, %dma_wait3A] : memref<320000x128xf32, #tpu.memory_space<hbm>> -> memref<80x128xf32, #tpu.memory_space<hbm>>
        %dma_wait3A_57 = arith.constant 0 : i32
        %dma_wait3A_58 = tpu.memref_slice %arg2[%add3A_52, %dma_wait3A_57] : memref<320000x128xf32, #tpu.memory_space<hbm>> -> memref<80x128xf32, #tpu.memory_space<hbm>>
        tpu.wait_dma2 semaphore(%run_scoped3A : memref<!tpu.dma_semaphore, #tpu.memory_space<semaphore_mem>>) src(%dma_wait3A_58 : memref<80x128xf32, #tpu.memory_space<hbm>>) dst(%arg10 : memref<80x128xf32, #tpu.memory_space<vmem>>)
        tpu.yield
      }) : () -> ()
      "tpu.region"() ({
        %run_scoped3A = tpu.sem_alloc : memref<!tpu.dma_semaphore, #tpu.memory_space<semaphore_mem>>
        %dma_start3A = arith.constant 0 : i32
        %dma_start3A_53 = arith.constant 0 : i32
        %dma_start3A_54 = tpu.memref_slice %arg12[%dma_start3A, %dma_start3A_53] : memref<10000x128xf32, #tpu.memory_space<vmem_shared>> -> memref<10000x128xf32, #tpu.memory_space<vmem_shared>>
        tpu.enqueue_indirect_dma source(%arg10 : memref<80x128xf32, #tpu.memory_space<vmem>>) target(%dma_start3A_54 : memref<10000x128xf32, #tpu.memory_space<vmem_shared>>) offsets(%arg9 : memref<80xi32, #tpu.memory_space<vmem>>) semaphore(%run_scoped3A : memref<!tpu.dma_semaphore, #tpu.memory_space<semaphore_mem>>) {add = true}
        %dma_wait3A = arith.constant 0 : i32
        %dma_wait3A_55 = arith.constant 0 : i32
        %dma_wait3A_56 = tpu.memref_slice %arg12[%dma_wait3A, %dma_wait3A_55] : memref<10000x128xf32, #tpu.memory_space<vmem_shared>> -> memref<10000x128xf32, #tpu.memory_space<vmem_shared>>
        tpu.wait_indirect_dma semaphore(%run_scoped3A : memref<!tpu.dma_semaphore, #tpu.memory_space<semaphore_mem>>) src(%arg10 : memref<80x128xf32, #tpu.memory_space<vmem>>) dst(%dma_wait3A_56 : memref<10000x128xf32, #tpu.memory_space<vmem_shared>>)
        tpu.yield
      }) : () -> ()
      "tpu.region"() ({
        %run_scoped3A = tpu.sem_alloc : memref<!tpu.dma_semaphore, #tpu.memory_space<semaphore_mem>>
        %dma_start3A = arith.constant 0 : i32
        %dma_start3A_53 = tpu.memref_slice %arg3[%add3A_52, %dma_start3A] : memref<320000x16xf32, #tpu.memory_space<hbm>> -> memref<80x16xf32, #tpu.memory_space<hbm>>
        %dma_start3A_54 = arith.constant 0 : i32
        %dma_start3A_55 = tpu.memref_slice %arg3[%add3A_52, %dma_start3A_54] : memref<320000x16xf32, #tpu.memory_space<hbm>> -> memref<80x16xf32, #tpu.memory_space<hbm>>
        tpu.enqueue_dma source(%dma_start3A_55 : memref<80x16xf32, #tpu.memory_space<hbm>>) target(%arg13 : memref<80x16xf32, #tpu.memory_space<vmem>>) target_semaphore(%run_scoped3A : memref<!tpu.dma_semaphore, #tpu.memory_space<semaphore_mem>>)
        %dma_wait3A = arith.constant 0 : i32
        %dma_wait3A_56 = tpu.memref_slice %arg3[%add3A_52, %dma_wait3A] : memref<320000x16xf32, #tpu.memory_space<hbm>> -> memref<80x16xf32, #tpu.memory_space<hbm>>
        %dma_wait3A_57 = arith.constant 0 : i32
        %dma_wait3A_58 = tpu.memref_slice %arg3[%add3A_52, %dma_wait3A_57] : memref<320000x16xf32, #tpu.memory_space<hbm>> -> memref<80x16xf32, #tpu.memory_space<hbm>>
        tpu.wait_dma2 semaphore(%run_scoped3A : memref<!tpu.dma_semaphore, #tpu.memory_space<semaphore_mem>>) src(%dma_wait3A_58 : memref<80x16xf32, #tpu.memory_space<hbm>>) dst(%arg13 : memref<80x16xf32, #tpu.memory_space<vmem>>)
        tpu.yield
      }) : () -> ()
      "tpu.region"() ({
        %run_scoped3A = tpu.sem_alloc : memref<!tpu.dma_semaphore, #tpu.memory_space<semaphore_mem>>
        %dma_start3A = arith.constant 0 : i32
        %dma_start3A_53 = arith.constant 0 : i32
        %dma_start3A_54 = tpu.memref_slice %arg15[%dma_start3A, %dma_start3A_53] : memref<10000x16xf32, #tpu.memory_space<vmem_shared>> -> memref<10000x16xf32, #tpu.memory_space<vmem_shared>>
        tpu.enqueue_indirect_dma source(%arg13 : memref<80x16xf32, #tpu.memory_space<vmem>>) target(%dma_start3A_54 : memref<10000x16xf32, #tpu.memory_space<vmem_shared>>) offsets(%arg9 : memref<80xi32, #tpu.memory_space<vmem>>) semaphore(%run_scoped3A : memref<!tpu.dma_semaphore, #tpu.memory_space<semaphore_mem>>) {add = true}
        %dma_wait3A = arith.constant 0 : i32
        %dma_wait3A_55 = arith.constant 0 : i32
        %dma_wait3A_56 = tpu.memref_slice %arg15[%dma_wait3A, %dma_wait3A_55] : memref<10000x16xf32, #tpu.memory_space<vmem_shared>> -> memref<10000x16xf32, #tpu.memory_space<vmem_shared>>
        tpu.wait_indirect_dma semaphore(%run_scoped3A : memref<!tpu.dma_semaphore, #tpu.memory_space<semaphore_mem>>) src(%arg13 : memref<80x16xf32, #tpu.memory_space<vmem>>) dst(%dma_wait3A_56 : memref<10000x16xf32, #tpu.memory_space<vmem_shared>>)
        tpu.yield
      }) : () -> ()
    }
    %scan3A_25 = arith.constant 125 : i32
    %barrier3A_26 = arith.constant 0 : index
    tpu.barrier barrier_id(%barrier3A_26)
    %mul3A_27 = arith.constant 625 : i32
    %mul3A_28 = arith.muli %arg1, %mul3A_27 : i32
    %add3A_29 = arith.constant 0 : i32
    %add3A_30 = arith.addi %mul3A_28, %add3A_29 : i32
    "tpu.region"() ({
      %run_scoped3A = tpu.sem_alloc : memref<!tpu.dma_semaphore, #tpu.memory_space<semaphore_mem>>
      %dma_start3A = arith.constant 0 : i32
      %dma_start3A_47 = tpu.memref_slice %arg12[%add3A_30, %dma_start3A] : memref<10000x128xf32, #tpu.memory_space<vmem_shared>> -> memref<125x128xf32, #tpu.memory_space<vmem_shared>>
      %dma_start3A_48 = arith.constant 0 : i32
      %dma_start3A_49 = tpu.memref_slice %arg12[%add3A_30, %dma_start3A_48] : memref<10000x128xf32, #tpu.memory_space<vmem_shared>> -> memref<125x128xf32, #tpu.memory_space<vmem_shared>>
      tpu.enqueue_dma source(%dma_start3A_49 : memref<125x128xf32, #tpu.memory_space<vmem_shared>>) target(%arg11 : memref<125x128xf32, #tpu.memory_space<vmem>>) target_semaphore(%run_scoped3A : memref<!tpu.dma_semaphore, #tpu.memory_space<semaphore_mem>>)
      %dma_wait3A = arith.constant 0 : i32
      %dma_wait3A_50 = tpu.memref_slice %arg12[%add3A_30, %dma_wait3A] : memref<10000x128xf32, #tpu.memory_space<vmem_shared>> -> memref<125x128xf32, #tpu.memory_space<vmem_shared>>
      %dma_wait3A_51 = arith.constant 0 : i32
      %dma_wait3A_52 = tpu.memref_slice %arg12[%add3A_30, %dma_wait3A_51] : memref<10000x128xf32, #tpu.memory_space<vmem_shared>> -> memref<125x128xf32, #tpu.memory_space<vmem_shared>>
      tpu.wait_dma2 semaphore(%run_scoped3A : memref<!tpu.dma_semaphore, #tpu.memory_space<semaphore_mem>>) src(%dma_wait3A_52 : memref<125x128xf32, #tpu.memory_space<vmem_shared>>) dst(%arg11 : memref<125x128xf32, #tpu.memory_space<vmem>>)
      tpu.yield
    }) : () -> ()
    "tpu.region"() ({
      %run_scoped3A = tpu.sem_alloc : memref<!tpu.dma_semaphore, #tpu.memory_space<semaphore_mem>>
      %dma_start3A = arith.constant 0 : i32
      %dma_start3A_47 = arith.constant 0 : i32
      %dma_start3A_48 = tpu.memref_slice %arg7[%arg0, %dma_start3A, %dma_start3A_47] : memref<2x10000x128xf32, #tpu.memory_space<hbm>> -> memref<1x10000x128xf32, #tpu.memory_space<hbm>>
      %dma_start3A_49 = tpu.memref_squeeze %dma_start3A_48 : memref<1x10000x128xf32, #tpu.memory_space<hbm>> -> memref<10000x128xf32, #tpu.memory_space<hbm>>
      %dma_start3A_50 = arith.constant 0 : i32
      %dma_start3A_51 = tpu.memref_slice %dma_start3A_49[%add3A_30, %dma_start3A_50] : memref<10000x128xf32, #tpu.memory_space<hbm>> -> memref<125x128xf32, #tpu.memory_space<hbm>>
      %dma_start3A_52 = arith.constant 0 : i32
      %dma_start3A_53 = arith.constant 0 : i32
      %dma_start3A_54 = tpu.memref_slice %arg7[%arg0, %dma_start3A_52, %dma_start3A_53] : memref<2x10000x128xf32, #tpu.memory_space<hbm>> -> memref<1x10000x128xf32, #tpu.memory_space<hbm>>
      %dma_start3A_55 = tpu.memref_squeeze %dma_start3A_54 : memref<1x10000x128xf32, #tpu.memory_space<hbm>> -> memref<10000x128xf32, #tpu.memory_space<hbm>>
      %dma_start3A_56 = arith.constant 0 : i32
      %dma_start3A_57 = tpu.memref_slice %dma_start3A_55[%add3A_30, %dma_start3A_56] : memref<10000x128xf32, #tpu.memory_space<hbm>> -> memref<125x128xf32, #tpu.memory_space<hbm>>
      tpu.enqueue_dma source(%arg11 : memref<125x128xf32, #tpu.memory_space<vmem>>) target(%dma_start3A_57 : memref<125x128xf32, #tpu.memory_space<hbm>>) target_semaphore(%run_scoped3A : memref<!tpu.dma_semaphore, #tpu.memory_space<semaphore_mem>>)
      %dma_wait3A = arith.constant 0 : i32
      %dma_wait3A_58 = arith.constant 0 : i32
      %dma_wait3A_59 = tpu.memref_slice %arg7[%arg0, %dma_wait3A, %dma_wait3A_58] : memref<2x10000x128xf32, #tpu.memory_space<hbm>> -> memref<1x10000x128xf32, #tpu.memory_space<hbm>>
      %dma_wait3A_60 = tpu.memref_squeeze %dma_wait3A_59 : memref<1x10000x128xf32, #tpu.memory_space<hbm>> -> memref<10000x128xf32, #tpu.memory_space<hbm>>
      %dma_wait3A_61 = arith.constant 0 : i32
      %dma_wait3A_62 = tpu.memref_slice %dma_wait3A_60[%add3A_30, %dma_wait3A_61] : memref<10000x128xf32, #tpu.memory_space<hbm>> -> memref<125x128xf32, #tpu.memory_space<hbm>>
      %dma_wait3A_63 = arith.constant 0 : i32
      %dma_wait3A_64 = arith.constant 0 : i32
      %dma_wait3A_65 = tpu.memref_slice %arg7[%arg0, %dma_wait3A_63, %dma_wait3A_64] : memref<2x10000x128xf32, #tpu.memory_space<hbm>> -> memref<1x10000x128xf32, #tpu.memory_space<hbm>>
      %dma_wait3A_66 = tpu.memref_squeeze %dma_wait3A_65 : memref<1x10000x128xf32, #tpu.memory_space<hbm>> -> memref<10000x128xf32, #tpu.memory_space<hbm>>
      %dma_wait3A_67 = arith.constant 0 : i32
      %dma_wait3A_68 = tpu.memref_slice %dma_wait3A_66[%add3A_30, %dma_wait3A_67] : memref<10000x128xf32, #tpu.memory_space<hbm>> -> memref<125x128xf32, #tpu.memory_space<hbm>>
      tpu.wait_dma2 semaphore(%run_scoped3A : memref<!tpu.dma_semaphore, #tpu.memory_space<semaphore_mem>>) src(%arg11 : memref<125x128xf32, #tpu.memory_space<vmem>>) dst(%dma_wait3A_68 : memref<125x128xf32, #tpu.memory_space<hbm>>)
      tpu.yield
    }) : () -> ()
    "tpu.region"() ({
      %run_scoped3A = tpu.sem_alloc : memref<!tpu.dma_semaphore, #tpu.memory_space<semaphore_mem>>
      %dma_start3A = arith.constant 0 : i32
      %dma_start3A_47 = tpu.memref_slice %arg15[%add3A_30, %dma_start3A] : memref<10000x16xf32, #tpu.memory_space<vmem_shared>> -> memref<125x16xf32, #tpu.memory_space<vmem_shared>>
      %dma_start3A_48 = arith.constant 0 : i32
      %dma_start3A_49 = tpu.memref_slice %arg15[%add3A_30, %dma_start3A_48] : memref<10000x16xf32, #tpu.memory_space<vmem_shared>> -> memref<125x16xf32, #tpu.memory_space<vmem_shared>>
      tpu.enqueue_dma source(%dma_start3A_49 : memref<125x16xf32, #tpu.memory_space<vmem_shared>>) target(%arg14 : memref<125x16xf32, #tpu.memory_space<vmem>>) target_semaphore(%run_scoped3A : memref<!tpu.dma_semaphore, #tpu.memory_space<semaphore_mem>>)
      %dma_wait3A = arith.constant 0 : i32
      %dma_wait3A_50 = tpu.memref_slice %arg15[%add3A_30, %dma_wait3A] : memref<10000x16xf32, #tpu.memory_space<vmem_shared>> -> memref<125x16xf32, #tpu.memory_space<vmem_shared>>
      %dma_wait3A_51 = arith.constant 0 : i32
      %dma_wait3A_52 = tpu.memref_slice %arg15[%add3A_30, %dma_wait3A_51] : memref<10000x16xf32, #tpu.memory_space<vmem_shared>> -> memref<125x16xf32, #tpu.memory_space<vmem_shared>>
      tpu.wait_dma2 semaphore(%run_scoped3A : memref<!tpu.dma_semaphore, #tpu.memory_space<semaphore_mem>>) src(%dma_wait3A_52 : memref<125x16xf32, #tpu.memory_space<vmem_shared>>) dst(%arg14 : memref<125x16xf32, #tpu.memory_space<vmem>>)
      tpu.yield
    }) : () -> ()
    "tpu.region"() ({
      %run_scoped3A = tpu.sem_alloc : memref<!tpu.dma_semaphore, #tpu.memory_space<semaphore_mem>>
      %dma_start3A = arith.constant 0 : i32
      %dma_start3A_47 = arith.constant 0 : i32
      %dma_start3A_48 = tpu.memref_slice %arg8[%arg0, %dma_start3A, %dma_start3A_47] : memref<2x10000x16xf32, #tpu.memory_space<hbm>> -> memref<1x10000x16xf32, #tpu.memory_space<hbm>>
      %dma_start3A_49 = tpu.memref_squeeze %dma_start3A_48 : memref<1x10000x16xf32, #tpu.memory_space<hbm>> -> memref<10000x16xf32, #tpu.memory_space<hbm>>
      %dma_start3A_50 = arith.constant 0 : i32
      %dma_start3A_51 = tpu.memref_slice %dma_start3A_49[%add3A_30, %dma_start3A_50] : memref<10000x16xf32, #tpu.memory_space<hbm>> -> memref<125x16xf32, #tpu.memory_space<hbm>>
      %dma_start3A_52 = arith.constant 0 : i32
      %dma_start3A_53 = arith.constant 0 : i32
      %dma_start3A_54 = tpu.memref_slice %arg8[%arg0, %dma_start3A_52, %dma_start3A_53] : memref<2x10000x16xf32, #tpu.memory_space<hbm>> -> memref<1x10000x16xf32, #tpu.memory_space<hbm>>
      %dma_start3A_55 = tpu.memref_squeeze %dma_start3A_54 : memref<1x10000x16xf32, #tpu.memory_space<hbm>> -> memref<10000x16xf32, #tpu.memory_space<hbm>>
      %dma_start3A_56 = arith.constant 0 : i32
      %dma_start3A_57 = tpu.memref_slice %dma_start3A_55[%add3A_30, %dma_start3A_56] : memref<10000x16xf32, #tpu.memory_space<hbm>> -> memref<125x16xf32, #tpu.memory_space<hbm>>
      tpu.enqueue_dma source(%arg14 : memref<125x16xf32, #tpu.memory_space<vmem>>) target(%dma_start3A_57 : memref<125x16xf32, #tpu.memory_space<hbm>>) target_semaphore(%run_scoped3A : memref<!tpu.dma_semaphore, #tpu.memory_space<semaphore_mem>>)
      %dma_wait3A = arith.constant 0 : i32
      %dma_wait3A_58 = arith.constant 0 : i32
      %dma_wait3A_59 = tpu.memref_slice %arg8[%arg0, %dma_wait3A, %dma_wait3A_58] : memref<2x10000x16xf32, #tpu.memory_space<hbm>> -> memref<1x10000x16xf32, #tpu.memory_space<hbm>>
      %dma_wait3A_60 = tpu.memref_squeeze %dma_wait3A_59 : memref<1x10000x16xf32, #tpu.memory_space<hbm>> -> memref<10000x16xf32, #tpu.memory_space<hbm>>
      %dma_wait3A_61 = arith.constant 0 : i32
      %dma_wait3A_62 = tpu.memref_slice %dma_wait3A_60[%add3A_30, %dma_wait3A_61] : memref<10000x16xf32, #tpu.memory_space<hbm>> -> memref<125x16xf32, #tpu.memory_space<hbm>>
      %dma_wait3A_63 = arith.constant 0 : i32
      %dma_wait3A_64 = arith.constant 0 : i32
      %dma_wait3A_65 = tpu.memref_slice %arg8[%arg0, %dma_wait3A_63, %dma_wait3A_64] : memref<2x10000x16xf32, #tpu.memory_space<hbm>> -> memref<1x10000x16xf32, #tpu.memory_space<hbm>>
      %dma_wait3A_66 = tpu.memref_squeeze %dma_wait3A_65 : memref<1x10000x16xf32, #tpu.memory_space<hbm>> -> memref<10000x16xf32, #tpu.memory_space<hbm>>
      %dma_wait3A_67 = arith.constant 0 : i32
      %dma_wait3A_68 = tpu.memref_slice %dma_wait3A_66[%add3A_30, %dma_wait3A_67] : memref<10000x16xf32, #tpu.memory_space<hbm>> -> memref<125x16xf32, #tpu.memory_space<hbm>>
      tpu.wait_dma2 semaphore(%run_scoped3A : memref<!tpu.dma_semaphore, #tpu.memory_space<semaphore_mem>>) src(%arg14 : memref<125x16xf32, #tpu.memory_space<vmem>>) dst(%dma_wait3A_68 : memref<125x16xf32, #tpu.memory_space<hbm>>)
      tpu.yield
    }) : () -> ()
    %mul3A_31 = arith.constant 625 : i32
    %mul3A_32 = arith.muli %arg1, %mul3A_31 : i32
    %add3A_33 = arith.constant 125 : i32
    %add3A_34 = arith.addi %mul3A_32, %add3A_33 : i32
    "tpu.region"() ({
      %run_scoped3A = tpu.sem_alloc : memref<!tpu.dma_semaphore, #tpu.memory_space<semaphore_mem>>
      %dma_start3A = arith.constant 0 : i32
      %dma_start3A_47 = tpu.memref_slice %arg12[%add3A_34, %dma_start3A] : memref<10000x128xf32, #tpu.memory_space<vmem_shared>> -> memref<125x128xf32, #tpu.memory_space<vmem_shared>>
      %dma_start3A_48 = arith.constant 0 : i32
      %dma_start3A_49 = tpu.memref_slice %arg12[%add3A_34, %dma_start3A_48] : memref<10000x128xf32, #tpu.memory_space<vmem_shared>> -> memref<125x128xf32, #tpu.memory_space<vmem_shared>>
      tpu.enqueue_dma source(%dma_start3A_49 : memref<125x128xf32, #tpu.memory_space<vmem_shared>>) target(%arg11 : memref<125x128xf32, #tpu.memory_space<vmem>>) target_semaphore(%run_scoped3A : memref<!tpu.dma_semaphore, #tpu.memory_space<semaphore_mem>>)
      %dma_wait3A = arith.constant 0 : i32
      %dma_wait3A_50 = tpu.memref_slice %arg12[%add3A_34, %dma_wait3A] : memref<10000x128xf32, #tpu.memory_space<vmem_shared>> -> memref<125x128xf32, #tpu.memory_space<vmem_shared>>
      %dma_wait3A_51 = arith.constant 0 : i32
      %dma_wait3A_52 = tpu.memref_slice %arg12[%add3A_34, %dma_wait3A_51] : memref<10000x128xf32, #tpu.memory_space<vmem_shared>> -> memref<125x128xf32, #tpu.memory_space<vmem_shared>>
      tpu.wait_dma2 semaphore(%run_scoped3A : memref<!tpu.dma_semaphore, #tpu.memory_space<semaphore_mem>>) src(%dma_wait3A_52 : memref<125x128xf32, #tpu.memory_space<vmem_shared>>) dst(%arg11 : memref<125x128xf32, #tpu.memory_space<vmem>>)
      tpu.yield
    }) : () -> ()
    "tpu.region"() ({
      %run_scoped3A = tpu.sem_alloc : memref<!tpu.dma_semaphore, #tpu.memory_space<semaphore_mem>>
      %dma_start3A = arith.constant 0 : i32
      %dma_start3A_47 = arith.constant 0 : i32
      %dma_start3A_48 = tpu.memref_slice %arg7[%arg0, %dma_start3A, %dma_start3A_47] : memref<2x10000x128xf32, #tpu.memory_space<hbm>> -> memref<1x10000x128xf32, #tpu.memory_space<hbm>>
      %dma_start3A_49 = tpu.memref_squeeze %dma_start3A_48 : memref<1x10000x128xf32, #tpu.memory_space<hbm>> -> memref<10000x128xf32, #tpu.memory_space<hbm>>
      %dma_start3A_50 = arith.constant 0 : i32
      %dma_start3A_51 = tpu.memref_slice %dma_start3A_49[%add3A_34, %dma_start3A_50] : memref<10000x128xf32, #tpu.memory_space<hbm>> -> memref<125x128xf32, #tpu.memory_space<hbm>>
      %dma_start3A_52 = arith.constant 0 : i32
      %dma_start3A_53 = arith.constant 0 : i32
      %dma_start3A_54 = tpu.memref_slice %arg7[%arg0, %dma_start3A_52, %dma_start3A_53] : memref<2x10000x128xf32, #tpu.memory_space<hbm>> -> memref<1x10000x128xf32, #tpu.memory_space<hbm>>
      %dma_start3A_55 = tpu.memref_squeeze %dma_start3A_54 : memref<1x10000x128xf32, #tpu.memory_space<hbm>> -> memref<10000x128xf32, #tpu.memory_space<hbm>>
      %dma_start3A_56 = arith.constant 0 : i32
      %dma_start3A_57 = tpu.memref_slice %dma_start3A_55[%add3A_34, %dma_start3A_56] : memref<10000x128xf32, #tpu.memory_space<hbm>> -> memref<125x128xf32, #tpu.memory_space<hbm>>
      tpu.enqueue_dma source(%arg11 : memref<125x128xf32, #tpu.memory_space<vmem>>) target(%dma_start3A_57 : memref<125x128xf32, #tpu.memory_space<hbm>>) target_semaphore(%run_scoped3A : memref<!tpu.dma_semaphore, #tpu.memory_space<semaphore_mem>>)
      %dma_wait3A = arith.constant 0 : i32
      %dma_wait3A_58 = arith.constant 0 : i32
      %dma_wait3A_59 = tpu.memref_slice %arg7[%arg0, %dma_wait3A, %dma_wait3A_58] : memref<2x10000x128xf32, #tpu.memory_space<hbm>> -> memref<1x10000x128xf32, #tpu.memory_space<hbm>>
      %dma_wait3A_60 = tpu.memref_squeeze %dma_wait3A_59 : memref<1x10000x128xf32, #tpu.memory_space<hbm>> -> memref<10000x128xf32, #tpu.memory_space<hbm>>
      %dma_wait3A_61 = arith.constant 0 : i32
      %dma_wait3A_62 = tpu.memref_slice %dma_wait3A_60[%add3A_34, %dma_wait3A_61] : memref<10000x128xf32, #tpu.memory_space<hbm>> -> memref<125x128xf32, #tpu.memory_space<hbm>>
      %dma_wait3A_63 = arith.constant 0 : i32
      %dma_wait3A_64 = arith.constant 0 : i32
      %dma_wait3A_65 = tpu.memref_slice %arg7[%arg0, %dma_wait3A_63, %dma_wait3A_64] : memref<2x10000x128xf32, #tpu.memory_space<hbm>> -> memref<1x10000x128xf32, #tpu.memory_space<hbm>>
      %dma_wait3A_66 = tpu.memref_squeeze %dma_wait3A_65 : memref<1x10000x128xf32, #tpu.memory_space<hbm>> -> memref<10000x128xf32, #tpu.memory_space<hbm>>
      %dma_wait3A_67 = arith.constant 0 : i32
      %dma_wait3A_68 = tpu.memref_slice %dma_wait3A_66[%add3A_34, %dma_wait3A_67] : memref<10000x128xf32, #tpu.memory_space<hbm>> -> memref<125x128xf32, #tpu.memory_space<hbm>>
      tpu.wait_dma2 semaphore(%run_scoped3A : memref<!tpu.dma_semaphore, #tpu.memory_space<semaphore_mem>>) src(%arg11 : memref<125x128xf32, #tpu.memory_space<vmem>>) dst(%dma_wait3A_68 : memref<125x128xf32, #tpu.memory_space<hbm>>)
      tpu.yield
    }) : () -> ()
    "tpu.region"() ({
      %run_scoped3A = tpu.sem_alloc : memref<!tpu.dma_semaphore, #tpu.memory_space<semaphore_mem>>
      %dma_start3A = arith.constant 0 : i32
      %dma_start3A_47 = tpu.memref_slice %arg15[%add3A_34, %dma_start3A] : memref<10000x16xf32, #tpu.memory_space<vmem_shared>> -> memref<125x16xf32, #tpu.memory_space<vmem_shared>>
      %dma_start3A_48 = arith.constant 0 : i32
      %dma_start3A_49 = tpu.memref_slice %arg15[%add3A_34, %dma_start3A_48] : memref<10000x16xf32, #tpu.memory_space<vmem_shared>> -> memref<125x16xf32, #tpu.memory_space<vmem_shared>>
      tpu.enqueue_dma source(%dma_start3A_49 : memref<125x16xf32, #tpu.memory_space<vmem_shared>>) target(%arg14 : memref<125x16xf32, #tpu.memory_space<vmem>>) target_semaphore(%run_scoped3A : memref<!tpu.dma_semaphore, #tpu.memory_space<semaphore_mem>>)
      %dma_wait3A = arith.constant 0 : i32
      %dma_wait3A_50 = tpu.memref_slice %arg15[%add3A_34, %dma_wait3A] : memref<10000x16xf32, #tpu.memory_space<vmem_shared>> -> memref<125x16xf32, #tpu.memory_space<vmem_shared>>
      %dma_wait3A_51 = arith.constant 0 : i32
      %dma_wait3A_52 = tpu.memref_slice %arg15[%add3A_34, %dma_wait3A_51] : memref<10000x16xf32, #tpu.memory_space<vmem_shared>> -> memref<125x16xf32, #tpu.memory_space<vmem_shared>>
      tpu.wait_dma2 semaphore(%run_scoped3A : memref<!tpu.dma_semaphore, #tpu.memory_space<semaphore_mem>>) src(%dma_wait3A_52 : memref<125x16xf32, #tpu.memory_space<vmem_shared>>) dst(%arg14 : memref<125x16xf32, #tpu.memory_space<vmem>>)
      tpu.yield
    }) : () -> ()
    "tpu.region"() ({
      %run_scoped3A = tpu.sem_alloc : memref<!tpu.dma_semaphore, #tpu.memory_space<semaphore_mem>>
      %dma_start3A = arith.constant 0 : i32
      %dma_start3A_47 = arith.constant 0 : i32
      %dma_start3A_48 = tpu.memref_slice %arg8[%arg0, %dma_start3A, %dma_start3A_47] : memref<2x10000x16xf32, #tpu.memory_space<hbm>> -> memref<1x10000x16xf32, #tpu.memory_space<hbm>>
      %dma_start3A_49 = tpu.memref_squeeze %dma_start3A_48 : memref<1x10000x16xf32, #tpu.memory_space<hbm>> -> memref<10000x16xf32, #tpu.memory_space<hbm>>
      %dma_start3A_50 = arith.constant 0 : i32
      %dma_start3A_51 = tpu.memref_slice %dma_start3A_49[%add3A_34, %dma_start3A_50] : memref<10000x16xf32, #tpu.memory_space<hbm>> -> memref<125x16xf32, #tpu.memory_space<hbm>>
      %dma_start3A_52 = arith.constant 0 : i32
      %dma_start3A_53 = arith.constant 0 : i32
      %dma_start3A_54 = tpu.memref_slice %arg8[%arg0, %dma_start3A_52, %dma_start3A_53] : memref<2x10000x16xf32, #tpu.memory_space<hbm>> -> memref<1x10000x16xf32, #tpu.memory_space<hbm>>
      %dma_start3A_55 = tpu.memref_squeeze %dma_start3A_54 : memref<1x10000x16xf32, #tpu.memory_space<hbm>> -> memref<10000x16xf32, #tpu.memory_space<hbm>>
      %dma_start3A_56 = arith.constant 0 : i32
      %dma_start3A_57 = tpu.memref_slice %dma_start3A_55[%add3A_34, %dma_start3A_56] : memref<10000x16xf32, #tpu.memory_space<hbm>> -> memref<125x16xf32, #tpu.memory_space<hbm>>
      tpu.enqueue_dma source(%arg14 : memref<125x16xf32, #tpu.memory_space<vmem>>) target(%dma_start3A_57 : memref<125x16xf32, #tpu.memory_space<hbm>>) target_semaphore(%run_scoped3A : memref<!tpu.dma_semaphore, #tpu.memory_space<semaphore_mem>>)
      %dma_wait3A = arith.constant 0 : i32
      %dma_wait3A_58 = arith.constant 0 : i32
      %dma_wait3A_59 = tpu.memref_slice %arg8[%arg0, %dma_wait3A, %dma_wait3A_58] : memref<2x10000x16xf32, #tpu.memory_space<hbm>> -> memref<1x10000x16xf32, #tpu.memory_space<hbm>>
      %dma_wait3A_60 = tpu.memref_squeeze %dma_wait3A_59 : memref<1x10000x16xf32, #tpu.memory_space<hbm>> -> memref<10000x16xf32, #tpu.memory_space<hbm>>
      %dma_wait3A_61 = arith.constant 0 : i32
      %dma_wait3A_62 = tpu.memref_slice %dma_wait3A_60[%add3A_34, %dma_wait3A_61] : memref<10000x16xf32, #tpu.memory_space<hbm>> -> memref<125x16xf32, #tpu.memory_space<hbm>>
      %dma_wait3A_63 = arith.constant 0 : i32
      %dma_wait3A_64 = arith.constant 0 : i32
      %dma_wait3A_65 = tpu.memref_slice %arg8[%arg0, %dma_wait3A_63, %dma_wait3A_64] : memref<2x10000x16xf32, #tpu.memory_space<hbm>> -> memref<1x10000x16xf32, #tpu.memory_space<hbm>>
      %dma_wait3A_66 = tpu.memref_squeeze %dma_wait3A_65 : memref<1x10000x16xf32, #tpu.memory_space<hbm>> -> memref<10000x16xf32, #tpu.memory_space<hbm>>
      %dma_wait3A_67 = arith.constant 0 : i32
      %dma_wait3A_68 = tpu.memref_slice %dma_wait3A_66[%add3A_34, %dma_wait3A_67] : memref<10000x16xf32, #tpu.memory_space<hbm>> -> memref<125x16xf32, #tpu.memory_space<hbm>>
      tpu.wait_dma2 semaphore(%run_scoped3A : memref<!tpu.dma_semaphore, #tpu.memory_space<semaphore_mem>>) src(%arg14 : memref<125x16xf32, #tpu.memory_space<vmem>>) dst(%dma_wait3A_68 : memref<125x16xf32, #tpu.memory_space<hbm>>)
      tpu.yield
    }) : () -> ()
    %mul3A_35 = arith.constant 625 : i32
    %mul3A_36 = arith.muli %arg1, %mul3A_35 : i32
    %add3A_37 = arith.constant 250 : i32
    %add3A_38 = arith.addi %mul3A_36, %add3A_37 : i32
    "tpu.region"() ({
      %run_scoped3A = tpu.sem_alloc : memref<!tpu.dma_semaphore, #tpu.memory_space<semaphore_mem>>
      %dma_start3A = arith.constant 0 : i32
      %dma_start3A_47 = tpu.memref_slice %arg12[%add3A_38, %dma_start3A] : memref<10000x128xf32, #tpu.memory_space<vmem_shared>> -> memref<125x128xf32, #tpu.memory_space<vmem_shared>>
      %dma_start3A_48 = arith.constant 0 : i32
      %dma_start3A_49 = tpu.memref_slice %arg12[%add3A_38, %dma_start3A_48] : memref<10000x128xf32, #tpu.memory_space<vmem_shared>> -> memref<125x128xf32, #tpu.memory_space<vmem_shared>>
      tpu.enqueue_dma source(%dma_start3A_49 : memref<125x128xf32, #tpu.memory_space<vmem_shared>>) target(%arg11 : memref<125x128xf32, #tpu.memory_space<vmem>>) target_semaphore(%run_scoped3A : memref<!tpu.dma_semaphore, #tpu.memory_space<semaphore_mem>>)
      %dma_wait3A = arith.constant 0 : i32
      %dma_wait3A_50 = tpu.memref_slice %arg12[%add3A_38, %dma_wait3A] : memref<10000x128xf32, #tpu.memory_space<vmem_shared>> -> memref<125x128xf32, #tpu.memory_space<vmem_shared>>
      %dma_wait3A_51 = arith.constant 0 : i32
      %dma_wait3A_52 = tpu.memref_slice %arg12[%add3A_38, %dma_wait3A_51] : memref<10000x128xf32, #tpu.memory_space<vmem_shared>> -> memref<125x128xf32, #tpu.memory_space<vmem_shared>>
      tpu.wait_dma2 semaphore(%run_scoped3A : memref<!tpu.dma_semaphore, #tpu.memory_space<semaphore_mem>>) src(%dma_wait3A_52 : memref<125x128xf32, #tpu.memory_space<vmem_shared>>) dst(%arg11 : memref<125x128xf32, #tpu.memory_space<vmem>>)
      tpu.yield
    }) : () -> ()
    "tpu.region"() ({
      %run_scoped3A = tpu.sem_alloc : memref<!tpu.dma_semaphore, #tpu.memory_space<semaphore_mem>>
      %dma_start3A = arith.constant 0 : i32
      %dma_start3A_47 = arith.constant 0 : i32
      %dma_start3A_48 = tpu.memref_slice %arg7[%arg0, %dma_start3A, %dma_start3A_47] : memref<2x10000x128xf32, #tpu.memory_space<hbm>> -> memref<1x10000x128xf32, #tpu.memory_space<hbm>>
      %dma_start3A_49 = tpu.memref_squeeze %dma_start3A_48 : memref<1x10000x128xf32, #tpu.memory_space<hbm>> -> memref<10000x128xf32, #tpu.memory_space<hbm>>
      %dma_start3A_50 = arith.constant 0 : i32
      %dma_start3A_51 = tpu.memref_slice %dma_start3A_49[%add3A_38, %dma_start3A_50] : memref<10000x128xf32, #tpu.memory_space<hbm>> -> memref<125x128xf32, #tpu.memory_space<hbm>>
      %dma_start3A_52 = arith.constant 0 : i32
      %dma_start3A_53 = arith.constant 0 : i32
      %dma_start3A_54 = tpu.memref_slice %arg7[%arg0, %dma_start3A_52, %dma_start3A_53] : memref<2x10000x128xf32, #tpu.memory_space<hbm>> -> memref<1x10000x128xf32, #tpu.memory_space<hbm>>
      %dma_start3A_55 = tpu.memref_squeeze %dma_start3A_54 : memref<1x10000x128xf32, #tpu.memory_space<hbm>> -> memref<10000x128xf32, #tpu.memory_space<hbm>>
      %dma_start3A_56 = arith.constant 0 : i32
      %dma_start3A_57 = tpu.memref_slice %dma_start3A_55[%add3A_38, %dma_start3A_56] : memref<10000x128xf32, #tpu.memory_space<hbm>> -> memref<125x128xf32, #tpu.memory_space<hbm>>
      tpu.enqueue_dma source(%arg11 : memref<125x128xf32, #tpu.memory_space<vmem>>) target(%dma_start3A_57 : memref<125x128xf32, #tpu.memory_space<hbm>>) target_semaphore(%run_scoped3A : memref<!tpu.dma_semaphore, #tpu.memory_space<semaphore_mem>>)
      %dma_wait3A = arith.constant 0 : i32
      %dma_wait3A_58 = arith.constant 0 : i32
      %dma_wait3A_59 = tpu.memref_slice %arg7[%arg0, %dma_wait3A, %dma_wait3A_58] : memref<2x10000x128xf32, #tpu.memory_space<hbm>> -> memref<1x10000x128xf32, #tpu.memory_space<hbm>>
      %dma_wait3A_60 = tpu.memref_squeeze %dma_wait3A_59 : memref<1x10000x128xf32, #tpu.memory_space<hbm>> -> memref<10000x128xf32, #tpu.memory_space<hbm>>
      %dma_wait3A_61 = arith.constant 0 : i32
      %dma_wait3A_62 = tpu.memref_slice %dma_wait3A_60[%add3A_38, %dma_wait3A_61] : memref<10000x128xf32, #tpu.memory_space<hbm>> -> memref<125x128xf32, #tpu.memory_space<hbm>>
      %dma_wait3A_63 = arith.constant 0 : i32
      %dma_wait3A_64 = arith.constant 0 : i32
      %dma_wait3A_65 = tpu.memref_slice %arg7[%arg0, %dma_wait3A_63, %dma_wait3A_64] : memref<2x10000x128xf32, #tpu.memory_space<hbm>> -> memref<1x10000x128xf32, #tpu.memory_space<hbm>>
      %dma_wait3A_66 = tpu.memref_squeeze %dma_wait3A_65 : memref<1x10000x128xf32, #tpu.memory_space<hbm>> -> memref<10000x128xf32, #tpu.memory_space<hbm>>
      %dma_wait3A_67 = arith.constant 0 : i32
      %dma_wait3A_68 = tpu.memref_slice %dma_wait3A_66[%add3A_38, %dma_wait3A_67] : memref<10000x128xf32, #tpu.memory_space<hbm>> -> memref<125x128xf32, #tpu.memory_space<hbm>>
      tpu.wait_dma2 semaphore(%run_scoped3A : memref<!tpu.dma_semaphore, #tpu.memory_space<semaphore_mem>>) src(%arg11 : memref<125x128xf32, #tpu.memory_space<vmem>>) dst(%dma_wait3A_68 : memref<125x128xf32, #tpu.memory_space<hbm>>)
      tpu.yield
    }) : () -> ()
    "tpu.region"() ({
      %run_scoped3A = tpu.sem_alloc : memref<!tpu.dma_semaphore, #tpu.memory_space<semaphore_mem>>
      %dma_start3A = arith.constant 0 : i32
      %dma_start3A_47 = tpu.memref_slice %arg15[%add3A_38, %dma_start3A] : memref<10000x16xf32, #tpu.memory_space<vmem_shared>> -> memref<125x16xf32, #tpu.memory_space<vmem_shared>>
      %dma_start3A_48 = arith.constant 0 : i32
      %dma_start3A_49 = tpu.memref_slice %arg15[%add3A_38, %dma_start3A_48] : memref<10000x16xf32, #tpu.memory_space<vmem_shared>> -> memref<125x16xf32, #tpu.memory_space<vmem_shared>>
      tpu.enqueue_dma source(%dma_start3A_49 : memref<125x16xf32, #tpu.memory_space<vmem_shared>>) target(%arg14 : memref<125x16xf32, #tpu.memory_space<vmem>>) target_semaphore(%run_scoped3A : memref<!tpu.dma_semaphore, #tpu.memory_space<semaphore_mem>>)
      %dma_wait3A = arith.constant 0 : i32
      %dma_wait3A_50 = tpu.memref_slice %arg15[%add3A_38, %dma_wait3A] : memref<10000x16xf32, #tpu.memory_space<vmem_shared>> -> memref<125x16xf32, #tpu.memory_space<vmem_shared>>
      %dma_wait3A_51 = arith.constant 0 : i32
      %dma_wait3A_52 = tpu.memref_slice %arg15[%add3A_38, %dma_wait3A_51] : memref<10000x16xf32, #tpu.memory_space<vmem_shared>> -> memref<125x16xf32, #tpu.memory_space<vmem_shared>>
      tpu.wait_dma2 semaphore(%run_scoped3A : memref<!tpu.dma_semaphore, #tpu.memory_space<semaphore_mem>>) src(%dma_wait3A_52 : memref<125x16xf32, #tpu.memory_space<vmem_shared>>) dst(%arg14 : memref<125x16xf32, #tpu.memory_space<vmem>>)
      tpu.yield
    }) : () -> ()
    "tpu.region"() ({
      %run_scoped3A = tpu.sem_alloc : memref<!tpu.dma_semaphore, #tpu.memory_space<semaphore_mem>>
      %dma_start3A = arith.constant 0 : i32
      %dma_start3A_47 = arith.constant 0 : i32
      %dma_start3A_48 = tpu.memref_slice %arg8[%arg0, %dma_start3A, %dma_start3A_47] : memref<2x10000x16xf32, #tpu.memory_space<hbm>> -> memref<1x10000x16xf32, #tpu.memory_space<hbm>>
      %dma_start3A_49 = tpu.memref_squeeze %dma_start3A_48 : memref<1x10000x16xf32, #tpu.memory_space<hbm>> -> memref<10000x16xf32, #tpu.memory_space<hbm>>
      %dma_start3A_50 = arith.constant 0 : i32
      %dma_start3A_51 = tpu.memref_slice %dma_start3A_49[%add3A_38, %dma_start3A_50] : memref<10000x16xf32, #tpu.memory_space<hbm>> -> memref<125x16xf32, #tpu.memory_space<hbm>>
      %dma_start3A_52 = arith.constant 0 : i32
      %dma_start3A_53 = arith.constant 0 : i32
      %dma_start3A_54 = tpu.memref_slice %arg8[%arg0, %dma_start3A_52, %dma_start3A_53] : memref<2x10000x16xf32, #tpu.memory_space<hbm>> -> memref<1x10000x16xf32, #tpu.memory_space<hbm>>
      %dma_start3A_55 = tpu.memref_squeeze %dma_start3A_54 : memref<1x10000x16xf32, #tpu.memory_space<hbm>> -> memref<10000x16xf32, #tpu.memory_space<hbm>>
      %dma_start3A_56 = arith.constant 0 : i32
      %dma_start3A_57 = tpu.memref_slice %dma_start3A_55[%add3A_38, %dma_start3A_56] : memref<10000x16xf32, #tpu.memory_space<hbm>> -> memref<125x16xf32, #tpu.memory_space<hbm>>
      tpu.enqueue_dma source(%arg14 : memref<125x16xf32, #tpu.memory_space<vmem>>) target(%dma_start3A_57 : memref<125x16xf32, #tpu.memory_space<hbm>>) target_semaphore(%run_scoped3A : memref<!tpu.dma_semaphore, #tpu.memory_space<semaphore_mem>>)
      %dma_wait3A = arith.constant 0 : i32
      %dma_wait3A_58 = arith.constant 0 : i32
      %dma_wait3A_59 = tpu.memref_slice %arg8[%arg0, %dma_wait3A, %dma_wait3A_58] : memref<2x10000x16xf32, #tpu.memory_space<hbm>> -> memref<1x10000x16xf32, #tpu.memory_space<hbm>>
      %dma_wait3A_60 = tpu.memref_squeeze %dma_wait3A_59 : memref<1x10000x16xf32, #tpu.memory_space<hbm>> -> memref<10000x16xf32, #tpu.memory_space<hbm>>
      %dma_wait3A_61 = arith.constant 0 : i32
      %dma_wait3A_62 = tpu.memref_slice %dma_wait3A_60[%add3A_38, %dma_wait3A_61] : memref<10000x16xf32, #tpu.memory_space<hbm>> -> memref<125x16xf32, #tpu.memory_space<hbm>>
      %dma_wait3A_63 = arith.constant 0 : i32
      %dma_wait3A_64 = arith.constant 0 : i32
      %dma_wait3A_65 = tpu.memref_slice %arg8[%arg0, %dma_wait3A_63, %dma_wait3A_64] : memref<2x10000x16xf32, #tpu.memory_space<hbm>> -> memref<1x10000x16xf32, #tpu.memory_space<hbm>>
      %dma_wait3A_66 = tpu.memref_squeeze %dma_wait3A_65 : memref<1x10000x16xf32, #tpu.memory_space<hbm>> -> memref<10000x16xf32, #tpu.memory_space<hbm>>
      %dma_wait3A_67 = arith.constant 0 : i32
      %dma_wait3A_68 = tpu.memref_slice %dma_wait3A_66[%add3A_38, %dma_wait3A_67] : memref<10000x16xf32, #tpu.memory_space<hbm>> -> memref<125x16xf32, #tpu.memory_space<hbm>>
      tpu.wait_dma2 semaphore(%run_scoped3A : memref<!tpu.dma_semaphore, #tpu.memory_space<semaphore_mem>>) src(%arg14 : memref<125x16xf32, #tpu.memory_space<vmem>>) dst(%dma_wait3A_68 : memref<125x16xf32, #tpu.memory_space<hbm>>)
      tpu.yield
    }) : () -> ()
    %mul3A_39 = arith.constant 625 : i32
    %mul3A_40 = arith.muli %arg1, %mul3A_39 : i32
    %add3A_41 = arith.constant 375 : i32
    %add3A_42 = arith.addi %mul3A_40, %add3A_41 : i32
    "tpu.region"() ({
      %run_scoped3A = tpu.sem_alloc : memref<!tpu.dma_semaphore, #tpu.memory_space<semaphore_mem>>
      %dma_start3A = arith.constant 0 : i32
      %dma_start3A_47 = tpu.memref_slice %arg12[%add3A_42, %dma_start3A] : memref<10000x128xf32, #tpu.memory_space<vmem_shared>> -> memref<125x128xf32, #tpu.memory_space<vmem_shared>>
      %dma_start3A_48 = arith.constant 0 : i32
      %dma_start3A_49 = tpu.memref_slice %arg12[%add3A_42, %dma_start3A_48] : memref<10000x128xf32, #tpu.memory_space<vmem_shared>> -> memref<125x128xf32, #tpu.memory_space<vmem_shared>>
      tpu.enqueue_dma source(%dma_start3A_49 : memref<125x128xf32, #tpu.memory_space<vmem_shared>>) target(%arg11 : memref<125x128xf32, #tpu.memory_space<vmem>>) target_semaphore(%run_scoped3A : memref<!tpu.dma_semaphore, #tpu.memory_space<semaphore_mem>>)
      %dma_wait3A = arith.constant 0 : i32
      %dma_wait3A_50 = tpu.memref_slice %arg12[%add3A_42, %dma_wait3A] : memref<10000x128xf32, #tpu.memory_space<vmem_shared>> -> memref<125x128xf32, #tpu.memory_space<vmem_shared>>
      %dma_wait3A_51 = arith.constant 0 : i32
      %dma_wait3A_52 = tpu.memref_slice %arg12[%add3A_42, %dma_wait3A_51] : memref<10000x128xf32, #tpu.memory_space<vmem_shared>> -> memref<125x128xf32, #tpu.memory_space<vmem_shared>>
      tpu.wait_dma2 semaphore(%run_scoped3A : memref<!tpu.dma_semaphore, #tpu.memory_space<semaphore_mem>>) src(%dma_wait3A_52 : memref<125x128xf32, #tpu.memory_space<vmem_shared>>) dst(%arg11 : memref<125x128xf32, #tpu.memory_space<vmem>>)
      tpu.yield
    }) : () -> ()
    "tpu.region"() ({
      %run_scoped3A = tpu.sem_alloc : memref<!tpu.dma_semaphore, #tpu.memory_space<semaphore_mem>>
      %dma_start3A = arith.constant 0 : i32
      %dma_start3A_47 = arith.constant 0 : i32
      %dma_start3A_48 = tpu.memref_slice %arg7[%arg0, %dma_start3A, %dma_start3A_47] : memref<2x10000x128xf32, #tpu.memory_space<hbm>> -> memref<1x10000x128xf32, #tpu.memory_space<hbm>>
      %dma_start3A_49 = tpu.memref_squeeze %dma_start3A_48 : memref<1x10000x128xf32, #tpu.memory_space<hbm>> -> memref<10000x128xf32, #tpu.memory_space<hbm>>
      %dma_start3A_50 = arith.constant 0 : i32
      %dma_start3A_51 = tpu.memref_slice %dma_start3A_49[%add3A_42, %dma_start3A_50] : memref<10000x128xf32, #tpu.memory_space<hbm>> -> memref<125x128xf32, #tpu.memory_space<hbm>>
      %dma_start3A_52 = arith.constant 0 : i32
      %dma_start3A_53 = arith.constant 0 : i32
      %dma_start3A_54 = tpu.memref_slice %arg7[%arg0, %dma_start3A_52, %dma_start3A_53] : memref<2x10000x128xf32, #tpu.memory_space<hbm>> -> memref<1x10000x128xf32, #tpu.memory_space<hbm>>
      %dma_start3A_55 = tpu.memref_squeeze %dma_start3A_54 : memref<1x10000x128xf32, #tpu.memory_space<hbm>> -> memref<10000x128xf32, #tpu.memory_space<hbm>>
      %dma_start3A_56 = arith.constant 0 : i32
      %dma_start3A_57 = tpu.memref_slice %dma_start3A_55[%add3A_42, %dma_start3A_56] : memref<10000x128xf32, #tpu.memory_space<hbm>> -> memref<125x128xf32, #tpu.memory_space<hbm>>
      tpu.enqueue_dma source(%arg11 : memref<125x128xf32, #tpu.memory_space<vmem>>) target(%dma_start3A_57 : memref<125x128xf32, #tpu.memory_space<hbm>>) target_semaphore(%run_scoped3A : memref<!tpu.dma_semaphore, #tpu.memory_space<semaphore_mem>>)
      %dma_wait3A = arith.constant 0 : i32
      %dma_wait3A_58 = arith.constant 0 : i32
      %dma_wait3A_59 = tpu.memref_slice %arg7[%arg0, %dma_wait3A, %dma_wait3A_58] : memref<2x10000x128xf32, #tpu.memory_space<hbm>> -> memref<1x10000x128xf32, #tpu.memory_space<hbm>>
      %dma_wait3A_60 = tpu.memref_squeeze %dma_wait3A_59 : memref<1x10000x128xf32, #tpu.memory_space<hbm>> -> memref<10000x128xf32, #tpu.memory_space<hbm>>
      %dma_wait3A_61 = arith.constant 0 : i32
      %dma_wait3A_62 = tpu.memref_slice %dma_wait3A_60[%add3A_42, %dma_wait3A_61] : memref<10000x128xf32, #tpu.memory_space<hbm>> -> memref<125x128xf32, #tpu.memory_space<hbm>>
      %dma_wait3A_63 = arith.constant 0 : i32
      %dma_wait3A_64 = arith.constant 0 : i32
      %dma_wait3A_65 = tpu.memref_slice %arg7[%arg0, %dma_wait3A_63, %dma_wait3A_64] : memref<2x10000x128xf32, #tpu.memory_space<hbm>> -> memref<1x10000x128xf32, #tpu.memory_space<hbm>>
      %dma_wait3A_66 = tpu.memref_squeeze %dma_wait3A_65 : memref<1x10000x128xf32, #tpu.memory_space<hbm>> -> memref<10000x128xf32, #tpu.memory_space<hbm>>
      %dma_wait3A_67 = arith.constant 0 : i32
      %dma_wait3A_68 = tpu.memref_slice %dma_wait3A_66[%add3A_42, %dma_wait3A_67] : memref<10000x128xf32, #tpu.memory_space<hbm>> -> memref<125x128xf32, #tpu.memory_space<hbm>>
      tpu.wait_dma2 semaphore(%run_scoped3A : memref<!tpu.dma_semaphore, #tpu.memory_space<semaphore_mem>>) src(%arg11 : memref<125x128xf32, #tpu.memory_space<vmem>>) dst(%dma_wait3A_68 : memref<125x128xf32, #tpu.memory_space<hbm>>)
      tpu.yield
    }) : () -> ()
    "tpu.region"() ({
      %run_scoped3A = tpu.sem_alloc : memref<!tpu.dma_semaphore, #tpu.memory_space<semaphore_mem>>
      %dma_start3A = arith.constant 0 : i32
      %dma_start3A_47 = tpu.memref_slice %arg15[%add3A_42, %dma_start3A] : memref<10000x16xf32, #tpu.memory_space<vmem_shared>> -> memref<125x16xf32, #tpu.memory_space<vmem_shared>>
      %dma_start3A_48 = arith.constant 0 : i32
      %dma_start3A_49 = tpu.memref_slice %arg15[%add3A_42, %dma_start3A_48] : memref<10000x16xf32, #tpu.memory_space<vmem_shared>> -> memref<125x16xf32, #tpu.memory_space<vmem_shared>>
      tpu.enqueue_dma source(%dma_start3A_49 : memref<125x16xf32, #tpu.memory_space<vmem_shared>>) target(%arg14 : memref<125x16xf32, #tpu.memory_space<vmem>>) target_semaphore(%run_scoped3A : memref<!tpu.dma_semaphore, #tpu.memory_space<semaphore_mem>>)
      %dma_wait3A = arith.constant 0 : i32
      %dma_wait3A_50 = tpu.memref_slice %arg15[%add3A_42, %dma_wait3A] : memref<10000x16xf32, #tpu.memory_space<vmem_shared>> -> memref<125x16xf32, #tpu.memory_space<vmem_shared>>
      %dma_wait3A_51 = arith.constant 0 : i32
      %dma_wait3A_52 = tpu.memref_slice %arg15[%add3A_42, %dma_wait3A_51] : memref<10000x16xf32, #tpu.memory_space<vmem_shared>> -> memref<125x16xf32, #tpu.memory_space<vmem_shared>>
      tpu.wait_dma2 semaphore(%run_scoped3A : memref<!tpu.dma_semaphore, #tpu.memory_space<semaphore_mem>>) src(%dma_wait3A_52 : memref<125x16xf32, #tpu.memory_space<vmem_shared>>) dst(%arg14 : memref<125x16xf32, #tpu.memory_space<vmem>>)
      tpu.yield
    }) : () -> ()
    "tpu.region"() ({
      %run_scoped3A = tpu.sem_alloc : memref<!tpu.dma_semaphore, #tpu.memory_space<semaphore_mem>>
      %dma_start3A = arith.constant 0 : i32
      %dma_start3A_47 = arith.constant 0 : i32
      %dma_start3A_48 = tpu.memref_slice %arg8[%arg0, %dma_start3A, %dma_start3A_47] : memref<2x10000x16xf32, #tpu.memory_space<hbm>> -> memref<1x10000x16xf32, #tpu.memory_space<hbm>>
      %dma_start3A_49 = tpu.memref_squeeze %dma_start3A_48 : memref<1x10000x16xf32, #tpu.memory_space<hbm>> -> memref<10000x16xf32, #tpu.memory_space<hbm>>
      %dma_start3A_50 = arith.constant 0 : i32
      %dma_start3A_51 = tpu.memref_slice %dma_start3A_49[%add3A_42, %dma_start3A_50] : memref<10000x16xf32, #tpu.memory_space<hbm>> -> memref<125x16xf32, #tpu.memory_space<hbm>>
      %dma_start3A_52 = arith.constant 0 : i32
      %dma_start3A_53 = arith.constant 0 : i32
      %dma_start3A_54 = tpu.memref_slice %arg8[%arg0, %dma_start3A_52, %dma_start3A_53] : memref<2x10000x16xf32, #tpu.memory_space<hbm>> -> memref<1x10000x16xf32, #tpu.memory_space<hbm>>
      %dma_start3A_55 = tpu.memref_squeeze %dma_start3A_54 : memref<1x10000x16xf32, #tpu.memory_space<hbm>> -> memref<10000x16xf32, #tpu.memory_space<hbm>>
      %dma_start3A_56 = arith.constant 0 : i32
      %dma_start3A_57 = tpu.memref_slice %dma_start3A_55[%add3A_42, %dma_start3A_56] : memref<10000x16xf32, #tpu.memory_space<hbm>> -> memref<125x16xf32, #tpu.memory_space<hbm>>
      tpu.enqueue_dma source(%arg14 : memref<125x16xf32, #tpu.memory_space<vmem>>) target(%dma_start3A_57 : memref<125x16xf32, #tpu.memory_space<hbm>>) target_semaphore(%run_scoped3A : memref<!tpu.dma_semaphore, #tpu.memory_space<semaphore_mem>>)
      %dma_wait3A = arith.constant 0 : i32
      %dma_wait3A_58 = arith.constant 0 : i32
      %dma_wait3A_59 = tpu.memref_slice %arg8[%arg0, %dma_wait3A, %dma_wait3A_58] : memref<2x10000x16xf32, #tpu.memory_space<hbm>> -> memref<1x10000x16xf32, #tpu.memory_space<hbm>>
      %dma_wait3A_60 = tpu.memref_squeeze %dma_wait3A_59 : memref<1x10000x16xf32, #tpu.memory_space<hbm>> -> memref<10000x16xf32, #tpu.memory_space<hbm>>
      %dma_wait3A_61 = arith.constant 0 : i32
      %dma_wait3A_62 = tpu.memref_slice %dma_wait3A_60[%add3A_42, %dma_wait3A_61] : memref<10000x16xf32, #tpu.memory_space<hbm>> -> memref<125x16xf32, #tpu.memory_space<hbm>>
      %dma_wait3A_63 = arith.constant 0 : i32
      %dma_wait3A_64 = arith.constant 0 : i32
      %dma_wait3A_65 = tpu.memref_slice %arg8[%arg0, %dma_wait3A_63, %dma_wait3A_64] : memref<2x10000x16xf32, #tpu.memory_space<hbm>> -> memref<1x10000x16xf32, #tpu.memory_space<hbm>>
      %dma_wait3A_66 = tpu.memref_squeeze %dma_wait3A_65 : memref<1x10000x16xf32, #tpu.memory_space<hbm>> -> memref<10000x16xf32, #tpu.memory_space<hbm>>
      %dma_wait3A_67 = arith.constant 0 : i32
      %dma_wait3A_68 = tpu.memref_slice %dma_wait3A_66[%add3A_42, %dma_wait3A_67] : memref<10000x16xf32, #tpu.memory_space<hbm>> -> memref<125x16xf32, #tpu.memory_space<hbm>>
      tpu.wait_dma2 semaphore(%run_scoped3A : memref<!tpu.dma_semaphore, #tpu.memory_space<semaphore_mem>>) src(%arg14 : memref<125x16xf32, #tpu.memory_space<vmem>>) dst(%dma_wait3A_68 : memref<125x16xf32, #tpu.memory_space<hbm>>)
      tpu.yield
    }) : () -> ()
    %mul3A_43 = arith.constant 625 : i32
    %mul3A_44 = arith.muli %arg1, %mul3A_43 : i32
    %add3A_45 = arith.constant 500 : i32
    %add3A_46 = arith.addi %mul3A_44, %add3A_45 : i32
    "tpu.region"() ({
      %run_scoped3A = tpu.sem_alloc : memref<!tpu.dma_semaphore, #tpu.memory_space<semaphore_mem>>
      %dma_start3A = arith.constant 0 : i32
      %dma_start3A_47 = tpu.memref_slice %arg12[%add3A_46, %dma_start3A] : memref<10000x128xf32, #tpu.memory_space<vmem_shared>> -> memref<125x128xf32, #tpu.memory_space<vmem_shared>>
      %dma_start3A_48 = arith.constant 0 : i32
      %dma_start3A_49 = tpu.memref_slice %arg12[%add3A_46, %dma_start3A_48] : memref<10000x128xf32, #tpu.memory_space<vmem_shared>> -> memref<125x128xf32, #tpu.memory_space<vmem_shared>>
      tpu.enqueue_dma source(%dma_start3A_49 : memref<125x128xf32, #tpu.memory_space<vmem_shared>>) target(%arg11 : memref<125x128xf32, #tpu.memory_space<vmem>>) target_semaphore(%run_scoped3A : memref<!tpu.dma_semaphore, #tpu.memory_space<semaphore_mem>>)
      %dma_wait3A = arith.constant 0 : i32
      %dma_wait3A_50 = tpu.memref_slice %arg12[%add3A_46, %dma_wait3A] : memref<10000x128xf32, #tpu.memory_space<vmem_shared>> -> memref<125x128xf32, #tpu.memory_space<vmem_shared>>
      %dma_wait3A_51 = arith.constant 0 : i32
      %dma_wait3A_52 = tpu.memref_slice %arg12[%add3A_46, %dma_wait3A_51] : memref<10000x128xf32, #tpu.memory_space<vmem_shared>> -> memref<125x128xf32, #tpu.memory_space<vmem_shared>>
      tpu.wait_dma2 semaphore(%run_scoped3A : memref<!tpu.dma_semaphore, #tpu.memory_space<semaphore_mem>>) src(%dma_wait3A_52 : memref<125x128xf32, #tpu.memory_space<vmem_shared>>) dst(%arg11 : memref<125x128xf32, #tpu.memory_space<vmem>>)
      tpu.yield
    }) : () -> ()
    "tpu.region"() ({
      %run_scoped3A = tpu.sem_alloc : memref<!tpu.dma_semaphore, #tpu.memory_space<semaphore_mem>>
      %dma_start3A = arith.constant 0 : i32
      %dma_start3A_47 = arith.constant 0 : i32
      %dma_start3A_48 = tpu.memref_slice %arg7[%arg0, %dma_start3A, %dma_start3A_47] : memref<2x10000x128xf32, #tpu.memory_space<hbm>> -> memref<1x10000x128xf32, #tpu.memory_space<hbm>>
      %dma_start3A_49 = tpu.memref_squeeze %dma_start3A_48 : memref<1x10000x128xf32, #tpu.memory_space<hbm>> -> memref<10000x128xf32, #tpu.memory_space<hbm>>
      %dma_start3A_50 = arith.constant 0 : i32
      %dma_start3A_51 = tpu.memref_slice %dma_start3A_49[%add3A_46, %dma_start3A_50] : memref<10000x128xf32, #tpu.memory_space<hbm>> -> memref<125x128xf32, #tpu.memory_space<hbm>>
      %dma_start3A_52 = arith.constant 0 : i32
      %dma_start3A_53 = arith.constant 0 : i32
      %dma_start3A_54 = tpu.memref_slice %arg7[%arg0, %dma_start3A_52, %dma_start3A_53] : memref<2x10000x128xf32, #tpu.memory_space<hbm>> -> memref<1x10000x128xf32, #tpu.memory_space<hbm>>
      %dma_start3A_55 = tpu.memref_squeeze %dma_start3A_54 : memref<1x10000x128xf32, #tpu.memory_space<hbm>> -> memref<10000x128xf32, #tpu.memory_space<hbm>>
      %dma_start3A_56 = arith.constant 0 : i32
      %dma_start3A_57 = tpu.memref_slice %dma_start3A_55[%add3A_46, %dma_start3A_56] : memref<10000x128xf32, #tpu.memory_space<hbm>> -> memref<125x128xf32, #tpu.memory_space<hbm>>
      tpu.enqueue_dma source(%arg11 : memref<125x128xf32, #tpu.memory_space<vmem>>) target(%dma_start3A_57 : memref<125x128xf32, #tpu.memory_space<hbm>>) target_semaphore(%run_scoped3A : memref<!tpu.dma_semaphore, #tpu.memory_space<semaphore_mem>>)
      %dma_wait3A = arith.constant 0 : i32
      %dma_wait3A_58 = arith.constant 0 : i32
      %dma_wait3A_59 = tpu.memref_slice %arg7[%arg0, %dma_wait3A, %dma_wait3A_58] : memref<2x10000x128xf32, #tpu.memory_space<hbm>> -> memref<1x10000x128xf32, #tpu.memory_space<hbm>>
      %dma_wait3A_60 = tpu.memref_squeeze %dma_wait3A_59 : memref<1x10000x128xf32, #tpu.memory_space<hbm>> -> memref<10000x128xf32, #tpu.memory_space<hbm>>
      %dma_wait3A_61 = arith.constant 0 : i32
      %dma_wait3A_62 = tpu.memref_slice %dma_wait3A_60[%add3A_46, %dma_wait3A_61] : memref<10000x128xf32, #tpu.memory_space<hbm>> -> memref<125x128xf32, #tpu.memory_space<hbm>>
      %dma_wait3A_63 = arith.constant 0 : i32
      %dma_wait3A_64 = arith.constant 0 : i32
      %dma_wait3A_65 = tpu.memref_slice %arg7[%arg0, %dma_wait3A_63, %dma_wait3A_64] : memref<2x10000x128xf32, #tpu.memory_space<hbm>> -> memref<1x10000x128xf32, #tpu.memory_space<hbm>>
      %dma_wait3A_66 = tpu.memref_squeeze %dma_wait3A_65 : memref<1x10000x128xf32, #tpu.memory_space<hbm>> -> memref<10000x128xf32, #tpu.memory_space<hbm>>
      %dma_wait3A_67 = arith.constant 0 : i32
      %dma_wait3A_68 = tpu.memref_slice %dma_wait3A_66[%add3A_46, %dma_wait3A_67] : memref<10000x128xf32, #tpu.memory_space<hbm>> -> memref<125x128xf32, #tpu.memory_space<hbm>>
      tpu.wait_dma2 semaphore(%run_scoped3A : memref<!tpu.dma_semaphore, #tpu.memory_space<semaphore_mem>>) src(%arg11 : memref<125x128xf32, #tpu.memory_space<vmem>>) dst(%dma_wait3A_68 : memref<125x128xf32, #tpu.memory_space<hbm>>)
      tpu.yield
    }) : () -> ()
    "tpu.region"() ({
      %run_scoped3A = tpu.sem_alloc : memref<!tpu.dma_semaphore, #tpu.memory_space<semaphore_mem>>
      %dma_start3A = arith.constant 0 : i32
      %dma_start3A_47 = tpu.memref_slice %arg15[%add3A_46, %dma_start3A] : memref<10000x16xf32, #tpu.memory_space<vmem_shared>> -> memref<125x16xf32, #tpu.memory_space<vmem_shared>>
      %dma_start3A_48 = arith.constant 0 : i32
      %dma_start3A_49 = tpu.memref_slice %arg15[%add3A_46, %dma_start3A_48] : memref<10000x16xf32, #tpu.memory_space<vmem_shared>> -> memref<125x16xf32, #tpu.memory_space<vmem_shared>>
      tpu.enqueue_dma source(%dma_start3A_49 : memref<125x16xf32, #tpu.memory_space<vmem_shared>>) target(%arg14 : memref<125x16xf32, #tpu.memory_space<vmem>>) target_semaphore(%run_scoped3A : memref<!tpu.dma_semaphore, #tpu.memory_space<semaphore_mem>>)
      %dma_wait3A = arith.constant 0 : i32
      %dma_wait3A_50 = tpu.memref_slice %arg15[%add3A_46, %dma_wait3A] : memref<10000x16xf32, #tpu.memory_space<vmem_shared>> -> memref<125x16xf32, #tpu.memory_space<vmem_shared>>
      %dma_wait3A_51 = arith.constant 0 : i32
      %dma_wait3A_52 = tpu.memref_slice %arg15[%add3A_46, %dma_wait3A_51] : memref<10000x16xf32, #tpu.memory_space<vmem_shared>> -> memref<125x16xf32, #tpu.memory_space<vmem_shared>>
      tpu.wait_dma2 semaphore(%run_scoped3A : memref<!tpu.dma_semaphore, #tpu.memory_space<semaphore_mem>>) src(%dma_wait3A_52 : memref<125x16xf32, #tpu.memory_space<vmem_shared>>) dst(%arg14 : memref<125x16xf32, #tpu.memory_space<vmem>>)
      tpu.yield
    }) : () -> ()
    "tpu.region"() ({
      %run_scoped3A = tpu.sem_alloc : memref<!tpu.dma_semaphore, #tpu.memory_space<semaphore_mem>>
      %dma_start3A = arith.constant 0 : i32
      %dma_start3A_47 = arith.constant 0 : i32
      %dma_start3A_48 = tpu.memref_slice %arg8[%arg0, %dma_start3A, %dma_start3A_47] : memref<2x10000x16xf32, #tpu.memory_space<hbm>> -> memref<1x10000x16xf32, #tpu.memory_space<hbm>>
      %dma_start3A_49 = tpu.memref_squeeze %dma_start3A_48 : memref<1x10000x16xf32, #tpu.memory_space<hbm>> -> memref<10000x16xf32, #tpu.memory_space<hbm>>
      %dma_start3A_50 = arith.constant 0 : i32
      %dma_start3A_51 = tpu.memref_slice %dma_start3A_49[%add3A_46, %dma_start3A_50] : memref<10000x16xf32, #tpu.memory_space<hbm>> -> memref<125x16xf32, #tpu.memory_space<hbm>>
      %dma_start3A_52 = arith.constant 0 : i32
      %dma_start3A_53 = arith.constant 0 : i32
      %dma_start3A_54 = tpu.memref_slice %arg8[%arg0, %dma_start3A_52, %dma_start3A_53] : memref<2x10000x16xf32, #tpu.memory_space<hbm>> -> memref<1x10000x16xf32, #tpu.memory_space<hbm>>
      %dma_start3A_55 = tpu.memref_squeeze %dma_start3A_54 : memref<1x10000x16xf32, #tpu.memory_space<hbm>> -> memref<10000x16xf32, #tpu.memory_space<hbm>>
      %dma_start3A_56 = arith.constant 0 : i32
      %dma_start3A_57 = tpu.memref_slice %dma_start3A_55[%add3A_46, %dma_start3A_56] : memref<10000x16xf32, #tpu.memory_space<hbm>> -> memref<125x16xf32, #tpu.memory_space<hbm>>
      tpu.enqueue_dma source(%arg14 : memref<125x16xf32, #tpu.memory_space<vmem>>) target(%dma_start3A_57 : memref<125x16xf32, #tpu.memory_space<hbm>>) target_semaphore(%run_scoped3A : memref<!tpu.dma_semaphore, #tpu.memory_space<semaphore_mem>>)
      %dma_wait3A = arith.constant 0 : i32
      %dma_wait3A_58 = arith.constant 0 : i32
      %dma_wait3A_59 = tpu.memref_slice %arg8[%arg0, %dma_wait3A, %dma_wait3A_58] : memref<2x10000x16xf32, #tpu.memory_space<hbm>> -> memref<1x10000x16xf32, #tpu.memory_space<hbm>>
      %dma_wait3A_60 = tpu.memref_squeeze %dma_wait3A_59 : memref<1x10000x16xf32, #tpu.memory_space<hbm>> -> memref<10000x16xf32, #tpu.memory_space<hbm>>
      %dma_wait3A_61 = arith.constant 0 : i32
      %dma_wait3A_62 = tpu.memref_slice %dma_wait3A_60[%add3A_46, %dma_wait3A_61] : memref<10000x16xf32, #tpu.memory_space<hbm>> -> memref<125x16xf32, #tpu.memory_space<hbm>>
      %dma_wait3A_63 = arith.constant 0 : i32
      %dma_wait3A_64 = arith.constant 0 : i32
      %dma_wait3A_65 = tpu.memref_slice %arg8[%arg0, %dma_wait3A_63, %dma_wait3A_64] : memref<2x10000x16xf32, #tpu.memory_space<hbm>> -> memref<1x10000x16xf32, #tpu.memory_space<hbm>>
      %dma_wait3A_66 = tpu.memref_squeeze %dma_wait3A_65 : memref<1x10000x16xf32, #tpu.memory_space<hbm>> -> memref<10000x16xf32, #tpu.memory_space<hbm>>
      %dma_wait3A_67 = arith.constant 0 : i32
      %dma_wait3A_68 = tpu.memref_slice %dma_wait3A_66[%add3A_46, %dma_wait3A_67] : memref<10000x16xf32, #tpu.memory_space<hbm>> -> memref<125x16xf32, #tpu.memory_space<hbm>>
      tpu.wait_dma2 semaphore(%run_scoped3A : memref<!tpu.dma_semaphore, #tpu.memory_space<semaphore_mem>>) src(%arg14 : memref<125x16xf32, #tpu.memory_space<vmem>>) dst(%dma_wait3A_68 : memref<125x16xf32, #tpu.memory_space<hbm>>)
      tpu.yield
    }) : () -> ()
    return
  }
}

#map = affine_map<(d0, d1) -> (0, 0)>
#map1 = affine_map<(d0, d1) -> (0)>
#map2 = affine_map<(d0, d1) -> (0, 0, 0)>
module attributes {stable_mosaic.version = 14 : i64} {
  func.func @k(%arg0: i32, %arg1: i32, %arg2: memref<320000x128xf32, #tpu.memory_space<hbm>>, %arg3: memref<320000xi32, #tpu.memory_space<hbm>>, %arg4: memref<125x128xf32, #tpu.memory_space<hbm>>, %arg5: memref<2x10000x128xf32, #tpu.memory_space<hbm>>, %arg6: memref<80xi32, #tpu.memory_space<vmem>>, %arg7: memref<80x128xf32, #tpu.memory_space<vmem>>, %arg8: memref<125x128xf32, #tpu.memory_space<vmem>>, %arg9: memref<10000x128xf32, #tpu.memory_space<vmem_shared>>) attributes {dimension_semantics = [#tpu.dimension_semantics<core_parallel>, #tpu.dimension_semantics<subcore_parallel>], iteration_bounds = array<i64: 2, 16>, scalar_prefetch = 0 : i64, scratch_operands = 4 : i64, tpu.core_type = #tpu.core_type<sc_vector_subcore>, window_params = [{transform_indices = #map}, {transform_indices = #map1}, {transform_indices = #map}, {transform_indices = #map2}]} {
    %mul3A = arith.constant 2 : i32
    %mul3A_0 = arith.muli %arg1, %mul3A : i32
    %add3A = arith.addi %mul3A_0, %arg0 : i32
    "tpu.region"() ({
      %run_scoped3A = tpu.sem_alloc : memref<!tpu.dma_semaphore, #tpu.memory_space<semaphore_mem>>
      tpu.enqueue_dma source(%arg4 : memref<125x128xf32, #tpu.memory_space<hbm>>) target(%arg8 : memref<125x128xf32, #tpu.memory_space<vmem>>) target_semaphore(%run_scoped3A : memref<!tpu.dma_semaphore, #tpu.memory_space<semaphore_mem>>)
      tpu.wait_dma2 semaphore(%run_scoped3A : memref<!tpu.dma_semaphore, #tpu.memory_space<semaphore_mem>>) src(%arg4 : memref<125x128xf32, #tpu.memory_space<hbm>>) dst(%arg8 : memref<125x128xf32, #tpu.memory_space<vmem>>)
      tpu.yield
    }) : () -> ()
    %mul3A_1 = arith.constant 625 : i32
    %mul3A_2 = arith.muli %arg1, %mul3A_1 : i32
    %add3A_3 = arith.constant 0 : i32
    %add3A_4 = arith.addi %mul3A_2, %add3A_3 : i32
    "tpu.region"() ({
      %run_scoped3A = tpu.sem_alloc : memref<!tpu.dma_semaphore, #tpu.memory_space<semaphore_mem>>
      %dma_start3A = arith.constant 0 : i32
      %dma_start3A_47 = tpu.memref_slice %arg9[%add3A_4, %dma_start3A] : memref<10000x128xf32, #tpu.memory_space<vmem_shared>> -> memref<125x128xf32, #tpu.memory_space<vmem_shared>>
      %dma_start3A_48 = arith.constant 0 : i32
      %dma_start3A_49 = tpu.memref_slice %arg9[%add3A_4, %dma_start3A_48] : memref<10000x128xf32, #tpu.memory_space<vmem_shared>> -> memref<125x128xf32, #tpu.memory_space<vmem_shared>>
      tpu.enqueue_dma source(%arg8 : memref<125x128xf32, #tpu.memory_space<vmem>>) target(%dma_start3A_49 : memref<125x128xf32, #tpu.memory_space<vmem_shared>>) target_semaphore(%run_scoped3A : memref<!tpu.dma_semaphore, #tpu.memory_space<semaphore_mem>>)
      %dma_wait3A = arith.constant 0 : i32
      %dma_wait3A_50 = tpu.memref_slice %arg9[%add3A_4, %dma_wait3A] : memref<10000x128xf32, #tpu.memory_space<vmem_shared>> -> memref<125x128xf32, #tpu.memory_space<vmem_shared>>
      %dma_wait3A_51 = arith.constant 0 : i32
      %dma_wait3A_52 = tpu.memref_slice %arg9[%add3A_4, %dma_wait3A_51] : memref<10000x128xf32, #tpu.memory_space<vmem_shared>> -> memref<125x128xf32, #tpu.memory_space<vmem_shared>>
      tpu.wait_dma2 semaphore(%run_scoped3A : memref<!tpu.dma_semaphore, #tpu.memory_space<semaphore_mem>>) src(%arg8 : memref<125x128xf32, #tpu.memory_space<vmem>>) dst(%dma_wait3A_52 : memref<125x128xf32, #tpu.memory_space<vmem_shared>>)
      tpu.yield
    }) : () -> ()
    %mul3A_5 = arith.constant 625 : i32
    %mul3A_6 = arith.muli %arg1, %mul3A_5 : i32
    %add3A_7 = arith.constant 125 : i32
    %add3A_8 = arith.addi %mul3A_6, %add3A_7 : i32
    "tpu.region"() ({
      %run_scoped3A = tpu.sem_alloc : memref<!tpu.dma_semaphore, #tpu.memory_space<semaphore_mem>>
      %dma_start3A = arith.constant 0 : i32
      %dma_start3A_47 = tpu.memref_slice %arg9[%add3A_8, %dma_start3A] : memref<10000x128xf32, #tpu.memory_space<vmem_shared>> -> memref<125x128xf32, #tpu.memory_space<vmem_shared>>
      %dma_start3A_48 = arith.constant 0 : i32
      %dma_start3A_49 = tpu.memref_slice %arg9[%add3A_8, %dma_start3A_48] : memref<10000x128xf32, #tpu.memory_space<vmem_shared>> -> memref<125x128xf32, #tpu.memory_space<vmem_shared>>
      tpu.enqueue_dma source(%arg8 : memref<125x128xf32, #tpu.memory_space<vmem>>) target(%dma_start3A_49 : memref<125x128xf32, #tpu.memory_space<vmem_shared>>) target_semaphore(%run_scoped3A : memref<!tpu.dma_semaphore, #tpu.memory_space<semaphore_mem>>)
      %dma_wait3A = arith.constant 0 : i32
      %dma_wait3A_50 = tpu.memref_slice %arg9[%add3A_8, %dma_wait3A] : memref<10000x128xf32, #tpu.memory_space<vmem_shared>> -> memref<125x128xf32, #tpu.memory_space<vmem_shared>>
      %dma_wait3A_51 = arith.constant 0 : i32
      %dma_wait3A_52 = tpu.memref_slice %arg9[%add3A_8, %dma_wait3A_51] : memref<10000x128xf32, #tpu.memory_space<vmem_shared>> -> memref<125x128xf32, #tpu.memory_space<vmem_shared>>
      tpu.wait_dma2 semaphore(%run_scoped3A : memref<!tpu.dma_semaphore, #tpu.memory_space<semaphore_mem>>) src(%arg8 : memref<125x128xf32, #tpu.memory_space<vmem>>) dst(%dma_wait3A_52 : memref<125x128xf32, #tpu.memory_space<vmem_shared>>)
      tpu.yield
    }) : () -> ()
    %mul3A_9 = arith.constant 625 : i32
    %mul3A_10 = arith.muli %arg1, %mul3A_9 : i32
    %add3A_11 = arith.constant 250 : i32
    %add3A_12 = arith.addi %mul3A_10, %add3A_11 : i32
    "tpu.region"() ({
      %run_scoped3A = tpu.sem_alloc : memref<!tpu.dma_semaphore, #tpu.memory_space<semaphore_mem>>
      %dma_start3A = arith.constant 0 : i32
      %dma_start3A_47 = tpu.memref_slice %arg9[%add3A_12, %dma_start3A] : memref<10000x128xf32, #tpu.memory_space<vmem_shared>> -> memref<125x128xf32, #tpu.memory_space<vmem_shared>>
      %dma_start3A_48 = arith.constant 0 : i32
      %dma_start3A_49 = tpu.memref_slice %arg9[%add3A_12, %dma_start3A_48] : memref<10000x128xf32, #tpu.memory_space<vmem_shared>> -> memref<125x128xf32, #tpu.memory_space<vmem_shared>>
      tpu.enqueue_dma source(%arg8 : memref<125x128xf32, #tpu.memory_space<vmem>>) target(%dma_start3A_49 : memref<125x128xf32, #tpu.memory_space<vmem_shared>>) target_semaphore(%run_scoped3A : memref<!tpu.dma_semaphore, #tpu.memory_space<semaphore_mem>>)
      %dma_wait3A = arith.constant 0 : i32
      %dma_wait3A_50 = tpu.memref_slice %arg9[%add3A_12, %dma_wait3A] : memref<10000x128xf32, #tpu.memory_space<vmem_shared>> -> memref<125x128xf32, #tpu.memory_space<vmem_shared>>
      %dma_wait3A_51 = arith.constant 0 : i32
      %dma_wait3A_52 = tpu.memref_slice %arg9[%add3A_12, %dma_wait3A_51] : memref<10000x128xf32, #tpu.memory_space<vmem_shared>> -> memref<125x128xf32, #tpu.memory_space<vmem_shared>>
      tpu.wait_dma2 semaphore(%run_scoped3A : memref<!tpu.dma_semaphore, #tpu.memory_space<semaphore_mem>>) src(%arg8 : memref<125x128xf32, #tpu.memory_space<vmem>>) dst(%dma_wait3A_52 : memref<125x128xf32, #tpu.memory_space<vmem_shared>>)
      tpu.yield
    }) : () -> ()
    %mul3A_13 = arith.constant 625 : i32
    %mul3A_14 = arith.muli %arg1, %mul3A_13 : i32
    %add3A_15 = arith.constant 375 : i32
    %add3A_16 = arith.addi %mul3A_14, %add3A_15 : i32
    "tpu.region"() ({
      %run_scoped3A = tpu.sem_alloc : memref<!tpu.dma_semaphore, #tpu.memory_space<semaphore_mem>>
      %dma_start3A = arith.constant 0 : i32
      %dma_start3A_47 = tpu.memref_slice %arg9[%add3A_16, %dma_start3A] : memref<10000x128xf32, #tpu.memory_space<vmem_shared>> -> memref<125x128xf32, #tpu.memory_space<vmem_shared>>
      %dma_start3A_48 = arith.constant 0 : i32
      %dma_start3A_49 = tpu.memref_slice %arg9[%add3A_16, %dma_start3A_48] : memref<10000x128xf32, #tpu.memory_space<vmem_shared>> -> memref<125x128xf32, #tpu.memory_space<vmem_shared>>
      tpu.enqueue_dma source(%arg8 : memref<125x128xf32, #tpu.memory_space<vmem>>) target(%dma_start3A_49 : memref<125x128xf32, #tpu.memory_space<vmem_shared>>) target_semaphore(%run_scoped3A : memref<!tpu.dma_semaphore, #tpu.memory_space<semaphore_mem>>)
      %dma_wait3A = arith.constant 0 : i32
      %dma_wait3A_50 = tpu.memref_slice %arg9[%add3A_16, %dma_wait3A] : memref<10000x128xf32, #tpu.memory_space<vmem_shared>> -> memref<125x128xf32, #tpu.memory_space<vmem_shared>>
      %dma_wait3A_51 = arith.constant 0 : i32
      %dma_wait3A_52 = tpu.memref_slice %arg9[%add3A_16, %dma_wait3A_51] : memref<10000x128xf32, #tpu.memory_space<vmem_shared>> -> memref<125x128xf32, #tpu.memory_space<vmem_shared>>
      tpu.wait_dma2 semaphore(%run_scoped3A : memref<!tpu.dma_semaphore, #tpu.memory_space<semaphore_mem>>) src(%arg8 : memref<125x128xf32, #tpu.memory_space<vmem>>) dst(%dma_wait3A_52 : memref<125x128xf32, #tpu.memory_space<vmem_shared>>)
      tpu.yield
    }) : () -> ()
    %mul3A_17 = arith.constant 625 : i32
    %mul3A_18 = arith.muli %arg1, %mul3A_17 : i32
    %add3A_19 = arith.constant 500 : i32
    %add3A_20 = arith.addi %mul3A_18, %add3A_19 : i32
    "tpu.region"() ({
      %run_scoped3A = tpu.sem_alloc : memref<!tpu.dma_semaphore, #tpu.memory_space<semaphore_mem>>
      %dma_start3A = arith.constant 0 : i32
      %dma_start3A_47 = tpu.memref_slice %arg9[%add3A_20, %dma_start3A] : memref<10000x128xf32, #tpu.memory_space<vmem_shared>> -> memref<125x128xf32, #tpu.memory_space<vmem_shared>>
      %dma_start3A_48 = arith.constant 0 : i32
      %dma_start3A_49 = tpu.memref_slice %arg9[%add3A_20, %dma_start3A_48] : memref<10000x128xf32, #tpu.memory_space<vmem_shared>> -> memref<125x128xf32, #tpu.memory_space<vmem_shared>>
      tpu.enqueue_dma source(%arg8 : memref<125x128xf32, #tpu.memory_space<vmem>>) target(%dma_start3A_49 : memref<125x128xf32, #tpu.memory_space<vmem_shared>>) target_semaphore(%run_scoped3A : memref<!tpu.dma_semaphore, #tpu.memory_space<semaphore_mem>>)
      %dma_wait3A = arith.constant 0 : i32
      %dma_wait3A_50 = tpu.memref_slice %arg9[%add3A_20, %dma_wait3A] : memref<10000x128xf32, #tpu.memory_space<vmem_shared>> -> memref<125x128xf32, #tpu.memory_space<vmem_shared>>
      %dma_wait3A_51 = arith.constant 0 : i32
      %dma_wait3A_52 = tpu.memref_slice %arg9[%add3A_20, %dma_wait3A_51] : memref<10000x128xf32, #tpu.memory_space<vmem_shared>> -> memref<125x128xf32, #tpu.memory_space<vmem_shared>>
      tpu.wait_dma2 semaphore(%run_scoped3A : memref<!tpu.dma_semaphore, #tpu.memory_space<semaphore_mem>>) src(%arg8 : memref<125x128xf32, #tpu.memory_space<vmem>>) dst(%dma_wait3A_52 : memref<125x128xf32, #tpu.memory_space<vmem_shared>>)
      tpu.yield
    }) : () -> ()
    %barrier3A = arith.constant 0 : index
    tpu.barrier barrier_id(%barrier3A)
    %scan3A = arith.constant 0 : i32
    %scan3A_21 = arith.constant 0 : i32
    %scan3A_22 = arith.constant 125 : i32
    %scan3A_23 = arith.addi %scan3A_21, %scan3A_22 : i32
    %scan3A_24 = arith.constant 1 : i32
    scf.for %scan3A_47 = %scan3A_21 to %scan3A_23 step %scan3A_24  : i32 {
      %mul3A_48 = arith.constant 10000 : i32
      %mul3A_49 = arith.muli %add3A, %mul3A_48 : i32
      %mul3A_50 = arith.constant 80 : i32
      %mul3A_51 = arith.muli %scan3A_47, %mul3A_50 : i32
      %add3A_52 = arith.addi %mul3A_49, %mul3A_51 : i32
      "tpu.region"() ({
        %run_scoped3A = tpu.sem_alloc : memref<!tpu.dma_semaphore, #tpu.memory_space<semaphore_mem>>
        %dma_start3A = tpu.memref_slice %arg3[%add3A_52] : memref<320000xi32, #tpu.memory_space<hbm>> -> memref<80xi32, #tpu.memory_space<hbm>>
        %dma_start3A_53 = tpu.memref_slice %arg3[%add3A_52] : memref<320000xi32, #tpu.memory_space<hbm>> -> memref<80xi32, #tpu.memory_space<hbm>>
        tpu.enqueue_dma source(%dma_start3A_53 : memref<80xi32, #tpu.memory_space<hbm>>) target(%arg6 : memref<80xi32, #tpu.memory_space<vmem>>) target_semaphore(%run_scoped3A : memref<!tpu.dma_semaphore, #tpu.memory_space<semaphore_mem>>)
        %dma_wait3A = tpu.memref_slice %arg3[%add3A_52] : memref<320000xi32, #tpu.memory_space<hbm>> -> memref<80xi32, #tpu.memory_space<hbm>>
        %dma_wait3A_54 = tpu.memref_slice %arg3[%add3A_52] : memref<320000xi32, #tpu.memory_space<hbm>> -> memref<80xi32, #tpu.memory_space<hbm>>
        tpu.wait_dma2 semaphore(%run_scoped3A : memref<!tpu.dma_semaphore, #tpu.memory_space<semaphore_mem>>) src(%dma_wait3A_54 : memref<80xi32, #tpu.memory_space<hbm>>) dst(%arg6 : memref<80xi32, #tpu.memory_space<vmem>>)
        tpu.yield
      }) : () -> ()
      "tpu.region"() ({
        %run_scoped3A = tpu.sem_alloc : memref<!tpu.dma_semaphore, #tpu.memory_space<semaphore_mem>>
        %dma_start3A = arith.constant 0 : i32
        %dma_start3A_53 = tpu.memref_slice %arg2[%add3A_52, %dma_start3A] : memref<320000x128xf32, #tpu.memory_space<hbm>> -> memref<80x128xf32, #tpu.memory_space<hbm>>
        %dma_start3A_54 = arith.constant 0 : i32
        %dma_start3A_55 = tpu.memref_slice %arg2[%add3A_52, %dma_start3A_54] : memref<320000x128xf32, #tpu.memory_space<hbm>> -> memref<80x128xf32, #tpu.memory_space<hbm>>
        tpu.enqueue_dma source(%dma_start3A_55 : memref<80x128xf32, #tpu.memory_space<hbm>>) target(%arg7 : memref<80x128xf32, #tpu.memory_space<vmem>>) target_semaphore(%run_scoped3A : memref<!tpu.dma_semaphore, #tpu.memory_space<semaphore_mem>>)
        %dma_wait3A = arith.constant 0 : i32
        %dma_wait3A_56 = tpu.memref_slice %arg2[%add3A_52, %dma_wait3A] : memref<320000x128xf32, #tpu.memory_space<hbm>> -> memref<80x128xf32, #tpu.memory_space<hbm>>
        %dma_wait3A_57 = arith.constant 0 : i32
        %dma_wait3A_58 = tpu.memref_slice %arg2[%add3A_52, %dma_wait3A_57] : memref<320000x128xf32, #tpu.memory_space<hbm>> -> memref<80x128xf32, #tpu.memory_space<hbm>>
        tpu.wait_dma2 semaphore(%run_scoped3A : memref<!tpu.dma_semaphore, #tpu.memory_space<semaphore_mem>>) src(%dma_wait3A_58 : memref<80x128xf32, #tpu.memory_space<hbm>>) dst(%arg7 : memref<80x128xf32, #tpu.memory_space<vmem>>)
        tpu.yield
      }) : () -> ()
      "tpu.region"() ({
        %run_scoped3A = tpu.sem_alloc : memref<!tpu.dma_semaphore, #tpu.memory_space<semaphore_mem>>
        %dma_start3A = arith.constant 0 : i32
        %dma_start3A_53 = arith.constant 0 : i32
        %dma_start3A_54 = tpu.memref_slice %arg9[%dma_start3A, %dma_start3A_53] : memref<10000x128xf32, #tpu.memory_space<vmem_shared>> -> memref<10000x128xf32, #tpu.memory_space<vmem_shared>>
        tpu.enqueue_indirect_dma source(%arg7 : memref<80x128xf32, #tpu.memory_space<vmem>>) target(%dma_start3A_54 : memref<10000x128xf32, #tpu.memory_space<vmem_shared>>) offsets(%arg6 : memref<80xi32, #tpu.memory_space<vmem>>) semaphore(%run_scoped3A : memref<!tpu.dma_semaphore, #tpu.memory_space<semaphore_mem>>) {add = true}
        %dma_wait3A = arith.constant 0 : i32
        %dma_wait3A_55 = arith.constant 0 : i32
        %dma_wait3A_56 = tpu.memref_slice %arg9[%dma_wait3A, %dma_wait3A_55] : memref<10000x128xf32, #tpu.memory_space<vmem_shared>> -> memref<10000x128xf32, #tpu.memory_space<vmem_shared>>
        tpu.wait_indirect_dma semaphore(%run_scoped3A : memref<!tpu.dma_semaphore, #tpu.memory_space<semaphore_mem>>) src(%arg7 : memref<80x128xf32, #tpu.memory_space<vmem>>) dst(%dma_wait3A_56 : memref<10000x128xf32, #tpu.memory_space<vmem_shared>>)
        tpu.yield
      }) : () -> ()
    }
    %scan3A_25 = arith.constant 125 : i32
    %barrier3A_26 = arith.constant 0 : index
    tpu.barrier barrier_id(%barrier3A_26)
    %mul3A_27 = arith.constant 625 : i32
    %mul3A_28 = arith.muli %arg1, %mul3A_27 : i32
    %add3A_29 = arith.constant 0 : i32
    %add3A_30 = arith.addi %mul3A_28, %add3A_29 : i32
    "tpu.region"() ({
      %run_scoped3A = tpu.sem_alloc : memref<!tpu.dma_semaphore, #tpu.memory_space<semaphore_mem>>
      %dma_start3A = arith.constant 0 : i32
      %dma_start3A_47 = tpu.memref_slice %arg9[%add3A_30, %dma_start3A] : memref<10000x128xf32, #tpu.memory_space<vmem_shared>> -> memref<125x128xf32, #tpu.memory_space<vmem_shared>>
      %dma_start3A_48 = arith.constant 0 : i32
      %dma_start3A_49 = tpu.memref_slice %arg9[%add3A_30, %dma_start3A_48] : memref<10000x128xf32, #tpu.memory_space<vmem_shared>> -> memref<125x128xf32, #tpu.memory_space<vmem_shared>>
      tpu.enqueue_dma source(%dma_start3A_49 : memref<125x128xf32, #tpu.memory_space<vmem_shared>>) target(%arg8 : memref<125x128xf32, #tpu.memory_space<vmem>>) target_semaphore(%run_scoped3A : memref<!tpu.dma_semaphore, #tpu.memory_space<semaphore_mem>>)
      %dma_wait3A = arith.constant 0 : i32
      %dma_wait3A_50 = tpu.memref_slice %arg9[%add3A_30, %dma_wait3A] : memref<10000x128xf32, #tpu.memory_space<vmem_shared>> -> memref<125x128xf32, #tpu.memory_space<vmem_shared>>
      %dma_wait3A_51 = arith.constant 0 : i32
      %dma_wait3A_52 = tpu.memref_slice %arg9[%add3A_30, %dma_wait3A_51] : memref<10000x128xf32, #tpu.memory_space<vmem_shared>> -> memref<125x128xf32, #tpu.memory_space<vmem_shared>>
      tpu.wait_dma2 semaphore(%run_scoped3A : memref<!tpu.dma_semaphore, #tpu.memory_space<semaphore_mem>>) src(%dma_wait3A_52 : memref<125x128xf32, #tpu.memory_space<vmem_shared>>) dst(%arg8 : memref<125x128xf32, #tpu.memory_space<vmem>>)
      tpu.yield
    }) : () -> ()
    "tpu.region"() ({
      %run_scoped3A = tpu.sem_alloc : memref<!tpu.dma_semaphore, #tpu.memory_space<semaphore_mem>>
      %dma_start3A = arith.constant 0 : i32
      %dma_start3A_47 = arith.constant 0 : i32
      %dma_start3A_48 = tpu.memref_slice %arg5[%arg0, %dma_start3A, %dma_start3A_47] : memref<2x10000x128xf32, #tpu.memory_space<hbm>> -> memref<1x10000x128xf32, #tpu.memory_space<hbm>>
      %dma_start3A_49 = tpu.memref_squeeze %dma_start3A_48 : memref<1x10000x128xf32, #tpu.memory_space<hbm>> -> memref<10000x128xf32, #tpu.memory_space<hbm>>
      %dma_start3A_50 = arith.constant 0 : i32
      %dma_start3A_51 = tpu.memref_slice %dma_start3A_49[%add3A_30, %dma_start3A_50] : memref<10000x128xf32, #tpu.memory_space<hbm>> -> memref<125x128xf32, #tpu.memory_space<hbm>>
      %dma_start3A_52 = arith.constant 0 : i32
      %dma_start3A_53 = arith.constant 0 : i32
      %dma_start3A_54 = tpu.memref_slice %arg5[%arg0, %dma_start3A_52, %dma_start3A_53] : memref<2x10000x128xf32, #tpu.memory_space<hbm>> -> memref<1x10000x128xf32, #tpu.memory_space<hbm>>
      %dma_start3A_55 = tpu.memref_squeeze %dma_start3A_54 : memref<1x10000x128xf32, #tpu.memory_space<hbm>> -> memref<10000x128xf32, #tpu.memory_space<hbm>>
      %dma_start3A_56 = arith.constant 0 : i32
      %dma_start3A_57 = tpu.memref_slice %dma_start3A_55[%add3A_30, %dma_start3A_56] : memref<10000x128xf32, #tpu.memory_space<hbm>> -> memref<125x128xf32, #tpu.memory_space<hbm>>
      tpu.enqueue_dma source(%arg8 : memref<125x128xf32, #tpu.memory_space<vmem>>) target(%dma_start3A_57 : memref<125x128xf32, #tpu.memory_space<hbm>>) target_semaphore(%run_scoped3A : memref<!tpu.dma_semaphore, #tpu.memory_space<semaphore_mem>>)
      %dma_wait3A = arith.constant 0 : i32
      %dma_wait3A_58 = arith.constant 0 : i32
      %dma_wait3A_59 = tpu.memref_slice %arg5[%arg0, %dma_wait3A, %dma_wait3A_58] : memref<2x10000x128xf32, #tpu.memory_space<hbm>> -> memref<1x10000x128xf32, #tpu.memory_space<hbm>>
      %dma_wait3A_60 = tpu.memref_squeeze %dma_wait3A_59 : memref<1x10000x128xf32, #tpu.memory_space<hbm>> -> memref<10000x128xf32, #tpu.memory_space<hbm>>
      %dma_wait3A_61 = arith.constant 0 : i32
      %dma_wait3A_62 = tpu.memref_slice %dma_wait3A_60[%add3A_30, %dma_wait3A_61] : memref<10000x128xf32, #tpu.memory_space<hbm>> -> memref<125x128xf32, #tpu.memory_space<hbm>>
      %dma_wait3A_63 = arith.constant 0 : i32
      %dma_wait3A_64 = arith.constant 0 : i32
      %dma_wait3A_65 = tpu.memref_slice %arg5[%arg0, %dma_wait3A_63, %dma_wait3A_64] : memref<2x10000x128xf32, #tpu.memory_space<hbm>> -> memref<1x10000x128xf32, #tpu.memory_space<hbm>>
      %dma_wait3A_66 = tpu.memref_squeeze %dma_wait3A_65 : memref<1x10000x128xf32, #tpu.memory_space<hbm>> -> memref<10000x128xf32, #tpu.memory_space<hbm>>
      %dma_wait3A_67 = arith.constant 0 : i32
      %dma_wait3A_68 = tpu.memref_slice %dma_wait3A_66[%add3A_30, %dma_wait3A_67] : memref<10000x128xf32, #tpu.memory_space<hbm>> -> memref<125x128xf32, #tpu.memory_space<hbm>>
      tpu.wait_dma2 semaphore(%run_scoped3A : memref<!tpu.dma_semaphore, #tpu.memory_space<semaphore_mem>>) src(%arg8 : memref<125x128xf32, #tpu.memory_space<vmem>>) dst(%dma_wait3A_68 : memref<125x128xf32, #tpu.memory_space<hbm>>)
      tpu.yield
    }) : () -> ()
    %mul3A_31 = arith.constant 625 : i32
    %mul3A_32 = arith.muli %arg1, %mul3A_31 : i32
    %add3A_33 = arith.constant 125 : i32
    %add3A_34 = arith.addi %mul3A_32, %add3A_33 : i32
    "tpu.region"() ({
      %run_scoped3A = tpu.sem_alloc : memref<!tpu.dma_semaphore, #tpu.memory_space<semaphore_mem>>
      %dma_start3A = arith.constant 0 : i32
      %dma_start3A_47 = tpu.memref_slice %arg9[%add3A_34, %dma_start3A] : memref<10000x128xf32, #tpu.memory_space<vmem_shared>> -> memref<125x128xf32, #tpu.memory_space<vmem_shared>>
      %dma_start3A_48 = arith.constant 0 : i32
      %dma_start3A_49 = tpu.memref_slice %arg9[%add3A_34, %dma_start3A_48] : memref<10000x128xf32, #tpu.memory_space<vmem_shared>> -> memref<125x128xf32, #tpu.memory_space<vmem_shared>>
      tpu.enqueue_dma source(%dma_start3A_49 : memref<125x128xf32, #tpu.memory_space<vmem_shared>>) target(%arg8 : memref<125x128xf32, #tpu.memory_space<vmem>>) target_semaphore(%run_scoped3A : memref<!tpu.dma_semaphore, #tpu.memory_space<semaphore_mem>>)
      %dma_wait3A = arith.constant 0 : i32
      %dma_wait3A_50 = tpu.memref_slice %arg9[%add3A_34, %dma_wait3A] : memref<10000x128xf32, #tpu.memory_space<vmem_shared>> -> memref<125x128xf32, #tpu.memory_space<vmem_shared>>
      %dma_wait3A_51 = arith.constant 0 : i32
      %dma_wait3A_52 = tpu.memref_slice %arg9[%add3A_34, %dma_wait3A_51] : memref<10000x128xf32, #tpu.memory_space<vmem_shared>> -> memref<125x128xf32, #tpu.memory_space<vmem_shared>>
      tpu.wait_dma2 semaphore(%run_scoped3A : memref<!tpu.dma_semaphore, #tpu.memory_space<semaphore_mem>>) src(%dma_wait3A_52 : memref<125x128xf32, #tpu.memory_space<vmem_shared>>) dst(%arg8 : memref<125x128xf32, #tpu.memory_space<vmem>>)
      tpu.yield
    }) : () -> ()
    "tpu.region"() ({
      %run_scoped3A = tpu.sem_alloc : memref<!tpu.dma_semaphore, #tpu.memory_space<semaphore_mem>>
      %dma_start3A = arith.constant 0 : i32
      %dma_start3A_47 = arith.constant 0 : i32
      %dma_start3A_48 = tpu.memref_slice %arg5[%arg0, %dma_start3A, %dma_start3A_47] : memref<2x10000x128xf32, #tpu.memory_space<hbm>> -> memref<1x10000x128xf32, #tpu.memory_space<hbm>>
      %dma_start3A_49 = tpu.memref_squeeze %dma_start3A_48 : memref<1x10000x128xf32, #tpu.memory_space<hbm>> -> memref<10000x128xf32, #tpu.memory_space<hbm>>
      %dma_start3A_50 = arith.constant 0 : i32
      %dma_start3A_51 = tpu.memref_slice %dma_start3A_49[%add3A_34, %dma_start3A_50] : memref<10000x128xf32, #tpu.memory_space<hbm>> -> memref<125x128xf32, #tpu.memory_space<hbm>>
      %dma_start3A_52 = arith.constant 0 : i32
      %dma_start3A_53 = arith.constant 0 : i32
      %dma_start3A_54 = tpu.memref_slice %arg5[%arg0, %dma_start3A_52, %dma_start3A_53] : memref<2x10000x128xf32, #tpu.memory_space<hbm>> -> memref<1x10000x128xf32, #tpu.memory_space<hbm>>
      %dma_start3A_55 = tpu.memref_squeeze %dma_start3A_54 : memref<1x10000x128xf32, #tpu.memory_space<hbm>> -> memref<10000x128xf32, #tpu.memory_space<hbm>>
      %dma_start3A_56 = arith.constant 0 : i32
      %dma_start3A_57 = tpu.memref_slice %dma_start3A_55[%add3A_34, %dma_start3A_56] : memref<10000x128xf32, #tpu.memory_space<hbm>> -> memref<125x128xf32, #tpu.memory_space<hbm>>
      tpu.enqueue_dma source(%arg8 : memref<125x128xf32, #tpu.memory_space<vmem>>) target(%dma_start3A_57 : memref<125x128xf32, #tpu.memory_space<hbm>>) target_semaphore(%run_scoped3A : memref<!tpu.dma_semaphore, #tpu.memory_space<semaphore_mem>>)
      %dma_wait3A = arith.constant 0 : i32
      %dma_wait3A_58 = arith.constant 0 : i32
      %dma_wait3A_59 = tpu.memref_slice %arg5[%arg0, %dma_wait3A, %dma_wait3A_58] : memref<2x10000x128xf32, #tpu.memory_space<hbm>> -> memref<1x10000x128xf32, #tpu.memory_space<hbm>>
      %dma_wait3A_60 = tpu.memref_squeeze %dma_wait3A_59 : memref<1x10000x128xf32, #tpu.memory_space<hbm>> -> memref<10000x128xf32, #tpu.memory_space<hbm>>
      %dma_wait3A_61 = arith.constant 0 : i32
      %dma_wait3A_62 = tpu.memref_slice %dma_wait3A_60[%add3A_34, %dma_wait3A_61] : memref<10000x128xf32, #tpu.memory_space<hbm>> -> memref<125x128xf32, #tpu.memory_space<hbm>>
      %dma_wait3A_63 = arith.constant 0 : i32
      %dma_wait3A_64 = arith.constant 0 : i32
      %dma_wait3A_65 = tpu.memref_slice %arg5[%arg0, %dma_wait3A_63, %dma_wait3A_64] : memref<2x10000x128xf32, #tpu.memory_space<hbm>> -> memref<1x10000x128xf32, #tpu.memory_space<hbm>>
      %dma_wait3A_66 = tpu.memref_squeeze %dma_wait3A_65 : memref<1x10000x128xf32, #tpu.memory_space<hbm>> -> memref<10000x128xf32, #tpu.memory_space<hbm>>
      %dma_wait3A_67 = arith.constant 0 : i32
      %dma_wait3A_68 = tpu.memref_slice %dma_wait3A_66[%add3A_34, %dma_wait3A_67] : memref<10000x128xf32, #tpu.memory_space<hbm>> -> memref<125x128xf32, #tpu.memory_space<hbm>>
      tpu.wait_dma2 semaphore(%run_scoped3A : memref<!tpu.dma_semaphore, #tpu.memory_space<semaphore_mem>>) src(%arg8 : memref<125x128xf32, #tpu.memory_space<vmem>>) dst(%dma_wait3A_68 : memref<125x128xf32, #tpu.memory_space<hbm>>)
      tpu.yield
    }) : () -> ()
    %mul3A_35 = arith.constant 625 : i32
    %mul3A_36 = arith.muli %arg1, %mul3A_35 : i32
    %add3A_37 = arith.constant 250 : i32
    %add3A_38 = arith.addi %mul3A_36, %add3A_37 : i32
    "tpu.region"() ({
      %run_scoped3A = tpu.sem_alloc : memref<!tpu.dma_semaphore, #tpu.memory_space<semaphore_mem>>
      %dma_start3A = arith.constant 0 : i32
      %dma_start3A_47 = tpu.memref_slice %arg9[%add3A_38, %dma_start3A] : memref<10000x128xf32, #tpu.memory_space<vmem_shared>> -> memref<125x128xf32, #tpu.memory_space<vmem_shared>>
      %dma_start3A_48 = arith.constant 0 : i32
      %dma_start3A_49 = tpu.memref_slice %arg9[%add3A_38, %dma_start3A_48] : memref<10000x128xf32, #tpu.memory_space<vmem_shared>> -> memref<125x128xf32, #tpu.memory_space<vmem_shared>>
      tpu.enqueue_dma source(%dma_start3A_49 : memref<125x128xf32, #tpu.memory_space<vmem_shared>>) target(%arg8 : memref<125x128xf32, #tpu.memory_space<vmem>>) target_semaphore(%run_scoped3A : memref<!tpu.dma_semaphore, #tpu.memory_space<semaphore_mem>>)
      %dma_wait3A = arith.constant 0 : i32
      %dma_wait3A_50 = tpu.memref_slice %arg9[%add3A_38, %dma_wait3A] : memref<10000x128xf32, #tpu.memory_space<vmem_shared>> -> memref<125x128xf32, #tpu.memory_space<vmem_shared>>
      %dma_wait3A_51 = arith.constant 0 : i32
      %dma_wait3A_52 = tpu.memref_slice %arg9[%add3A_38, %dma_wait3A_51] : memref<10000x128xf32, #tpu.memory_space<vmem_shared>> -> memref<125x128xf32, #tpu.memory_space<vmem_shared>>
      tpu.wait_dma2 semaphore(%run_scoped3A : memref<!tpu.dma_semaphore, #tpu.memory_space<semaphore_mem>>) src(%dma_wait3A_52 : memref<125x128xf32, #tpu.memory_space<vmem_shared>>) dst(%arg8 : memref<125x128xf32, #tpu.memory_space<vmem>>)
      tpu.yield
    }) : () -> ()
    "tpu.region"() ({
      %run_scoped3A = tpu.sem_alloc : memref<!tpu.dma_semaphore, #tpu.memory_space<semaphore_mem>>
      %dma_start3A = arith.constant 0 : i32
      %dma_start3A_47 = arith.constant 0 : i32
      %dma_start3A_48 = tpu.memref_slice %arg5[%arg0, %dma_start3A, %dma_start3A_47] : memref<2x10000x128xf32, #tpu.memory_space<hbm>> -> memref<1x10000x128xf32, #tpu.memory_space<hbm>>
      %dma_start3A_49 = tpu.memref_squeeze %dma_start3A_48 : memref<1x10000x128xf32, #tpu.memory_space<hbm>> -> memref<10000x128xf32, #tpu.memory_space<hbm>>
      %dma_start3A_50 = arith.constant 0 : i32
      %dma_start3A_51 = tpu.memref_slice %dma_start3A_49[%add3A_38, %dma_start3A_50] : memref<10000x128xf32, #tpu.memory_space<hbm>> -> memref<125x128xf32, #tpu.memory_space<hbm>>
      %dma_start3A_52 = arith.constant 0 : i32
      %dma_start3A_53 = arith.constant 0 : i32
      %dma_start3A_54 = tpu.memref_slice %arg5[%arg0, %dma_start3A_52, %dma_start3A_53] : memref<2x10000x128xf32, #tpu.memory_space<hbm>> -> memref<1x10000x128xf32, #tpu.memory_space<hbm>>
      %dma_start3A_55 = tpu.memref_squeeze %dma_start3A_54 : memref<1x10000x128xf32, #tpu.memory_space<hbm>> -> memref<10000x128xf32, #tpu.memory_space<hbm>>
      %dma_start3A_56 = arith.constant 0 : i32
      %dma_start3A_57 = tpu.memref_slice %dma_start3A_55[%add3A_38, %dma_start3A_56] : memref<10000x128xf32, #tpu.memory_space<hbm>> -> memref<125x128xf32, #tpu.memory_space<hbm>>
      tpu.enqueue_dma source(%arg8 : memref<125x128xf32, #tpu.memory_space<vmem>>) target(%dma_start3A_57 : memref<125x128xf32, #tpu.memory_space<hbm>>) target_semaphore(%run_scoped3A : memref<!tpu.dma_semaphore, #tpu.memory_space<semaphore_mem>>)
      %dma_wait3A = arith.constant 0 : i32
      %dma_wait3A_58 = arith.constant 0 : i32
      %dma_wait3A_59 = tpu.memref_slice %arg5[%arg0, %dma_wait3A, %dma_wait3A_58] : memref<2x10000x128xf32, #tpu.memory_space<hbm>> -> memref<1x10000x128xf32, #tpu.memory_space<hbm>>
      %dma_wait3A_60 = tpu.memref_squeeze %dma_wait3A_59 : memref<1x10000x128xf32, #tpu.memory_space<hbm>> -> memref<10000x128xf32, #tpu.memory_space<hbm>>
      %dma_wait3A_61 = arith.constant 0 : i32
      %dma_wait3A_62 = tpu.memref_slice %dma_wait3A_60[%add3A_38, %dma_wait3A_61] : memref<10000x128xf32, #tpu.memory_space<hbm>> -> memref<125x128xf32, #tpu.memory_space<hbm>>
      %dma_wait3A_63 = arith.constant 0 : i32
      %dma_wait3A_64 = arith.constant 0 : i32
      %dma_wait3A_65 = tpu.memref_slice %arg5[%arg0, %dma_wait3A_63, %dma_wait3A_64] : memref<2x10000x128xf32, #tpu.memory_space<hbm>> -> memref<1x10000x128xf32, #tpu.memory_space<hbm>>
      %dma_wait3A_66 = tpu.memref_squeeze %dma_wait3A_65 : memref<1x10000x128xf32, #tpu.memory_space<hbm>> -> memref<10000x128xf32, #tpu.memory_space<hbm>>
      %dma_wait3A_67 = arith.constant 0 : i32
      %dma_wait3A_68 = tpu.memref_slice %dma_wait3A_66[%add3A_38, %dma_wait3A_67] : memref<10000x128xf32, #tpu.memory_space<hbm>> -> memref<125x128xf32, #tpu.memory_space<hbm>>
      tpu.wait_dma2 semaphore(%run_scoped3A : memref<!tpu.dma_semaphore, #tpu.memory_space<semaphore_mem>>) src(%arg8 : memref<125x128xf32, #tpu.memory_space<vmem>>) dst(%dma_wait3A_68 : memref<125x128xf32, #tpu.memory_space<hbm>>)
      tpu.yield
    }) : () -> ()
    %mul3A_39 = arith.constant 625 : i32
    %mul3A_40 = arith.muli %arg1, %mul3A_39 : i32
    %add3A_41 = arith.constant 375 : i32
    %add3A_42 = arith.addi %mul3A_40, %add3A_41 : i32
    "tpu.region"() ({
      %run_scoped3A = tpu.sem_alloc : memref<!tpu.dma_semaphore, #tpu.memory_space<semaphore_mem>>
      %dma_start3A = arith.constant 0 : i32
      %dma_start3A_47 = tpu.memref_slice %arg9[%add3A_42, %dma_start3A] : memref<10000x128xf32, #tpu.memory_space<vmem_shared>> -> memref<125x128xf32, #tpu.memory_space<vmem_shared>>
      %dma_start3A_48 = arith.constant 0 : i32
      %dma_start3A_49 = tpu.memref_slice %arg9[%add3A_42, %dma_start3A_48] : memref<10000x128xf32, #tpu.memory_space<vmem_shared>> -> memref<125x128xf32, #tpu.memory_space<vmem_shared>>
      tpu.enqueue_dma source(%dma_start3A_49 : memref<125x128xf32, #tpu.memory_space<vmem_shared>>) target(%arg8 : memref<125x128xf32, #tpu.memory_space<vmem>>) target_semaphore(%run_scoped3A : memref<!tpu.dma_semaphore, #tpu.memory_space<semaphore_mem>>)
      %dma_wait3A = arith.constant 0 : i32
      %dma_wait3A_50 = tpu.memref_slice %arg9[%add3A_42, %dma_wait3A] : memref<10000x128xf32, #tpu.memory_space<vmem_shared>> -> memref<125x128xf32, #tpu.memory_space<vmem_shared>>
      %dma_wait3A_51 = arith.constant 0 : i32
      %dma_wait3A_52 = tpu.memref_slice %arg9[%add3A_42, %dma_wait3A_51] : memref<10000x128xf32, #tpu.memory_space<vmem_shared>> -> memref<125x128xf32, #tpu.memory_space<vmem_shared>>
      tpu.wait_dma2 semaphore(%run_scoped3A : memref<!tpu.dma_semaphore, #tpu.memory_space<semaphore_mem>>) src(%dma_wait3A_52 : memref<125x128xf32, #tpu.memory_space<vmem_shared>>) dst(%arg8 : memref<125x128xf32, #tpu.memory_space<vmem>>)
      tpu.yield
    }) : () -> ()
    "tpu.region"() ({
      %run_scoped3A = tpu.sem_alloc : memref<!tpu.dma_semaphore, #tpu.memory_space<semaphore_mem>>
      %dma_start3A = arith.constant 0 : i32
      %dma_start3A_47 = arith.constant 0 : i32
      %dma_start3A_48 = tpu.memref_slice %arg5[%arg0, %dma_start3A, %dma_start3A_47] : memref<2x10000x128xf32, #tpu.memory_space<hbm>> -> memref<1x10000x128xf32, #tpu.memory_space<hbm>>
      %dma_start3A_49 = tpu.memref_squeeze %dma_start3A_48 : memref<1x10000x128xf32, #tpu.memory_space<hbm>> -> memref<10000x128xf32, #tpu.memory_space<hbm>>
      %dma_start3A_50 = arith.constant 0 : i32
      %dma_start3A_51 = tpu.memref_slice %dma_start3A_49[%add3A_42, %dma_start3A_50] : memref<10000x128xf32, #tpu.memory_space<hbm>> -> memref<125x128xf32, #tpu.memory_space<hbm>>
      %dma_start3A_52 = arith.constant 0 : i32
      %dma_start3A_53 = arith.constant 0 : i32
      %dma_start3A_54 = tpu.memref_slice %arg5[%arg0, %dma_start3A_52, %dma_start3A_53] : memref<2x10000x128xf32, #tpu.memory_space<hbm>> -> memref<1x10000x128xf32, #tpu.memory_space<hbm>>
      %dma_start3A_55 = tpu.memref_squeeze %dma_start3A_54 : memref<1x10000x128xf32, #tpu.memory_space<hbm>> -> memref<10000x128xf32, #tpu.memory_space<hbm>>
      %dma_start3A_56 = arith.constant 0 : i32
      %dma_start3A_57 = tpu.memref_slice %dma_start3A_55[%add3A_42, %dma_start3A_56] : memref<10000x128xf32, #tpu.memory_space<hbm>> -> memref<125x128xf32, #tpu.memory_space<hbm>>
      tpu.enqueue_dma source(%arg8 : memref<125x128xf32, #tpu.memory_space<vmem>>) target(%dma_start3A_57 : memref<125x128xf32, #tpu.memory_space<hbm>>) target_semaphore(%run_scoped3A : memref<!tpu.dma_semaphore, #tpu.memory_space<semaphore_mem>>)
      %dma_wait3A = arith.constant 0 : i32
      %dma_wait3A_58 = arith.constant 0 : i32
      %dma_wait3A_59 = tpu.memref_slice %arg5[%arg0, %dma_wait3A, %dma_wait3A_58] : memref<2x10000x128xf32, #tpu.memory_space<hbm>> -> memref<1x10000x128xf32, #tpu.memory_space<hbm>>
      %dma_wait3A_60 = tpu.memref_squeeze %dma_wait3A_59 : memref<1x10000x128xf32, #tpu.memory_space<hbm>> -> memref<10000x128xf32, #tpu.memory_space<hbm>>
      %dma_wait3A_61 = arith.constant 0 : i32
      %dma_wait3A_62 = tpu.memref_slice %dma_wait3A_60[%add3A_42, %dma_wait3A_61] : memref<10000x128xf32, #tpu.memory_space<hbm>> -> memref<125x128xf32, #tpu.memory_space<hbm>>
      %dma_wait3A_63 = arith.constant 0 : i32
      %dma_wait3A_64 = arith.constant 0 : i32
      %dma_wait3A_65 = tpu.memref_slice %arg5[%arg0, %dma_wait3A_63, %dma_wait3A_64] : memref<2x10000x128xf32, #tpu.memory_space<hbm>> -> memref<1x10000x128xf32, #tpu.memory_space<hbm>>
      %dma_wait3A_66 = tpu.memref_squeeze %dma_wait3A_65 : memref<1x10000x128xf32, #tpu.memory_space<hbm>> -> memref<10000x128xf32, #tpu.memory_space<hbm>>
      %dma_wait3A_67 = arith.constant 0 : i32
      %dma_wait3A_68 = tpu.memref_slice %dma_wait3A_66[%add3A_42, %dma_wait3A_67] : memref<10000x128xf32, #tpu.memory_space<hbm>> -> memref<125x128xf32, #tpu.memory_space<hbm>>
      tpu.wait_dma2 semaphore(%run_scoped3A : memref<!tpu.dma_semaphore, #tpu.memory_space<semaphore_mem>>) src(%arg8 : memref<125x128xf32, #tpu.memory_space<vmem>>) dst(%dma_wait3A_68 : memref<125x128xf32, #tpu.memory_space<hbm>>)
      tpu.yield
    }) : () -> ()
    %mul3A_43 = arith.constant 625 : i32
    %mul3A_44 = arith.muli %arg1, %mul3A_43 : i32
    %add3A_45 = arith.constant 500 : i32
    %add3A_46 = arith.addi %mul3A_44, %add3A_45 : i32
    "tpu.region"() ({
      %run_scoped3A = tpu.sem_alloc : memref<!tpu.dma_semaphore, #tpu.memory_space<semaphore_mem>>
      %dma_start3A = arith.constant 0 : i32
      %dma_start3A_47 = tpu.memref_slice %arg9[%add3A_46, %dma_start3A] : memref<10000x128xf32, #tpu.memory_space<vmem_shared>> -> memref<125x128xf32, #tpu.memory_space<vmem_shared>>
      %dma_start3A_48 = arith.constant 0 : i32
      %dma_start3A_49 = tpu.memref_slice %arg9[%add3A_46, %dma_start3A_48] : memref<10000x128xf32, #tpu.memory_space<vmem_shared>> -> memref<125x128xf32, #tpu.memory_space<vmem_shared>>
      tpu.enqueue_dma source(%dma_start3A_49 : memref<125x128xf32, #tpu.memory_space<vmem_shared>>) target(%arg8 : memref<125x128xf32, #tpu.memory_space<vmem>>) target_semaphore(%run_scoped3A : memref<!tpu.dma_semaphore, #tpu.memory_space<semaphore_mem>>)
      %dma_wait3A = arith.constant 0 : i32
      %dma_wait3A_50 = tpu.memref_slice %arg9[%add3A_46, %dma_wait3A] : memref<10000x128xf32, #tpu.memory_space<vmem_shared>> -> memref<125x128xf32, #tpu.memory_space<vmem_shared>>
      %dma_wait3A_51 = arith.constant 0 : i32
      %dma_wait3A_52 = tpu.memref_slice %arg9[%add3A_46, %dma_wait3A_51] : memref<10000x128xf32, #tpu.memory_space<vmem_shared>> -> memref<125x128xf32, #tpu.memory_space<vmem_shared>>
      tpu.wait_dma2 semaphore(%run_scoped3A : memref<!tpu.dma_semaphore, #tpu.memory_space<semaphore_mem>>) src(%dma_wait3A_52 : memref<125x128xf32, #tpu.memory_space<vmem_shared>>) dst(%arg8 : memref<125x128xf32, #tpu.memory_space<vmem>>)
      tpu.yield
    }) : () -> ()
    "tpu.region"() ({
      %run_scoped3A = tpu.sem_alloc : memref<!tpu.dma_semaphore, #tpu.memory_space<semaphore_mem>>
      %dma_start3A = arith.constant 0 : i32
      %dma_start3A_47 = arith.constant 0 : i32
      %dma_start3A_48 = tpu.memref_slice %arg5[%arg0, %dma_start3A, %dma_start3A_47] : memref<2x10000x128xf32, #tpu.memory_space<hbm>> -> memref<1x10000x128xf32, #tpu.memory_space<hbm>>
      %dma_start3A_49 = tpu.memref_squeeze %dma_start3A_48 : memref<1x10000x128xf32, #tpu.memory_space<hbm>> -> memref<10000x128xf32, #tpu.memory_space<hbm>>
      %dma_start3A_50 = arith.constant 0 : i32
      %dma_start3A_51 = tpu.memref_slice %dma_start3A_49[%add3A_46, %dma_start3A_50] : memref<10000x128xf32, #tpu.memory_space<hbm>> -> memref<125x128xf32, #tpu.memory_space<hbm>>
      %dma_start3A_52 = arith.constant 0 : i32
      %dma_start3A_53 = arith.constant 0 : i32
      %dma_start3A_54 = tpu.memref_slice %arg5[%arg0, %dma_start3A_52, %dma_start3A_53] : memref<2x10000x128xf32, #tpu.memory_space<hbm>> -> memref<1x10000x128xf32, #tpu.memory_space<hbm>>
      %dma_start3A_55 = tpu.memref_squeeze %dma_start3A_54 : memref<1x10000x128xf32, #tpu.memory_space<hbm>> -> memref<10000x128xf32, #tpu.memory_space<hbm>>
      %dma_start3A_56 = arith.constant 0 : i32
      %dma_start3A_57 = tpu.memref_slice %dma_start3A_55[%add3A_46, %dma_start3A_56] : memref<10000x128xf32, #tpu.memory_space<hbm>> -> memref<125x128xf32, #tpu.memory_space<hbm>>
      tpu.enqueue_dma source(%arg8 : memref<125x128xf32, #tpu.memory_space<vmem>>) target(%dma_start3A_57 : memref<125x128xf32, #tpu.memory_space<hbm>>) target_semaphore(%run_scoped3A : memref<!tpu.dma_semaphore, #tpu.memory_space<semaphore_mem>>)
      %dma_wait3A = arith.constant 0 : i32
      %dma_wait3A_58 = arith.constant 0 : i32
      %dma_wait3A_59 = tpu.memref_slice %arg5[%arg0, %dma_wait3A, %dma_wait3A_58] : memref<2x10000x128xf32, #tpu.memory_space<hbm>> -> memref<1x10000x128xf32, #tpu.memory_space<hbm>>
      %dma_wait3A_60 = tpu.memref_squeeze %dma_wait3A_59 : memref<1x10000x128xf32, #tpu.memory_space<hbm>> -> memref<10000x128xf32, #tpu.memory_space<hbm>>
      %dma_wait3A_61 = arith.constant 0 : i32
      %dma_wait3A_62 = tpu.memref_slice %dma_wait3A_60[%add3A_46, %dma_wait3A_61] : memref<10000x128xf32, #tpu.memory_space<hbm>> -> memref<125x128xf32, #tpu.memory_space<hbm>>
      %dma_wait3A_63 = arith.constant 0 : i32
      %dma_wait3A_64 = arith.constant 0 : i32
      %dma_wait3A_65 = tpu.memref_slice %arg5[%arg0, %dma_wait3A_63, %dma_wait3A_64] : memref<2x10000x128xf32, #tpu.memory_space<hbm>> -> memref<1x10000x128xf32, #tpu.memory_space<hbm>>
      %dma_wait3A_66 = tpu.memref_squeeze %dma_wait3A_65 : memref<1x10000x128xf32, #tpu.memory_space<hbm>> -> memref<10000x128xf32, #tpu.memory_space<hbm>>
      %dma_wait3A_67 = arith.constant 0 : i32
      %dma_wait3A_68 = tpu.memref_slice %dma_wait3A_66[%add3A_46, %dma_wait3A_67] : memref<10000x128xf32, #tpu.memory_space<hbm>> -> memref<125x128xf32, #tpu.memory_space<hbm>>
      tpu.wait_dma2 semaphore(%run_scoped3A : memref<!tpu.dma_semaphore, #tpu.memory_space<semaphore_mem>>) src(%arg8 : memref<125x128xf32, #tpu.memory_space<vmem>>) dst(%dma_wait3A_68 : memref<125x128xf32, #tpu.memory_space<hbm>>)
      tpu.yield
    }) : () -> ()
    return
  }
}

#map = affine_map<(d0, d1) -> (0, 0)>
#map1 = affine_map<(d0, d1) -> (0)>
module attributes {stable_mosaic.version = 14 : i64} {
  func.func @_take_k(%arg0: i32, %arg1: i32, %arg2: memref<10000x16xf32, #tpu.memory_space<hbm>>, %arg3: memref<1024xi32, #tpu.memory_space<hbm>>, %arg4: memref<1024x16xf32, #tpu.memory_space<hbm>>, %arg5: memref<32xi32, #tpu.memory_space<vmem>>, %arg6: memref<32x16xf32, #tpu.memory_space<vmem>>, %arg7: memref<!tpu.dma_semaphore, #tpu.memory_space<semaphore_mem>>) attributes {dimension_semantics = [#tpu.dimension_semantics<core_parallel>, #tpu.dimension_semantics<subcore_parallel>], iteration_bounds = array<i64: 2, 16>, scalar_prefetch = 0 : i64, scratch_operands = 3 : i64, tpu.core_type = #tpu.core_type<sc_vector_subcore>, window_params = [{transform_indices = #map}, {transform_indices = #map1}, {transform_indices = #map}]} {
    %mul3A = arith.constant 2 : i32
    %mul3A_0 = arith.muli %arg1, %mul3A : i32
    %add3A = arith.addi %mul3A_0, %arg0 : i32
    %mul3A_1 = arith.constant 32 : i32
    %mul3A_2 = arith.muli %add3A, %mul3A_1 : i32
    "tpu.region"() ({
      %run_scoped3A = tpu.sem_alloc : memref<!tpu.dma_semaphore, #tpu.memory_space<semaphore_mem>>
      %dma_start3A_7 = tpu.memref_slice %arg3[%mul3A_2] : memref<1024xi32, #tpu.memory_space<hbm>> -> memref<32xi32, #tpu.memory_space<hbm>>
      %dma_start3A_8 = tpu.memref_slice %arg3[%mul3A_2] : memref<1024xi32, #tpu.memory_space<hbm>> -> memref<32xi32, #tpu.memory_space<hbm>>
      tpu.enqueue_dma source(%dma_start3A_8 : memref<32xi32, #tpu.memory_space<hbm>>) target(%arg5 : memref<32xi32, #tpu.memory_space<vmem>>) target_semaphore(%run_scoped3A : memref<!tpu.dma_semaphore, #tpu.memory_space<semaphore_mem>>)
      %dma_wait3A_9 = tpu.memref_slice %arg3[%mul3A_2] : memref<1024xi32, #tpu.memory_space<hbm>> -> memref<32xi32, #tpu.memory_space<hbm>>
      %dma_wait3A_10 = tpu.memref_slice %arg3[%mul3A_2] : memref<1024xi32, #tpu.memory_space<hbm>> -> memref<32xi32, #tpu.memory_space<hbm>>
      tpu.wait_dma2 semaphore(%run_scoped3A : memref<!tpu.dma_semaphore, #tpu.memory_space<semaphore_mem>>) src(%dma_wait3A_10 : memref<32xi32, #tpu.memory_space<hbm>>) dst(%arg5 : memref<32xi32, #tpu.memory_space<vmem>>)
      tpu.yield
    }) : () -> ()
    %dma_start3A = arith.constant 0 : i32
    %dma_start3A_3 = arith.constant 0 : i32
    %dma_start3A_4 = tpu.memref_slice %arg2[%dma_start3A, %dma_start3A_3] : memref<10000x16xf32, #tpu.memory_space<hbm>> -> memref<10000x16xf32, #tpu.memory_space<hbm>>
    tpu.enqueue_indirect_dma source(%dma_start3A_4 : memref<10000x16xf32, #tpu.memory_space<hbm>>) target(%arg6 : memref<32x16xf32, #tpu.memory_space<vmem>>) offsets(%arg5 : memref<32xi32, #tpu.memory_space<vmem>>) semaphore(%arg7 : memref<!tpu.dma_semaphore, #tpu.memory_space<semaphore_mem>>)
    %dma_wait3A = arith.constant 0 : i32
    %dma_wait3A_5 = arith.constant 0 : i32
    %dma_wait3A_6 = tpu.memref_slice %arg2[%dma_wait3A, %dma_wait3A_5] : memref<10000x16xf32, #tpu.memory_space<hbm>> -> memref<10000x16xf32, #tpu.memory_space<hbm>>
    tpu.wait_indirect_dma semaphore(%arg7 : memref<!tpu.dma_semaphore, #tpu.memory_space<semaphore_mem>>) src(%dma_wait3A_6 : memref<10000x16xf32, #tpu.memory_space<hbm>>) dst(%arg6 : memref<32x16xf32, #tpu.memory_space<vmem>>)
    "tpu.region"() ({
      %run_scoped3A = tpu.sem_alloc : memref<!tpu.dma_semaphore, #tpu.memory_space<semaphore_mem>>
      %dma_start3A_7 = arith.constant 0 : i32
      %dma_start3A_8 = tpu.memref_slice %arg4[%mul3A_2, %dma_start3A_7] : memref<1024x16xf32, #tpu.memory_space<hbm>> -> memref<32x16xf32, #tpu.memory_space<hbm>>
      %dma_start3A_9 = arith.constant 0 : i32
      %dma_start3A_10 = tpu.memref_slice %arg4[%mul3A_2, %dma_start3A_9] : memref<1024x16xf32, #tpu.memory_space<hbm>> -> memref<32x16xf32, #tpu.memory_space<hbm>>
      tpu.enqueue_dma source(%arg6 : memref<32x16xf32, #tpu.memory_space<vmem>>) target(%dma_start3A_10 : memref<32x16xf32, #tpu.memory_space<hbm>>) target_semaphore(%run_scoped3A : memref<!tpu.dma_semaphore, #tpu.memory_space<semaphore_mem>>)
      %dma_wait3A_11 = arith.constant 0 : i32
      %dma_wait3A_12 = tpu.memref_slice %arg4[%mul3A_2, %dma_wait3A_11] : memref<1024x16xf32, #tpu.memory_space<hbm>> -> memref<32x16xf32, #tpu.memory_space<hbm>>
      %dma_wait3A_13 = arith.constant 0 : i32
      %dma_wait3A_14 = tpu.memref_slice %arg4[%mul3A_2, %dma_wait3A_13] : memref<1024x16xf32, #tpu.memory_space<hbm>> -> memref<32x16xf32, #tpu.memory_space<hbm>>
      tpu.wait_dma2 semaphore(%run_scoped3A : memref<!tpu.dma_semaphore, #tpu.memory_space<semaphore_mem>>) src(%arg6 : memref<32x16xf32, #tpu.memory_space<vmem>>) dst(%dma_wait3A_14 : memref<32x16xf32, #tpu.memory_space<hbm>>)
      tpu.yield
    }) : () -> ()
    return
  }
}

module attributes {stable_mosaic.version = 14 : i64} {
  func.func @_mm_body(%arg0: i32, %arg1: memref<1000x128xf32, #tpu.memory_space<vmem>>, %arg2: memref<128x128xf32, #tpu.memory_space<vmem>>, %arg3: memref<1000x128xf32, #tpu.memory_space<vmem>>) attributes {dimension_semantics = [#tpu.dimension_semantics<arbitrary>], iteration_bounds = array<i64: 10>, scalar_prefetch = 0 : i64, scratch_operands = 0 : i64, tpu.core_type = #tpu.core_type<tc>, window_params = [{transform_indices = @transform_0, window_bounds = array<i64: 1000, 128>}, {pipeline_mode = #tpu.pipeline_mode<synchronous>, transform_indices = @transform_1, window_bounds = array<i64: 128, 128>}, {transform_indices = @transform_2, window_bounds = array<i64: 1000, 128>}]} {
    %get3A = arith.constant 0 : index
    %get3A_0 = arith.constant 0 : index
    %get3A_1 = vector.load %arg1[%get3A, %get3A_0] : memref<1000x128xf32, #tpu.memory_space<vmem>>, vector<1000x128xf32>
    %get3A_2 = arith.constant 0 : index
    %get3A_3 = arith.constant 0 : index
    %get3A_4 = vector.load %arg2[%get3A_2, %get3A_3] : memref<128x128xf32, #tpu.memory_space<vmem>>, vector<128x128xf32>
    %dot_general3A = arith.constant dense<0.000000e+00> : vector<1000x128xf32>
    %dot_general3A_5 = tpu.matmul %get3A_1, %get3A_4, %dot_general3A {dimension_numbers = #tpu.dot_dimension_numbers<[1], [0], [0], [1], [0, 0, 1, 1], [], []>, precision = #tpu.contract_precision<fp32>, transpose_lhs_hint = false} : vector<1000x128xf32>, vector<128x128xf32>, vector<1000x128xf32> -> vector<1000x128xf32>
    %swap3A = arith.constant 0 : index
    %swap3A_6 = arith.constant 0 : index
    %swap3A_7 = vector.load %arg3[%swap3A, %swap3A_6] : memref<1000x128xf32, #tpu.memory_space<vmem>>, vector<1000x128xf32>
    tpu.vector_store %arg3[%swap3A, %swap3A_6], %dot_general3A_5 {strides = array<i32>} : memref<1000x128xf32, #tpu.memory_space<vmem>>, vector<1000x128xf32>,
    return
  }
  func.func @transform_0(%arg0: i32) -> (i32, i32) {
    %c0_i32 = arith.constant 0 : i32
    %c0_i32_0 = arith.constant 0 : i32
    return %arg0, %c0_i32 : i32, i32
  }
  func.func @transform_1(%arg0: i32) -> (i32, i32) {
    %c0_i32 = arith.constant 0 : i32
    %c0_i32_0 = arith.constant 0 : i32
    %c0_i32_1 = arith.constant 0 : i32
    return %c0_i32, %c0_i32_0 : i32, i32
  }
  func.func @transform_2(%arg0: i32) -> (i32, i32) {
    %c0_i32 = arith.constant 0 : i32
    %c0_i32_0 = arith.constant 0 : i32
    return %arg0, %c0_i32 : i32, i32
  }
}

module attributes {stable_mosaic.version = 14 : i64} {
  func.func @_edge1_body(%arg0: i32, %arg1: memref<1280x128xf32, #tpu.memory_space<vmem>>, %arg2: memref<1280x128xf32, #tpu.memory_space<vmem>>, %arg3: memref<128x16xf32, #tpu.memory_space<vmem>>, %arg4: memref<16x128xf32, #tpu.memory_space<vmem>>, %arg5: memref<16x128xf32, #tpu.memory_space<vmem>>, %arg6: memref<1280x128xf32, #tpu.memory_space<vmem>>) attributes {dimension_semantics = [#tpu.dimension_semantics<arbitrary>], iteration_bounds = array<i64: 250>, scalar_prefetch = 0 : i64, scratch_operands = 0 : i64, tpu.core_type = #tpu.core_type<tc>, window_params = [{transform_indices = @transform_0, window_bounds = array<i64: 1280, 128>}, {transform_indices = @transform_1, window_bounds = array<i64: 1280, 128>}, {pipeline_mode = #tpu.pipeline_mode<synchronous>, transform_indices = @transform_2, window_bounds = array<i64: 128, 16>}, {pipeline_mode = #tpu.pipeline_mode<synchronous>, transform_indices = @transform_3, window_bounds = array<i64: 16, 128>}, {pipeline_mode = #tpu.pipeline_mode<synchronous>, transform_indices = @transform_4, window_bounds = array<i64: 16, 128>}, {transform_indices = @transform_5, window_bounds = array<i64: 1280, 128>}]} {
    %get3A = arith.constant 0 : index
    %get3A_0 = arith.constant 0 : index
    %get3A_1 = vector.load %arg1[%get3A, %get3A_0] : memref<1280x128xf32, #tpu.memory_space<vmem>>, vector<1280x128xf32>
    %get3A_2 = arith.constant 0 : index
    %get3A_3 = arith.constant 0 : index
    %get3A_4 = vector.load %arg2[%get3A_2, %get3A_3] : memref<1280x128xf32, #tpu.memory_space<vmem>>, vector<1280x128xf32>
    %add3A = arith.addf %get3A_1, %get3A_4 : vector<1280x128xf32>
    %gt3A = arith.constant 0.000000e+00 : f32
    %gt3A_5 = vector.broadcast %gt3A : f32 to vector<1280x128xf32>
    %gt3A_6 = arith.cmpf ogt, %add3A, %gt3A_5 : vector<1280x128xf32>
    %mul3A = arith.constant 2.000000e-01 : f32
    %mul3A_7 = vector.broadcast %mul3A : f32 to vector<1280x128xf32>
    %mul3A_8 = arith.mulf %mul3A_7, %add3A : vector<1280x128xf32>
    %select_n3A = arith.select %gt3A_6, %add3A, %mul3A_8 : vector<1280x128xi1>, vector<1280x128xf32>
    %get3A_9 = arith.constant 0 : index
    %get3A_10 = arith.constant 0 : index
    %get3A_11 = vector.load %arg3[%get3A_9, %get3A_10] : memref<128x16xf32, #tpu.memory_space<vmem>>, vector<128x16xf32>
    %dot_general3A = arith.constant dense<0.000000e+00> : vector<1280x16xf32>
    %dot_general3A_12 = tpu.matmul %select_n3A, %get3A_11, %dot_general3A {dimension_numbers = #tpu.dot_dimension_numbers<[1], [0], [0], [1], [0, 0, 1, 1], [], []>, precision = #tpu.contract_precision<fp32>, transpose_lhs_hint = false} : vector<1280x128xf32>, vector<128x16xf32>, vector<1280x16xf32> -> vector<1280x16xf32>
    %iota3A = tpu.iota {dimensions = array<i32: 1>} : vector<1280x16xi32>
    %lt3A = arith.constant 8 : i32
    %lt3A_13 = vector.broadcast %lt3A : i32 to vector<1280x16xi32>
    %lt3A_14 = arith.cmpi slt, %iota3A, %lt3A_13 : vector<1280x16xi32>
    %exp3A = math.exp %dot_general3A_12 : vector<1280x16xf32>
    %jit3A = arith.constant 0.000000e+00 : f32
    %broadcast_in_dim3A = vector.broadcast %jit3A : f32 to vector<1280x16xf32>
    %select_n3A_15 = arith.select %lt3A_14, %exp3A, %broadcast_in_dim3A : vector<1280x16xi1>, vector<1280x16xf32>
    %get3A_16 = arith.constant 0 : index
    %get3A_17 = arith.constant 0 : index
    %get3A_18 = vector.load %arg4[%get3A_16, %get3A_17] : memref<16x128xf32, #tpu.memory_space<vmem>>, vector<16x128xf32>
    %dot_general3A_19 = arith.constant dense<0.000000e+00> : vector<1280x128xf32>
    %dot_general3A_20 = tpu.matmul %select_n3A_15, %get3A_18, %dot_general3A_19 {dimension_numbers = #tpu.dot_dimension_numbers<[1], [0], [0], [1], [0, 0, 1, 1], [], []>, precision = #tpu.contract_precision<fp32>, transpose_lhs_hint = false} : vector<1280x16xf32>, vector<16x128xf32>, vector<1280x128xf32> -> vector<1280x128xf32>
    %get3A_21 = arith.constant 0 : index
    %get3A_22 = arith.constant 0 : index
    %get3A_23 = vector.load %arg1[%get3A_21, %get3A_22] : memref<1280x128xf32, #tpu.memory_space<vmem>>, vector<1280x128xf32>
    %mul3A_24 = arith.mulf %dot_general3A_20, %get3A_23 : vector<1280x128xf32>
    %get3A_25 = arith.constant 0 : index
    %get3A_26 = arith.constant 0 : index
    %get3A_27 = vector.load %arg5[%get3A_25, %get3A_26] : memref<16x128xf32, #tpu.memory_space<vmem>>, vector<16x128xf32>
    %dot_general3A_28 = arith.constant dense<0.000000e+00> : vector<1280x128xf32>
    %dot_general3A_29 = tpu.matmul %select_n3A_15, %get3A_27, %dot_general3A_28 {dimension_numbers = #tpu.dot_dimension_numbers<[1], [0], [0], [1], [0, 0, 1, 1], [], []>, precision = #tpu.contract_precision<fp32>, transpose_lhs_hint = false} : vector<1280x16xf32>, vector<16x128xf32>, vector<1280x128xf32> -> vector<1280x128xf32>
    %add3A_30 = arith.addf %mul3A_24, %dot_general3A_29 : vector<1280x128xf32>
    %swap3A = arith.constant 0 : index
    %swap3A_31 = arith.constant 0 : index
    %swap3A_32 = vector.load %arg6[%swap3A, %swap3A_31] : memref<1280x128xf32, #tpu.memory_space<vmem>>, vector<1280x128xf32>
    tpu.vector_store %arg6[%swap3A, %swap3A_31], %add3A_30 {strides = array<i32>} : memref<1280x128xf32, #tpu.memory_space<vmem>>, vector<1280x128xf32>,
    return
  }
  func.func @transform_0(%arg0: i32) -> (i32, i32) {
    %c0_i32 = arith.constant 0 : i32
    %c0_i32_0 = arith.constant 0 : i32
    return %arg0, %c0_i32 : i32, i32
  }
  func.func @transform_1(%arg0: i32) -> (i32, i32) {
    %c0_i32 = arith.constant 0 : i32
    %c0_i32_0 = arith.constant 0 : i32
    return %arg0, %c0_i32 : i32, i32
  }
  func.func @transform_2(%arg0: i32) -> (i32, i32) {
    %c0_i32 = arith.constant 0 : i32
    %c0_i32_0 = arith.constant 0 : i32
    %c0_i32_1 = arith.constant 0 : i32
    return %c0_i32, %c0_i32_0 : i32, i32
  }
  func.func @transform_3(%arg0: i32) -> (i32, i32) {
    %c0_i32 = arith.constant 0 : i32
    %c0_i32_0 = arith.constant 0 : i32
    %c0_i32_1 = arith.constant 0 : i32
    return %c0_i32, %c0_i32_0 : i32, i32
  }
  func.func @transform_4(%arg0: i32) -> (i32, i32) {
    %c0_i32 = arith.constant 0 : i32
    %c0_i32_0 = arith.constant 0 : i32
    %c0_i32_1 = arith.constant 0 : i32
    return %c0_i32, %c0_i32_0 : i32, i32
  }
  func.func @transform_5(%arg0: i32) -> (i32, i32) {
    %c0_i32 = arith.constant 0 : i32
    %c0_i32_0 = arith.constant 0 : i32
    return %arg0, %c0_i32 : i32, i32
  }
}

module attributes {stable_mosaic.version = 14 : i64} {
  func.func @_fin1_body(%arg0: i32, %arg1: memref<2x1000x128xf32, #tpu.memory_space<vmem>>, %arg2: memref<1x64xf32, #tpu.memory_space<vmem>>, %arg3: memref<64x128xf32, #tpu.memory_space<vmem>>, %arg4: memref<16x64xf32, #tpu.memory_space<vmem>>, %arg5: memref<1000x128xf32, #tpu.memory_space<vmem>>) attributes {dimension_semantics = [#tpu.dimension_semantics<arbitrary>], iteration_bounds = array<i64: 10>, scalar_prefetch = 0 : i64, scratch_operands = 0 : i64, tpu.core_type = #tpu.core_type<tc>, window_params = [{transform_indices = @transform_0, window_bounds = array<i64: 2, 1000, 128>}, {pipeline_mode = #tpu.pipeline_mode<synchronous>, transform_indices = @transform_1, window_bounds = array<i64: 1, 64>}, {pipeline_mode = #tpu.pipeline_mode<synchronous>, transform_indices = @transform_2, window_bounds = array<i64: 64, 128>}, {pipeline_mode = #tpu.pipeline_mode<synchronous>, transform_indices = @transform_3, window_bounds = array<i64: 16, 64>}, {transform_indices = @transform_4, window_bounds = array<i64: 1000, 128>}]} {
    %get3A = arith.constant 0 : index
    %get3A_0 = arith.constant 0 : index
    %get3A_1 = arith.constant 0 : index
    %get3A_2 = vector.load %arg1[%get3A, %get3A_0, %get3A_1] : memref<2x1000x128xf32, #tpu.memory_space<vmem>>, vector<1x1000x128xf32>
    %get3A_3 = vector.shape_cast %get3A_2 : vector<1x1000x128xf32> to vector<1000x128xf32>
    %get3A_4 = arith.constant 1 : index
    %get3A_5 = arith.constant 0 : index
    %get3A_6 = arith.constant 0 : index
    %get3A_7 = vector.load %arg1[%get3A_4, %get3A_5, %get3A_6] : memref<2x1000x128xf32, #tpu.memory_space<vmem>>, vector<1x1000x128xf32>
    %get3A_8 = vector.shape_cast %get3A_7 : vector<1x1000x128xf32> to vector<1000x128xf32>
    %add3A = arith.addf %get3A_3, %get3A_8 : vector<1000x128xf32>
    %slice3A = vector.extract_strided_slice %add3A {offsets = [0, 64], sizes = [1000, 16], strides = [1, 1]} : vector<1000x128xf32> to vector<1000x16xf32>
    %get3A_9 = arith.constant 0 : index
    %get3A_10 = arith.constant 0 : index
    %get3A_11 = vector.load %arg4[%get3A_9, %get3A_10] : memref<16x64xf32, #tpu.memory_space<vmem>>, vector<16x64xf32>
    %dot_general3A = arith.constant dense<0.000000e+00> : vector<1000x64xf32>
    %dot_general3A_12 = tpu.matmul %slice3A, %get3A_11, %dot_general3A {dimension_numbers = #tpu.dot_dimension_numbers<[1], [0], [0], [1], [0, 0, 1, 1], [], []>, precision = #tpu.contract_precision<fp32>, transpose_lhs_hint = false} : vector<1000x16xf32>, vector<16x64xf32>, vector<1000x64xf32> -> vector<1000x64xf32>
    %add3A_13 = arith.constant 9.99999971E-10 : f32
    %add3A_14 = vector.broadcast %add3A_13 : f32 to vector<1000x64xf32>
    %add3A_15 = arith.addf %dot_general3A_12, %add3A_14 : vector<1000x64xf32>
    %slice3A_16 = vector.extract_strided_slice %add3A {offsets = [0, 0], sizes = [1000, 64], strides = [1, 1]} : vector<1000x128xf32> to vector<1000x64xf32>
    %div3A = arith.divf %slice3A_16, %add3A_15 : vector<1000x64xf32>
    %get3A_17 = arith.constant 0 : index
    %get3A_18 = arith.constant 0 : index
    %get3A_19 = vector.load %arg2[%get3A_17, %get3A_18] : memref<1x64xf32, #tpu.memory_space<vmem>>, vector<1x64xf32>
    %add3A_20 = vector.broadcast %get3A_19 : vector<1x64xf32> to vector<1000x64xf32>
    %add3A_21 = arith.addf %div3A, %add3A_20 : vector<1000x64xf32>
    %gt3A = arith.constant 0.000000e+00 : f32
    %gt3A_22 = vector.broadcast %gt3A : f32 to vector<1000x64xf32>
    %gt3A_23 = arith.cmpf ogt, %add3A_21, %gt3A_22 : vector<1000x64xf32>
    %exp3A = math.exp %add3A_21 : vector<1000x64xf32>
    %sub3A = arith.constant 1.000000e+00 : f32
    %sub3A_24 = vector.broadcast %sub3A : f32 to vector<1000x64xf32>
    %sub3A_25 = arith.subf %exp3A, %sub3A_24 : vector<1000x64xf32>
    %select_n3A = arith.select %gt3A_23, %add3A_21, %sub3A_25 : vector<1000x64xi1>, vector<1000x64xf32>
    %get3A_26 = arith.constant 0 : index
    %get3A_27 = arith.constant 0 : index
    %get3A_28 = vector.load %arg3[%get3A_26, %get3A_27] : memref<64x128xf32, #tpu.memory_space<vmem>>, vector<64x128xf32>
    %dot_general3A_29 = arith.constant dense<0.000000e+00> : vector<1000x128xf32>
    %dot_general3A_30 = tpu.matmul %select_n3A, %get3A_28, %dot_general3A_29 {dimension_numbers = #tpu.dot_dimension_numbers<[1], [0], [0], [1], [0, 0, 1, 1], [], []>, precision = #tpu.contract_precision<fp32>, transpose_lhs_hint = false} : vector<1000x64xf32>, vector<64x128xf32>, vector<1000x128xf32> -> vector<1000x128xf32>
    %swap3A = arith.constant 0 : index
    %swap3A_31 = arith.constant 0 : index
    %swap3A_32 = vector.load %arg5[%swap3A, %swap3A_31] : memref<1000x128xf32, #tpu.memory_space<vmem>>, vector<1000x128xf32>
    tpu.vector_store %arg5[%swap3A, %swap3A_31], %dot_general3A_30 {strides = array<i32>} : memref<1000x128xf32, #tpu.memory_space<vmem>>, vector<1000x128xf32>,
    return
  }
  func.func @transform_0(%arg0: i32) -> (i32, i32, i32) {
    %c0_i32 = arith.constant 0 : i32
    %c0_i32_0 = arith.constant 0 : i32
    %c0_i32_1 = arith.constant 0 : i32
    return %c0_i32, %arg0, %c0_i32_0 : i32, i32, i32
  }
  func.func @transform_1(%arg0: i32) -> (i32, i32) {
    %c0_i32 = arith.constant 0 : i32
    %c0_i32_0 = arith.constant 0 : i32
    %c0_i32_1 = arith.constant 0 : i32
    return %c0_i32, %c0_i32_0 : i32, i32
  }
  func.func @transform_2(%arg0: i32) -> (i32, i32) {
    %c0_i32 = arith.constant 0 : i32
    %c0_i32_0 = arith.constant 0 : i32
    %c0_i32_1 = arith.constant 0 : i32
    return %c0_i32, %c0_i32_0 : i32, i32
  }
  func.func @transform_3(%arg0: i32) -> (i32, i32) {
    %c0_i32 = arith.constant 0 : i32
    %c0_i32_0 = arith.constant 0 : i32
    %c0_i32_1 = arith.constant 0 : i32
    return %c0_i32, %c0_i32_0 : i32, i32
  }
  func.func @transform_4(%arg0: i32) -> (i32, i32) {
    %c0_i32 = arith.constant 0 : i32
    %c0_i32_0 = arith.constant 0 : i32
    return %arg0, %c0_i32 : i32, i32
  }
}

module attributes {stable_mosaic.version = 14 : i64} {
  func.func @_edge2_body(%arg0: i32, %arg1: memref<1280x128xf32, #tpu.memory_space<vmem>>, %arg2: memref<1280x128xf32, #tpu.memory_space<vmem>>, %arg3: memref<128x16xf32, #tpu.memory_space<vmem>>, %arg4: memref<16x128xf32, #tpu.memory_space<vmem>>, %arg5: memref<1280x16xf32, #tpu.memory_space<vmem>>, %arg6: memref<1280x128xf32, #tpu.memory_space<vmem>>) attributes {dimension_semantics = [#tpu.dimension_semantics<arbitrary>], iteration_bounds = array<i64: 250>, scalar_prefetch = 0 : i64, scratch_operands = 0 : i64, tpu.core_type = #tpu.core_type<tc>, window_params = [{transform_indices = @transform_0, window_bounds = array<i64: 1280, 128>}, {transform_indices = @transform_1, window_bounds = array<i64: 1280, 128>}, {pipeline_mode = #tpu.pipeline_mode<synchronous>, transform_indices = @transform_2, window_bounds = array<i64: 128, 16>}, {pipeline_mode = #tpu.pipeline_mode<synchronous>, transform_indices = @transform_3, window_bounds = array<i64: 16, 128>}, {transform_indices = @transform_4, window_bounds = array<i64: 1280, 16>}, {transform_indices = @transform_5, window_bounds = array<i64: 1280, 128>}]} {
    %get3A = arith.constant 0 : index
    %get3A_0 = arith.constant 0 : index
    %get3A_1 = vector.load %arg1[%get3A, %get3A_0] : memref<1280x128xf32, #tpu.memory_space<vmem>>, vector<1280x128xf32>
    %get3A_2 = arith.constant 0 : index
    %get3A_3 = arith.constant 0 : index
    %get3A_4 = vector.load %arg2[%get3A_2, %get3A_3] : memref<1280x128xf32, #tpu.memory_space<vmem>>, vector<1280x128xf32>
    %add3A = arith.addf %get3A_1, %get3A_4 : vector<1280x128xf32>
    %gt3A = arith.constant 0.000000e+00 : f32
    %gt3A_5 = vector.broadcast %gt3A : f32 to vector<1280x128xf32>
    %gt3A_6 = arith.cmpf ogt, %add3A, %gt3A_5 : vector<1280x128xf32>
    %mul3A = arith.constant 2.000000e-01 : f32
    %mul3A_7 = vector.broadcast %mul3A : f32 to vector<1280x128xf32>
    %mul3A_8 = arith.mulf %mul3A_7, %add3A : vector<1280x128xf32>
    %select_n3A = arith.select %gt3A_6, %add3A, %mul3A_8 : vector<1280x128xi1>, vector<1280x128xf32>
    %get3A_9 = arith.constant 0 : index
    %get3A_10 = arith.constant 0 : index
    %get3A_11 = vector.load %arg3[%get3A_9, %get3A_10] : memref<128x16xf32, #tpu.memory_space<vmem>>, vector<128x16xf32>
    %dot_general3A = arith.constant dense<0.000000e+00> : vector<1280x16xf32>
    %dot_general3A_12 = tpu.matmul %select_n3A, %get3A_11, %dot_general3A {dimension_numbers = #tpu.dot_dimension_numbers<[1], [0], [0], [1], [0, 0, 1, 1], [], []>, precision = #tpu.contract_precision<fp32>, transpose_lhs_hint = false} : vector<1280x128xf32>, vector<128x16xf32>, vector<1280x16xf32> -> vector<1280x16xf32>
    %iota3A = tpu.iota {dimensions = array<i32: 1>} : vector<1280x16xi32>
    %lt3A = arith.constant 8 : i32
    %lt3A_13 = vector.broadcast %lt3A : i32 to vector<1280x16xi32>
    %lt3A_14 = arith.cmpi slt, %iota3A, %lt3A_13 : vector<1280x16xi32>
    %exp3A = math.exp %dot_general3A_12 : vector<1280x16xf32>
    %jit3A = arith.constant 0.000000e+00 : f32
    %broadcast_in_dim3A = vector.broadcast %jit3A : f32 to vector<1280x16xf32>
    %select_n3A_15 = arith.select %lt3A_14, %exp3A, %broadcast_in_dim3A : vector<1280x16xi1>, vector<1280x16xf32>
    %swap3A = arith.constant 0 : index
    %swap3A_16 = arith.constant 0 : index
    %swap3A_17 = vector.load %arg5[%swap3A, %swap3A_16] : memref<1280x16xf32, #tpu.memory_space<vmem>>, vector<1280x16xf32>
    tpu.vector_store %arg5[%swap3A, %swap3A_16], %select_n3A_15 {strides = array<i32>} : memref<1280x16xf32, #tpu.memory_space<vmem>>, vector<1280x16xf32>,
    %get3A_18 = arith.constant 0 : index
    %get3A_19 = arith.constant 0 : index
    %get3A_20 = vector.load %arg4[%get3A_18, %get3A_19] : memref<16x128xf32, #tpu.memory_space<vmem>>, vector<16x128xf32>
    %dot_general3A_21 = arith.constant dense<0.000000e+00> : vector<1280x128xf32>
    %dot_general3A_22 = tpu.matmul %select_n3A_15, %get3A_20, %dot_general3A_21 {dimension_numbers = #tpu.dot_dimension_numbers<[1], [0], [0], [1], [0, 0, 1, 1], [], []>, precision = #tpu.contract_precision<fp32>, transpose_lhs_hint = false} : vector<1280x16xf32>, vector<16x128xf32>, vector<1280x128xf32> -> vector<1280x128xf32>
    %get3A_23 = arith.constant 0 : index
    %get3A_24 = arith.constant 0 : index
    %get3A_25 = vector.load %arg1[%get3A_23, %get3A_24] : memref<1280x128xf32, #tpu.memory_space<vmem>>, vector<1280x128xf32>
    %mul3A_26 = arith.mulf %dot_general3A_22, %get3A_25 : vector<1280x128xf32>
    %swap3A_27 = arith.constant 0 : index
    %swap3A_28 = arith.constant 0 : index
    %swap3A_29 = vector.load %arg6[%swap3A_27, %swap3A_28] : memref<1280x128xf32, #tpu.memory_space<vmem>>, vector<1280x128xf32>
    tpu.vector_store %arg6[%swap3A_27, %swap3A_28], %mul3A_26 {strides = array<i32>} : memref<1280x128xf32, #tpu.memory_space<vmem>>, vector<1280x128xf32>,
    return
  }
  func.func @transform_0(%arg0: i32) -> (i32, i32) {
    %c0_i32 = arith.constant 0 : i32
    %c0_i32_0 = arith.constant 0 : i32
    return %arg0, %c0_i32 : i32, i32
  }
  func.func @transform_1(%arg0: i32) -> (i32, i32) {
    %c0_i32 = arith.constant 0 : i32
    %c0_i32_0 = arith.constant 0 : i32
    return %arg0, %c0_i32 : i32, i32
  }
  func.func @transform_2(%arg0: i32) -> (i32, i32) {
    %c0_i32 = arith.constant 0 : i32
    %c0_i32_0 = arith.constant 0 : i32
    %c0_i32_1 = arith.constant 0 : i32
    return %c0_i32, %c0_i32_0 : i32, i32
  }
  func.func @transform_3(%arg0: i32) -> (i32, i32) {
    %c0_i32 = arith.constant 0 : i32
    %c0_i32_0 = arith.constant 0 : i32
    %c0_i32_1 = arith.constant 0 : i32
    return %c0_i32, %c0_i32_0 : i32, i32
  }
  func.func @transform_4(%arg0: i32) -> (i32, i32) {
    %c0_i32 = arith.constant 0 : i32
    %c0_i32_0 = arith.constant 0 : i32
    return %arg0, %c0_i32 : i32, i32
  }
  func.func @transform_5(%arg0: i32) -> (i32, i32) {
    %c0_i32 = arith.constant 0 : i32
    %c0_i32_0 = arith.constant 0 : i32
    return %arg0, %c0_i32 : i32, i32
  }
}

module attributes {stable_mosaic.version = 14 : i64} {
  func.func @_fin2_body(%arg0: i32, %arg1: memref<2x1000x128xf32, #tpu.memory_space<vmem>>, %arg2: memref<2x1000x16xf32, #tpu.memory_space<vmem>>, %arg3: memref<1x16xf32, #tpu.memory_space<vmem>>, %arg4: memref<16x128xf32, #tpu.memory_space<vmem>>, %arg5: memref<128x16xf32, #tpu.memory_space<vmem>>, %arg6: memref<1000x16xf32, #tpu.memory_space<vmem>>) attributes {dimension_semantics = [#tpu.dimension_semantics<arbitrary>], iteration_bounds = array<i64: 10>, scalar_prefetch = 0 : i64, scratch_operands = 0 : i64, tpu.core_type = #tpu.core_type<tc>, window_params = [{transform_indices = @transform_0, window_bounds = array<i64: 2, 1000, 128>}, {transform_indices = @transform_1, window_bounds = array<i64: 2, 1000, 16>}, {pipeline_mode = #tpu.pipeline_mode<synchronous>, transform_indices = @transform_2, window_bounds = array<i64: 1, 16>}, {pipeline_mode = #tpu.pipeline_mode<synchronous>, transform_indices = @transform_3, window_bounds = array<i64: 16, 128>}, {pipeline_mode = #tpu.pipeline_mode<synchronous>, transform_indices = @transform_4, window_bounds = array<i64: 128, 16>}, {transform_indices = @transform_5, window_bounds = array<i64: 1000, 16>}]} {
    %get3A = arith.constant 0 : index
    %get3A_0 = arith.constant 0 : index
    %get3A_1 = arith.constant 0 : index
    %get3A_2 = vector.load %arg1[%get3A, %get3A_0, %get3A_1] : memref<2x1000x128xf32, #tpu.memory_space<vmem>>, vector<1x1000x128xf32>
    %get3A_3 = vector.shape_cast %get3A_2 : vector<1x1000x128xf32> to vector<1000x128xf32>
    %get3A_4 = arith.constant 1 : index
    %get3A_5 = arith.constant 0 : index
    %get3A_6 = arith.constant 0 : index
    %get3A_7 = vector.load %arg1[%get3A_4, %get3A_5, %get3A_6] : memref<2x1000x128xf32, #tpu.memory_space<vmem>>, vector<1x1000x128xf32>
    %get3A_8 = vector.shape_cast %get3A_7 : vector<1x1000x128xf32> to vector<1000x128xf32>
    %add3A = arith.addf %get3A_3, %get3A_8 : vector<1000x128xf32>
    %get3A_9 = arith.constant 0 : index
    %get3A_10 = arith.constant 0 : index
    %get3A_11 = arith.constant 0 : index
    %get3A_12 = vector.load %arg2[%get3A_9, %get3A_10, %get3A_11] : memref<2x1000x16xf32, #tpu.memory_space<vmem>>, vector<1x1000x16xf32>
    %get3A_13 = vector.shape_cast %get3A_12 : vector<1x1000x16xf32> to vector<1000x16xf32>
    %get3A_14 = arith.constant 1 : index
    %get3A_15 = arith.constant 0 : index
    %get3A_16 = arith.constant 0 : index
    %get3A_17 = vector.load %arg2[%get3A_14, %get3A_15, %get3A_16] : memref<2x1000x16xf32, #tpu.memory_space<vmem>>, vector<1x1000x16xf32>
    %get3A_18 = vector.shape_cast %get3A_17 : vector<1x1000x16xf32> to vector<1000x16xf32>
    %add3A_19 = arith.addf %get3A_13, %get3A_18 : vector<1000x16xf32>
    %get3A_20 = arith.constant 0 : index
    %get3A_21 = arith.constant 0 : index
    %get3A_22 = vector.load %arg4[%get3A_20, %get3A_21] : memref<16x128xf32, #tpu.memory_space<vmem>>, vector<16x128xf32>
    %dot_general3A = arith.constant dense<0.000000e+00> : vector<1000x128xf32>
    %dot_general3A_23 = tpu.matmul %add3A_19, %get3A_22, %dot_general3A {dimension_numbers = #tpu.dot_dimension_numbers<[1], [0], [0], [1], [0, 0, 1, 1], [], []>, precision = #tpu.contract_precision<fp32>, transpose_lhs_hint = false} : vector<1000x16xf32>, vector<16x128xf32>, vector<1000x128xf32> -> vector<1000x128xf32>
    %add3A_24 = arith.constant 9.99999971E-10 : f32
    %add3A_25 = vector.broadcast %add3A_24 : f32 to vector<1000x128xf32>
    %add3A_26 = arith.addf %dot_general3A_23, %add3A_25 : vector<1000x128xf32>
    %div3A = arith.divf %add3A, %add3A_26 : vector<1000x128xf32>
    %get3A_27 = arith.constant 0 : index
    %get3A_28 = arith.constant 0 : index
    %get3A_29 = vector.load %arg5[%get3A_27, %get3A_28] : memref<128x16xf32, #tpu.memory_space<vmem>>, vector<128x16xf32>
    %dot_general3A_30 = arith.constant dense<0.000000e+00> : vector<1000x16xf32>
    %dot_general3A_31 = tpu.matmul %div3A, %get3A_29, %dot_general3A_30 {dimension_numbers = #tpu.dot_dimension_numbers<[1], [0], [0], [1], [0, 0, 1, 1], [], []>, precision = #tpu.contract_precision<fp32>, transpose_lhs_hint = false} : vector<1000x128xf32>, vector<128x16xf32>, vector<1000x16xf32> -> vector<1000x16xf32>
    %get3A_32 = arith.constant 0 : index
    %get3A_33 = arith.constant 0 : index
    %get3A_34 = vector.load %arg3[%get3A_32, %get3A_33] : memref<1x16xf32, #tpu.memory_space<vmem>>, vector<1x16xf32>
    %add3A_35 = vector.broadcast %get3A_34 : vector<1x16xf32> to vector<1000x16xf32>
    %add3A_36 = arith.addf %dot_general3A_31, %add3A_35 : vector<1000x16xf32>
    %swap3A = arith.constant 0 : index
    %swap3A_37 = arith.constant 0 : index
    %swap3A_38 = vector.load %arg6[%swap3A, %swap3A_37] : memref<1000x16xf32, #tpu.memory_space<vmem>>, vector<1000x16xf32>
    tpu.vector_store %arg6[%swap3A, %swap3A_37], %add3A_36 {strides = array<i32>} : memref<1000x16xf32, #tpu.memory_space<vmem>>, vector<1000x16xf32>,
    return
  }
  func.func @transform_0(%arg0: i32) -> (i32, i32, i32) {
    %c0_i32 = arith.constant 0 : i32
    %c0_i32_0 = arith.constant 0 : i32
    %c0_i32_1 = arith.constant 0 : i32
    return %c0_i32, %arg0, %c0_i32_0 : i32, i32, i32
  }
  func.func @transform_1(%arg0: i32) -> (i32, i32, i32) {
    %c0_i32 = arith.constant 0 : i32
    %c0_i32_0 = arith.constant 0 : i32
    %c0_i32_1 = arith.constant 0 : i32
    return %c0_i32, %arg0, %c0_i32_0 : i32, i32, i32
  }
  func.func @transform_2(%arg0: i32) -> (i32, i32) {
    %c0_i32 = arith.constant 0 : i32
    %c0_i32_0 = arith.constant 0 : i32
    %c0_i32_1 = arith.constant 0 : i32
    return %c0_i32, %c0_i32_0 : i32, i32
  }
  func.func @transform_3(%arg0: i32) -> (i32, i32) {
    %c0_i32 = arith.constant 0 : i32
    %c0_i32_0 = arith.constant 0 : i32
    %c0_i32_1 = arith.constant 0 : i32
    return %c0_i32, %c0_i32_0 : i32, i32
  }
  func.func @transform_4(%arg0: i32) -> (i32, i32) {
    %c0_i32 = arith.constant 0 : i32
    %c0_i32_0 = arith.constant 0 : i32
    %c0_i32_1 = arith.constant 0 : i32
    return %c0_i32, %c0_i32_0 : i32, i32
  }
  func.func @transform_5(%arg0: i32) -> (i32, i32) {
    %c0_i32 = arith.constant 0 : i32
    %c0_i32_0 = arith.constant 0 : i32
    return %arg0, %c0_i32 : i32, i32
  }
}

</mosaic_0001>

<sc_bundles>
// kernel: kernel.12.cloned.1.call-start
scs
__scs_entry_jumppad:
0x0: {  	(pc) =	sbr.rel $0x88, $3  }
0x1: {  	(tag) =	ssettag $0x0;
	lr =	simm.s32 $0x1  }
0x2: {  	[smem:$0x3F98] =	sst lr;
	_ =	strace $0xD0000000  }
0x3: {  	_ = 	snop  }
0x4: {  	_ = 	snop  }
0x5: {  	_ = 	snop  }
0x6: {  	_ = 	snop  }
0x7: {  	_ = 	snop  }
__scs_overlays_trampoline_lowered:
0x8: {  	[smem:$0x3FA7] =	sst s0  }
0x9: {  	[smem:$0x3FA8] =	sst s1  }
0xa: {  	[smem:$0x3FA9] =	sst s2  }
0xb: {  	[smem:$0x3FAA] =	sst s3  }
0xc: {  	[smem:$0x3FAB] =	sst s4  }
0xd: {  	[smem:$0x3FAC] =	sst s5  }
0xe: {  	[smem:$0x3FAD] =	sst s6  }
0xf: {  	[smem:$0x3FAE] =	sst s7  }
0x10: {  	[smem:$0x3FAF] =	sst s8  }
0x11: {  	[smem:$0x3FB0] =	sst s9;
	s0 =	simm.s32 @!p0 $0x0  }
0x12: {  	s1 =	sld [smem:$0x3F96];
	s0 =	simm.s32 @p0 $0x1  }
0x13: {  	[smem:$0x3FB1] =	sst s0;
	s0 =	simm.s32 @!p1 $0x0  }
0x14: {  	s2 =	sld [smem:$0x3F95];
	s0 =	simm.s32 @p1 $0x1  }
0x15: {  	[smem:$0x3FB2] =	sst s0;
	s0 =	simm.s32 @!p2 $0x0  }
0x16: {  	s3 =	sld [smem:$0x3FDB];
	s0 =	simm.s32 @p2 $0x1  }
0x17: {  	s4 =	simm.s32 $0x1BF5;
	[smem:$0x3FB4] =	sst s0  }
0x18: {  	s0 =	sld [smem:$0x3F97];
	_ =	swait.ge [sflag:s4], $0x0  }
0x19: {  	s7 =	sld [smem:$0x3F98]  }
0x1a: {  	s8 =	sadd.s32 $0xFFFFE003, lr  }
0x1b: {  	s9 =	sadd.s32 $0xFFFFFEF7, lr;
	s5 =	simm.s32 $0xFFFFFFFF;
	p2 =	slt.u32 s8, $0xFFFFF086  }
0x1c: {  	p1 =	slt.u32 s9, $0xF7A;
	s5 =	simm.s32 @!p2 $0x0  }
0x1d: {  	s5 =	simm.s32 @p1 $0x1;
	p0 =	seq.s32 s7, s2  }
0x1e: {  	s7 =	smul.u32 @!p0 $0xF7A, s2;
	p2 =	seq.s32 @!p0 s5, $0x0  }
0x1f: {  	s9 =	smul.u32 $0xF7A, s1;
	s8 =	simm.s32 @!p0 $0x1BF5;
	p2 =	por !p2, p0  }
0x20: {  	[sflag:s8] =	ssyncset.s32 @!p0 $0xFFFFF086;
	s6 =	sadd.s32 @!p0 s3, s7;
	s7 =	simm.s32 @!p0 $0x108  }
0x21: {  	s3 =	sadd.s32 s3, s9;
	s6 =	sadd.s32 @!p0 $0x88, s6;
	s7 =	simm.s32 @p2 $0x1082  }
0x22: {  	[simem:s7], [sflag:s8] =	dma.local @!p0 [hbm:s6], $0xF7A  }
0x23: {  	s9 =	sor.u32 $0xD0000000, s2;
	s6 =	simm.s32 $0x108;
	_ =	swait.ge @!p0 [sflag:s8], $0x0  }
0x24: {  	s3 =	sadd.s32 $0x88, s3;
	s6 =	simm.s32 @!p1 $0x1082;
	[sflag:s4] =	ssyncset.s32 $0xFFFFF086  }
0x25: {  	[simem:s6], [sflag:s4] =	dma.local [hbm:s3], $0xF7A  }
0x26: {  	[smem:$0x3F98] =	sst s1;
	(tag) =	ssettag s2;
	_ =	strace s9  }
0x27: {  	s1 =	sld [smem:$0x3FA8]  }
0x28: {  	s2 =	sld [smem:$0x3FA9]  }
0x29: {  	s4 =	sld [smem:$0x3FAB]  }
0x2a: {  	p0 =	seq.s32 s5, $0x0;
	s5 =	sld [smem:$0x3FAC]  }
0x2b: {  	s6 =	sld [smem:$0x3FAD]  }
0x2c: {  	s7 =	sld [smem:$0x3FAE]  }
0x2d: {  	s3 =	simm.s32 $0x108;
	s8 =	sld [smem:$0x3FAF]  }
0x2e: {  	s3 =	simm.s32 @!p0 $0x1082;
	s9 =	sld [smem:$0x3FB0]  }
0x2f: {  	lr =	sadd.s32 s0, s3;
	s0 =	sld [smem:$0x3FA7]  }
0x30: {  	s3 =	sld [smem:$0x3FAA]  }
0x31: {  	[smem:$0x3FB3] =	sst s10  }
0x32: {  	s10 =	sld [smem:$0x3FB1];
	_ =	sdelay $0x3  }
0x33: {  	p0 =	seq.s32 s10, $0x1;
	s10 =	sld [smem:$0x3FB3];
	_ =	sdelay $0x3  }
0x34: {  	[smem:$0x3FB3] =	sst s10  }
0x35: {  	s10 =	sld [smem:$0x3FB2];
	_ =	sdelay $0x3  }
0x36: {  	p1 =	seq.s32 s10, $0x1;
	s10 =	sld [smem:$0x3FB3];
	_ =	sdelay $0x3  }
0x37: {  	[smem:$0x3FB3] =	sst s10  }
0x38: {  	s10 =	sld [smem:$0x3FB4]  }
0x39: {  	_ = 	snop;
	(pc) =	sbr.ind lr, $3  }
0x3a: {  	_ = 	snop  }
0x3b: {  	_ = 	snop  }
0x3c: {  	p2 =	seq.s32 s10, $0x1;
	s10 =	sld [smem:$0x3FB3]  }
0x3d: {  	_ =	shalt  }
0x3e: {  	_ =	shalt  }
0x3f: {  	_ =	shalt  }
0x40: {  	_ =	shalt  }
0x41: {  	_ =	shalt  }
0x42: {  	_ =	shalt  }
0x43: {  	_ =	shalt  }
0x44: {  	_ =	shalt  }
0x45: {  	_ =	shalt  }
0x46: {  	_ =	shalt  }
0x47: {  	_ =	shalt  }
0x48: {  	_ =	shalt  }
0x49: {  	_ =	shalt  }
0x4a: {  	_ =	shalt  }
0x4b: {  	_ =	shalt  }
0x4c: {  	_ =	shalt  }
0x4d: {  	_ =	shalt  }
0x4e: {  	_ =	shalt  }
0x4f: {  	_ =	shalt  }
0x50: {  	_ =	shalt  }
0x51: {  	_ =	shalt  }
0x52: {  	_ =	shalt  }
0x53: {  	_ =	shalt  }
0x54: {  	_ =	shalt  }
0x55: {  	_ =	shalt  }
0x56: {  	_ =	shalt  }
0x57: {  	_ =	shalt  }
0x58: {  	_ =	shalt  }
0x59: {  	_ =	shalt  }
0x5a: {  	_ =	shalt  }
0x5b: {  	_ =	shalt  }
0x5c: {  	_ =	shalt  }
0x5d: {  	_ =	shalt  }
0x5e: {  	_ =	shalt  }
0x5f: {  	_ =	shalt  }
0x60: {  	_ =	shalt  }
0x61: {  	_ =	shalt  }
0x62: {  	_ =	shalt  }
0x63: {  	_ =	shalt  }
0x64: {  	_ =	shalt  }
0x65: {  	_ =	shalt  }
0x66: {  	_ =	shalt  }
0x67: {  	_ =	shalt  }
0x68: {  	_ =	shalt  }
0x69: {  	_ =	shalt  }
0x6a: {  	_ =	shalt  }
0x6b: {  	_ =	shalt  }
0x6c: {  	_ =	shalt  }
0x6d: {  	_ =	shalt  }
0x6e: {  	_ =	shalt  }
0x6f: {  	_ =	shalt  }
0x70: {  	_ =	shalt  }
0x71: {  	_ =	shalt  }
0x72: {  	_ =	shalt  }
0x73: {  	_ =	shalt  }
0x74: {  	_ =	shalt  }
0x75: {  	_ =	shalt  }
0x76: {  	_ =	shalt  }
0x77: {  	_ =	shalt  }
0x78: {  	_ =	shalt  }
0x79: {  	_ =	shalt  }
0x7a: {  	_ =	shalt  }
0x7b: {  	_ =	shalt  }
0x7c: {  	_ =	shalt  }
0x7d: {  	_ =	shalt  }
0x7e: {  	_ =	shalt  }
0x7f: {  	_ =	shalt  }
0x80: {  	_ =	shalt  }
0x81: {  	_ =	shalt  }
0x82: {  	_ =	shalt  }
0x83: {  	_ =	shalt  }
0x84: {  	_ =	shalt  }
0x85: {  	_ =	shalt  }
0x86: {  	_ =	shalt  }
0x87: {  	_ =	shalt  }
.Lfunc_end0:
.L_simem_size_0:
called_computation_lowered:
.L_overlay_start_0:
0x88: {  	s2 =	sld [smem:$0x3FD9]  }
0x89: {  	s3 =	sld [smem:$0x3FFE];
	_ =	sdelay $0x1  }
0x8a: {  	s1 =	srdreg.scid  }
0x8b: {  	s0 =	sand.u32 $0x1, s1  }
0x8c: {  	s16 =	sshll.u32 s0, $0xA;
	s2 =	sadd.s32 s3, s2  }
0x8d: {  	s2 =	sadd.s32 s2, s16  }
0x8e: {  	[smem:$0x3FBF] =	sst s2  }
0x8f: {  	_ = 	snop  }
0x90: {  	(tm) =	ssettm $0x1  }
0x91: {  	s17 =	sld [smem:$0x3FFB];
	_ =	sdelay $0x3  }
0x92: {  	_ =	strace s17  }
0x93: {  	s2 =	sld [smem:$0x3FFC];
	_ =	sdelay $0x3  }
0x94: {  	_ =	strace s2  }
0x95: {  	s2 =	sld [smem:$0x3FFD];
	_ =	sdelay $0x3  }
0x96: {  	_ =	strace s2  }
0x97: {  	_ =	strace $0x8FFFFFFF  }
0x98: {  	s18 =	sld [smem:$0x3FDB];
	_ =	sdelay $0x1  }
0x99: {  	s19 =	simm.s32 $_scs_section_size  }
0x9a: {  	s4 =	simm.s32 $_size__tile_overlayer_lowered;
	s5 =	simm.s32 $_tile_overlayer_lowered  }
0x9b: {  	s22 =	simm.s32 $0x1BFF;
	s21 =	sshll.u32 s5, $0x1;
	s2 =	sadd.s32 s19, s18  }
0x9c: {  	s6 =	simm.s32 $0x0;
	s20 =	sshll.u32 s4, $0x1;
	s4 =	sadd.s32 s21, s2  }
0x9d: {  	[timem:s6], [sflag:s22] =	dma.local [hbm:s4], s20  }
0x9e: {  	_ =	swait.ge [sflag:s22], s20  }
0x9f: {  	s3 =	ssub.s32 $0x0, s20;
	[sflag:s22] =	ssyncset.done $0x0  }
0xa0: {  	[sflag:s22] =	ssyncadd.s32 s3;
	_ =	sdelay $0x1  }
0xa1: {  	s23 =	simm.s32 $0x1B8B  }
0xa2: {  	_ =	swait.ge [sflag:s23], $0x1  }
0xa3: {  	[sflag:s23] =	ssyncset.done $0x0  }
0xa4: {  	s25 =	simm.s32 $0x1B8E;
	s24 =	sld [smem:$0x3FFE];
	[sflag:s23] =	ssyncadd.s32 $0xFFFFFFFF  }
0xa5: {  	s26 =	simm.s32 $execute0_lowered;
	[smem:$0x3FD2] =	sst s25  }
0xa6: {  	s4 =	sshll.u32 s26, $0x1;
	_ =	strace $0x80000046;
	[dreg:$0x1] =	wrdreg $0xFFFFFFFF  }
0xa7: {  	s28 =	simm.s32 $_size_execute0_lowered;
	s2 =	sadd.s32 s2, s4;
	[dreg:$0x0] =	wrdreg $0x0  }
0xa8: {  	s4 =	sshll.u32 s28, $0x1;
	[dreg:$0x2] =	wrdreg s2  }
0xa9: {  	[dreg:$0x3] =	wrdreg s4  }
0xaa: {  	[dreg:$0x4] =	wrdreg $0xC0  }
0xab: {  	_ =	task [dreg:s6], $0x5FFFF  }
0xac: {  	[dreg:$0x1] =	wrdreg $0xFFFFFFFF  }
0xad: {  	[dreg:$0x0] =	wrdreg $0x60  }
0xae: {  	[dreg:$0x2] =	wrdreg s24  }
0xaf: {  	[dreg:$0x3] =	wrdreg $0x9  }
0xb0: {  	_ =	task.clear_ibuf [dreg:s6], $0x4FFFF;
	_ =	strace $0x90000046  }
0xb1: {  	s29 =	simm.s32 $0x9;
	_ =	strace $0x80000048  }
0xb2: {  	_ =	swait.ge [sflag:s29], $0x1  }
0xb3: {  	[sflag:s29] =	ssyncadd.s32 $0xFFFFFFFF  }
0xb4: {  	_ =	strace $0x90000048  }
0xb5: {  	_ =	sfence  }
0xb6: {  	s30 =	sld [smem:$0x0];
	_ =	sdelay $0x2  }
0xb7: {  	s31 =	sshll.u32 s1, $0xD;
	s1 =	sshrl.u32 s1, $0x2  }
0xb8: {  	s3 =	sand.u32 $0x4000, s31;
	s1 =	sadd.s32 s1, s30  }
0xb9: {  	s0 =	sor.u32 s3, s0;
	s1 =	sshll.u32 s1, $0x11  }
0xba: {  	s0 =	sor.u32 s1, s0  }
0xbb: {  	s0 =	sadd.s32 $0x8F2B, s0  }
0xbc: {  	[sflag:s0] =	ssyncadd.remote.s32 $0x1  }
0xbd: {  	_ =	sfence.sel $0xFFFF  }
0xbe: {  	[dreg:$0x0] =	wrdreg $0xFFFFFFFF;
	(pc) =	sbr.abs _section_cstart, $3  }
0xbf: {  	[dreg:$0x1] =	wrdreg $0xFFFFFFFF  }
0xc0: {  	_ =	task.clear_ibuf [dreg:s6], $0x2FFFF;
	_ =	strace $0x9FFFFFFF  }
0xc1: {  	(tm) =	ssettm $0x7FFFFFFF  }
tec
execute0_lowered:
.L_overlay_start_1:
0x0: {  	(tag) =	ssettag $0x1  }
0x1: {  	s4 =	rddreg [dreg:$0x0]  }
0x2: {  	s0 =	rddreg [dreg:$0x1];
	s3 =	srdreg.scid  }
0x3: {  	s1 =	stileid.u32;
	s2 =	simm.s32 $0x0;
	s11 =	simm.s32 $0xA0  }
0x4: {  	s12 =	simm.s32 $0x28A0;
	s13 =	simm.s32 $0x1;
	s6 =	smul.u32 $0x4E20, s1  }
0x5: {  	s14 =	simm.s32 $0x2;
	s5 =	sand.u32 $0x1, s3;
	s8 =	smul.u32 $0x4E200, s1  }
0x6: {  	s15 =	simm.s32 $0x0;
	[smem:$0x7FF] =	sst s2;
	s7 =	smul.u32 $0x2710, s5  }
0x7: {  	s3 =	sadd.s32 $0x15A00, s4;
	s29 =	ssub.s32 $0x2, s5;
	s5 =	smul.u32 $0x27100, s5  }
0x8: {  	_ =	strace $0x80000047;
	s8 =	sadd.s32 s8, s4;
	s9 =	sshrl.u32 s29, $0x1  }
0x9: {  	s6 =	sadd.s32 s7, s6;
	s30 =	ssub.s32 s29, s9;
	s31 =	sadd.s32 s5, s8  }
0xa: {  	s9 =	simm.s32 $0x3;
	s6 =	sshrl.u32 s6, $0x3;
	s5 =	sadd.s32 $0x51EC00, s31  }
0xb: {  	s10 =	sadd.s32 s6, s4;
	s4 =	smax.u32 s30, $0x1;
	s6 =	sadd.s32 $0x3CC00, s31  }
0xc: {  	s7 =	sadd.s32 $0xBC00, s10;
	s8 =	sadd.s32 $0x1E00, s10;
	s10 =	simm.s32 $0x50  }
.LBB2_1:
0xd: {  	s16 =	sadd.s32 $0x0, s8  }
0xe: {  	[tilespmem:s2], [sflag:$0x3] =	stream.linear.gather [hbm4b:s16+s2], $0x50, $0x38;
	[tilespmem:$0x50A0] =	vst v63  }
0xf: {  	_ =	swait.ge [sflag:s9], $0x50  }
0x10: {  	[sflag:s9] =	ssyncset.done $0x0  }
0x11: {  	s31 =	sadd.s32 $0x0, s7;
	[sflag:s9] =	ssyncadd.s32 $0xFFFFFFB0  }
0x12: {  	[tilespmem:s10], [sflag:$0x3] =	stream.linear.gather [hbm4b:s31+s2], $0x50, $0x38;
	[tilespmem:$0x50A0] =	vst v63  }
0x13: {  	_ =	swait.ge [sflag:s9], $0x50  }
0x14: {  	[sflag:s9] =	ssyncset.done $0x0  }
0x15: {  	[sflag:s9] =	ssyncadd.s32 $0xFFFFFFB0  }
0x16: {  	[tilespmem:s11], [sflag:$0x1] =	stream.indirect.gather [hbm4b:s3+s10], $0x80, s2, s10, $0xb8;
	[tilespmem:$0x50A0] =	vst v63  }
0x17: {  	_ = 	snop  }
0x18: {  	[tilespmem:s12], [sflag:$0x2] =	stream.indirect.gather [hbm4b:s3+s10], $0x80, s10, s10, $0xb8;
	[tilespmem:$0x50A0] =	vst v63  }
0x19: {  	_ =	swait.ge [sflag:s13], $0x2800  }
0x1a: {  	[sflag:s13] =	ssyncset.done $0x0  }
0x1b: {  	[sflag:s13] =	ssyncadd.s32 $0xFFFFD800  }
0x1c: {  	_ =	swait.ge [sflag:s14], $0x2800  }
0x1d: {  	[sflag:s14] =	ssyncset.done $0x0  }
0x1e: {  	[sflag:s14] =	ssyncadd.s32 $0xFFFFD800  }
0x1f: {  	[hbm4b:s6+s2] =	stream.linear.scatter [tilespmem:s11], [sflag:$0x3], $0x2800, $0x38;
	[tilespmem:$0x50A0] =	vst v63  }
0x20: {  	_ =	swait.ge [sflag:s9], $0x2800  }
0x21: {  	[sflag:s9] =	ssyncset.done $0x0  }
0x22: {  	[sflag:s9] =	ssyncadd.s32 $0xFFFFD800  }
0x23: {  	[hbm4b:s5+s2] =	stream.linear.scatter [tilespmem:s12], [sflag:$0x3], $0x2800, $0x38;
	[tilespmem:$0x50A0] =	vst v63  }
0x24: {  	s18 =	simm.s32 $0xA;
	s19 =	simm.s32 $0x14;
	_ =	swait.ge [sflag:s9], $0x2800  }
0x25: {  	s17 =	sadd.s32 $0x500, s6;
	s16 =	sadd.s32 $0x500, s5;
	[sflag:s9] =	ssyncset.done $0x0  }
.LBB2_2:
0x26: {  	s20 =	sadd.s32 s18, s8  }
0x27: {  	[sflag:s9] =	ssyncadd.s32 $0xFFFFD800;
	s21 =	smov.u32 s19;
	s22 =	sadd.s32 $0xA, s19  }
0x28: {  	[tilespmem:s2], [sflag:$0x3] =	stream.linear.gather [hbm4b:s20+s2], $0x50, $0x38;
	[tilespmem:$0x50A0] =	vst v63  }
0x29: {  	p0 =	sne.s32 s19, $0x4D8;
	_ =	swait.ge [sflag:s9], $0x50  }
0x2a: {  	[sflag:s9] =	ssyncset.done $0x0  }
0x2b: {  	s19 =	sadd.s32 s18, s7;
	s18 =	smov.u32 s21;
	[sflag:s9] =	ssyncadd.s32 $0xFFFFFFB0  }
0x2c: {  	[tilespmem:s10], [sflag:$0x3] =	stream.linear.gather [hbm4b:s19+s2], $0x50, $0x38;
	[tilespmem:$0x50A0] =	vst v63  }
0x2d: {  	_ =	swait.ge [sflag:s9], $0x50  }
0x2e: {  	[sflag:s9] =	ssyncset.done $0x0  }
0x2f: {  	[sflag:s9] =	ssyncadd.s32 $0xFFFFFFB0  }
0x30: {  	[tilespmem:s11], [sflag:$0x1] =	stream.indirect.gather [hbm4b:s3+s10], $0x80, s2, s10, $0xb8;
	[tilespmem:$0x50A0] =	vst v63  }
0x31: {  	_ = 	snop  }
0x32: {  	[tilespmem:s12], [sflag:$0x2] =	stream.indirect.gather [hbm4b:s3+s10], $0x80, s10, s10, $0xb8;
	[tilespmem:$0x50A0] =	vst v63  }
0x33: {  	_ =	swait.ge [sflag:s13], $0x2800  }
0x34: {  	[sflag:s13] =	ssyncset.done $0x0  }
0x35: {  	[sflag:s13] =	ssyncadd.s32 $0xFFFFD800  }
0x36: {  	_ =	swait.ge [sflag:s14], $0x2800  }
0x37: {  	[sflag:s14] =	ssyncset.done $0x0  }
0x38: {  	[sflag:s14] =	ssyncadd.s32 $0xFFFFD800  }
0x39: {  	[hbm4b:s17+s2] =	stream.linear.scatter [tilespmem:s11], [sflag:$0x3], $0x2800, $0x38;
	[tilespmem:$0x50A0] =	vst v63  }
0x3a: {  	_ =	swait.ge [sflag:s9], $0x2800  }
.Ltmp0:
0x3b: {  	[sflag:s9] =	ssyncset.done $0x0;
	(pc) =	sbr.rel @p0 .LBB2_2-.Ltmp0, $4  }
0x3c: {  	[sflag:s9] =	ssyncadd.s32 $0xFFFFD800  }
0x3d: {  	[hbm4b:s16+s2] =	stream.linear.scatter [tilespmem:s12], [sflag:$0x3], $0x2800, $0x38;
	[tilespmem:$0x50A0] =	vst v63  }
0x3e: {  	s19 =	smov.u32 s22;
	_ =	swait.ge [sflag:s9], $0x2800  }
0x3f: {  	s17 =	sadd.s32 $0x500, s17;
	s16 =	sadd.s32 $0x500, s16;
	[sflag:s9] =	ssyncset.done $0x0  }
0x40: {  	s19 =	sadd.s32 s18, s8;
	[sflag:s9] =	ssyncadd.s32 $0xFFFFD800  }
0x41: {  	[tilespmem:s2], [sflag:$0x3] =	stream.linear.gather [hbm4b:s19+s2], $0x50, $0x38;
	[tilespmem:$0x50A0] =	vst v63  }
0x42: {  	_ =	swait.ge [sflag:s9], $0x50  }
0x43: {  	[sflag:s9] =	ssyncset.done $0x0  }
0x44: {  	s31 =	sadd.s32 s18, s7;
	[sflag:s9] =	ssyncadd.s32 $0xFFFFFFB0  }
0x45: {  	[tilespmem:s10], [sflag:$0x3] =	stream.linear.gather [hbm4b:s31+s2], $0x50, $0x38;
	[tilespmem:$0x50A0] =	vst v63  }
0x46: {  	_ =	swait.ge [sflag:s9], $0x50  }
0x47: {  	[sflag:s9] =	ssyncset.done $0x0  }
0x48: {  	[sflag:s9] =	ssyncadd.s32 $0xFFFFFFB0  }
0x49: {  	[tilespmem:s11], [sflag:$0x1] =	stream.indirect.gather [hbm4b:s3+s10], $0x80, s2, s10, $0xb8;
	[tilespmem:$0x50A0] =	vst v63  }
0x4a: {  	_ = 	snop  }
0x4b: {  	[tilespmem:s12], [sflag:$0x2] =	stream.indirect.gather [hbm4b:s3+s10], $0x80, s10, s10, $0xb8;
	[tilespmem:$0x50A0] =	vst v63  }
0x4c: {  	_ =	swait.ge [sflag:s13], $0x2800  }
0x4d: {  	[sflag:s13] =	ssyncset.done $0x0  }
0x4e: {  	[sflag:s13] =	ssyncadd.s32 $0xFFFFD800  }
0x4f: {  	_ =	swait.ge [sflag:s14], $0x2800  }
0x50: {  	[sflag:s14] =	ssyncset.done $0x0  }
0x51: {  	[sflag:s14] =	ssyncadd.s32 $0xFFFFD800  }
0x52: {  	[hbm4b:s17+s2] =	stream.linear.scatter [tilespmem:s11], [sflag:$0x3], $0x2800, $0x38;
	[tilespmem:$0x50A0] =	vst v63  }
0x53: {  	s15 =	sadd.s32 $0x1, s15;
	_ =	swait.ge [sflag:s9], $0x2800  }
0x54: {  	p0 =	sne.s32 s15, s4;
	[sflag:s9] =	ssyncset.done $0x0  }
.Ltmp1:
0x55: {  	[sflag:s9] =	ssyncadd.s32 $0xFFFFD800;
	(pc) =	sbr.rel @p0 .LBB2_1-.Ltmp1, $4  }
0x56: {  	[hbm4b:s16+s2] =	stream.linear.scatter [tilespmem:s12], [sflag:$0x3], $0x2800, $0x38;
	[tilespmem:$0x50A0] =	vst v63  }
0x57: {  	_ =	swait.ge [sflag:s9], $0x2800  }
0x58: {  	[sflag:s9] =	ssyncset.done $0x0  }
0x59: {  	[sflag:s9] =	ssyncadd.s32 $0xFFFFD800  }
0x5a: {  	_ =	sfence.sel $0x180000  }
0x5b: {  	[bflag:$0x0] =	sbarrier.arrive $0xFFFF  }
0x5c: {  	p0 =	sne.s32 s1, $0x0;
	_ =	strace $0x90000047  }
0x5d: {  	s0 =	sadd.s32 @!p0 $0x100000, s0;
	[bflag:$0x2] =	sbarrier.arrive $0xFFFF  }
0x5e: {  	[sflag:s0] =	ssyncadd.tile.s32 @!p0 $0x1;
	_ =	shalt  }
.Lfunc_end2:
_tile_overlayer_lowered:
.L_overlay_start_2:
0x5f: {  	(tag) =	ssettag $0x2  }
0x60: {  	s0 =	rddreg [dreg:$0x0];
	s2 =	stileid.u32  }
0x61: {  	s1 =	rddreg [dreg:$0x1];
	p0 =	sne.s32 s2, $0x0  }
0x62: {  	s3 =	rddreg [dreg:$0x2];
	[bflag:$0x3] =	sbarrier.arrive $0xFFFF;
	s2 =	simm.s32 @!p0 $0x1C03  }
0x63: {  	[timem:s3], [sflag:s2] =	dma.local @!p0 [hbm:s0], s1  }
0x64: {  	s0 =	simm.s32 @!p0 $0x3  }
0x65: {  	_ =	swait.ge @!p0 [sflag:s0], s1  }
0x66: {  	s1 =	ssub.s32 @!p0 $0x0, s1;
	[sflag:s0] =	ssyncset.done @!p0 $0x0  }
0x67: {  	[sflag:s0] =	ssyncadd.s32 @!p0 s1  }
0x68: {  	[bflag:$0x3] =	sbarrier.arrive $0xFFFF  }
0x69: {  	_ =	shalt  }

// kernel: kernel.15.cloned.1.call-start
scs
__scs_entry_jumppad:
0x0: {  	(pc) =	sbr.rel $0x88, $3  }
0x1: {  	(tag) =	ssettag $0x0;
	lr =	simm.s32 $0x1  }
0x2: {  	[smem:$0x3F98] =	sst lr;
	_ =	strace $0xD0000000  }
0x3: {  	_ = 	snop  }
0x4: {  	_ = 	snop  }
0x5: {  	_ = 	snop  }
0x6: {  	_ = 	snop  }
0x7: {  	_ = 	snop  }
__scs_overlays_trampoline_lowered:
0x8: {  	[smem:$0x3FA7] =	sst s0  }
0x9: {  	[smem:$0x3FA8] =	sst s1  }
0xa: {  	[smem:$0x3FA9] =	sst s2  }
0xb: {  	[smem:$0x3FAA] =	sst s3  }
0xc: {  	[smem:$0x3FAB] =	sst s4  }
0xd: {  	[smem:$0x3FAC] =	sst s5  }
0xe: {  	[smem:$0x3FAD] =	sst s6  }
0xf: {  	[smem:$0x3FAE] =	sst s7  }
0x10: {  	[smem:$0x3FAF] =	sst s8  }
0x11: {  	[smem:$0x3FB0] =	sst s9;
	s0 =	simm.s32 @!p0 $0x0  }
0x12: {  	s1 =	sld [smem:$0x3F96];
	s0 =	simm.s32 @p0 $0x1  }
0x13: {  	[smem:$0x3FB1] =	sst s0;
	s0 =	simm.s32 @!p1 $0x0  }
0x14: {  	s2 =	sld [smem:$0x3F95];
	s0 =	simm.s32 @p1 $0x1  }
0x15: {  	[smem:$0x3FB2] =	sst s0;
	s0 =	simm.s32 @!p2 $0x0  }
0x16: {  	s3 =	sld [smem:$0x3FDB];
	s0 =	simm.s32 @p2 $0x1  }
0x17: {  	s4 =	simm.s32 $0x1BF5;
	[smem:$0x3FB4] =	sst s0  }
0x18: {  	s0 =	sld [smem:$0x3F97];
	_ =	swait.ge [sflag:s4], $0x0  }
0x19: {  	s7 =	sld [smem:$0x3F98]  }
0x1a: {  	s8 =	sadd.s32 $0xFFFFE003, lr  }
0x1b: {  	s9 =	sadd.s32 $0xFFFFFEF7, lr;
	s5 =	simm.s32 $0xFFFFFFFF;
	p2 =	slt.u32 s8, $0xFFFFF086  }
0x1c: {  	p1 =	slt.u32 s9, $0xF7A;
	s5 =	simm.s32 @!p2 $0x0  }
0x1d: {  	s5 =	simm.s32 @p1 $0x1;
	p0 =	seq.s32 s7, s2  }
0x1e: {  	s7 =	smul.u32 @!p0 $0xF7A, s2;
	p2 =	seq.s32 @!p0 s5, $0x0  }
0x1f: {  	s9 =	smul.u32 $0xF7A, s1;
	s8 =	simm.s32 @!p0 $0x1BF5;
	p2 =	por !p2, p0  }
0x20: {  	[sflag:s8] =	ssyncset.s32 @!p0 $0xFFFFF086;
	s6 =	sadd.s32 @!p0 s3, s7;
	s7 =	simm.s32 @!p0 $0x108  }
0x21: {  	s3 =	sadd.s32 s3, s9;
	s6 =	sadd.s32 @!p0 $0x88, s6;
	s7 =	simm.s32 @p2 $0x1082  }
0x22: {  	[simem:s7], [sflag:s8] =	dma.local @!p0 [hbm:s6], $0xF7A  }
0x23: {  	s9 =	sor.u32 $0xD0000000, s2;
	s6 =	simm.s32 $0x108;
	_ =	swait.ge @!p0 [sflag:s8], $0x0  }
0x24: {  	s3 =	sadd.s32 $0x88, s3;
	s6 =	simm.s32 @!p1 $0x1082;
	[sflag:s4] =	ssyncset.s32 $0xFFFFF086  }
0x25: {  	[simem:s6], [sflag:s4] =	dma.local [hbm:s3], $0xF7A  }
0x26: {  	[smem:$0x3F98] =	sst s1;
	(tag) =	ssettag s2;
	_ =	strace s9  }
0x27: {  	s1 =	sld [smem:$0x3FA8]  }
0x28: {  	s2 =	sld [smem:$0x3FA9]  }
0x29: {  	s4 =	sld [smem:$0x3FAB]  }
0x2a: {  	p0 =	seq.s32 s5, $0x0;
	s5 =	sld [smem:$0x3FAC]  }
0x2b: {  	s6 =	sld [smem:$0x3FAD]  }
0x2c: {  	s7 =	sld [smem:$0x3FAE]  }
0x2d: {  	s3 =	simm.s32 $0x108;
	s8 =	sld [smem:$0x3FAF]  }
0x2e: {  	s3 =	simm.s32 @!p0 $0x1082;
	s9 =	sld [smem:$0x3FB0]  }
0x2f: {  	lr =	sadd.s32 s0, s3;
	s0 =	sld [smem:$0x3FA7]  }
0x30: {  	s3 =	sld [smem:$0x3FAA]  }
0x31: {  	[smem:$0x3FB3] =	sst s10  }
0x32: {  	s10 =	sld [smem:$0x3FB1];
	_ =	sdelay $0x3  }
0x33: {  	p0 =	seq.s32 s10, $0x1;
	s10 =	sld [smem:$0x3FB3];
	_ =	sdelay $0x3  }
0x34: {  	[smem:$0x3FB3] =	sst s10  }
0x35: {  	s10 =	sld [smem:$0x3FB2];
	_ =	sdelay $0x3  }
0x36: {  	p1 =	seq.s32 s10, $0x1;
	s10 =	sld [smem:$0x3FB3];
	_ =	sdelay $0x3  }
0x37: {  	[smem:$0x3FB3] =	sst s10  }
0x38: {  	s10 =	sld [smem:$0x3FB4]  }
0x39: {  	_ = 	snop;
	(pc) =	sbr.ind lr, $3  }
0x3a: {  	_ = 	snop  }
0x3b: {  	_ = 	snop  }
0x3c: {  	p2 =	seq.s32 s10, $0x1;
	s10 =	sld [smem:$0x3FB3]  }
0x3d: {  	_ =	shalt  }
0x3e: {  	_ =	shalt  }
0x3f: {  	_ =	shalt  }
0x40: {  	_ =	shalt  }
0x41: {  	_ =	shalt  }
0x42: {  	_ =	shalt  }
0x43: {  	_ =	shalt  }
0x44: {  	_ =	shalt  }
0x45: {  	_ =	shalt  }
0x46: {  	_ =	shalt  }
0x47: {  	_ =	shalt  }
0x48: {  	_ =	shalt  }
0x49: {  	_ =	shalt  }
0x4a: {  	_ =	shalt  }
0x4b: {  	_ =	shalt  }
0x4c: {  	_ =	shalt  }
0x4d: {  	_ =	shalt  }
0x4e: {  	_ =	shalt  }
0x4f: {  	_ =	shalt  }
0x50: {  	_ =	shalt  }
0x51: {  	_ =	shalt  }
0x52: {  	_ =	shalt  }
0x53: {  	_ =	shalt  }
0x54: {  	_ =	shalt  }
0x55: {  	_ =	shalt  }
0x56: {  	_ =	shalt  }
0x57: {  	_ =	shalt  }
0x58: {  	_ =	shalt  }
0x59: {  	_ =	shalt  }
0x5a: {  	_ =	shalt  }
0x5b: {  	_ =	shalt  }
0x5c: {  	_ =	shalt  }
0x5d: {  	_ =	shalt  }
0x5e: {  	_ =	shalt  }
0x5f: {  	_ =	shalt  }
0x60: {  	_ =	shalt  }
0x61: {  	_ =	shalt  }
0x62: {  	_ =	shalt  }
0x63: {  	_ =	shalt  }
0x64: {  	_ =	shalt  }
0x65: {  	_ =	shalt  }
0x66: {  	_ =	shalt  }
0x67: {  	_ =	shalt  }
0x68: {  	_ =	shalt  }
0x69: {  	_ =	shalt  }
0x6a: {  	_ =	shalt  }
0x6b: {  	_ =	shalt  }
0x6c: {  	_ =	shalt  }
0x6d: {  	_ =	shalt  }
0x6e: {  	_ =	shalt  }
0x6f: {  	_ =	shalt  }
0x70: {  	_ =	shalt  }
0x71: {  	_ =	shalt  }
0x72: {  	_ =	shalt  }
0x73: {  	_ =	shalt  }
0x74: {  	_ =	shalt  }
0x75: {  	_ =	shalt  }
0x76: {  	_ =	shalt  }
0x77: {  	_ =	shalt  }
0x78: {  	_ =	shalt  }
0x79: {  	_ =	shalt  }
0x7a: {  	_ =	shalt  }
0x7b: {  	_ =	shalt  }
0x7c: {  	_ =	shalt  }
0x7d: {  	_ =	shalt  }
0x7e: {  	_ =	shalt  }
0x7f: {  	_ =	shalt  }
0x80: {  	_ =	shalt  }
0x81: {  	_ =	shalt  }
0x82: {  	_ =	shalt  }
0x83: {  	_ =	shalt  }
0x84: {  	_ =	shalt  }
0x85: {  	_ =	shalt  }
0x86: {  	_ =	shalt  }
0x87: {  	_ =	shalt  }
.Lfunc_end0:
.L_simem_size_0:
called_computation.1_lowered:
.L_overlay_start_0:
0x88: {  	s2 =	sld [smem:$0x3FD9]  }
0x89: {  	s3 =	sld [smem:$0x3FFE];
	_ =	sdelay $0x1  }
0x8a: {  	s1 =	srdreg.scid  }
0x8b: {  	s0 =	sand.u32 $0x1, s1  }
0x8c: {  	s17 =	sshll.u32 s0, $0xA;
	s2 =	sadd.s32 s3, s2  }
0x8d: {  	s2 =	sadd.s32 s2, s17  }
0x8e: {  	[smem:$0x3FBF] =	sst s2  }
0x8f: {  	_ = 	snop  }
0x90: {  	s2 =	sld [smem:$0x3FD0];
	(tm) =	ssettm $0x1  }
0x91: {  	s18 =	sld [smem:$0x3FFB];
	_ =	sdelay $0x3  }
0x92: {  	_ =	strace s18  }
0x93: {  	s3 =	sld [smem:$0x3FFC];
	_ =	sdelay $0x3  }
0x94: {  	_ =	strace s3  }
0x95: {  	s3 =	sld [smem:$0x3FFD];
	_ =	sdelay $0x3  }
0x96: {  	_ =	strace s3  }
0x97: {  	_ =	strace $0x8FFFFFFF  }
0x98: {  	s19 =	sld [smem:$0x3FDB];
	_ =	sdelay $0x1  }
0x99: {  	s4 =	simm.s32 $_scs_section_size  }
0x9a: {  	s5 =	simm.s32 $_size__tile_overlayer_lowered;
	s6 =	simm.s32 $_tile_overlayer_lowered  }
0x9b: {  	s22 =	simm.s32 $0x1BFF;
	s21 =	sshll.u32 s6, $0x1;
	s3 =	sadd.s32 s4, s19  }
0x9c: {  	s7 =	simm.s32 $0x0;
	s20 =	sshll.u32 s5, $0x1;
	s5 =	sadd.s32 s21, s3  }
0x9d: {  	[timem:s7], [sflag:s22] =	dma.local [hbm:s5], s20  }
0x9e: {  	_ =	swait.ge [sflag:s22], s20  }
0x9f: {  	s4 =	ssub.s32 $0x0, s20;
	[sflag:s22] =	ssyncset.done $0x0  }
0xa0: {  	[sflag:s22] =	ssyncadd.s32 s4;
	_ =	sdelay $0x1  }
0xa1: {  	s23 =	simm.s32 $0x1B8B  }
0xa2: {  	_ =	swait.ge [sflag:s23], $0x1  }
0xa3: {  	[sflag:s23] =	ssyncset.done $0x0  }
0xa4: {  	s25 =	simm.s32 $0x1B8E;
	s24 =	sld [smem:$0x3FFE];
	[sflag:s23] =	ssyncadd.s32 $0xFFFFFFFF  }
0xa5: {  	s26 =	simm.s32 $execute0_lowered;
	[smem:$0x3FD2] =	sst s25  }
0xa6: {  	s5 =	sshll.u32 s26, $0x1;
	_ =	strace $0x80000049;
	[dreg:$0x1] =	wrdreg $0xFFFFFFFF  }
0xa7: {  	s28 =	simm.s32 $_size_execute0_lowered;
	s3 =	sadd.s32 s3, s5;
	[dreg:$0x0] =	wrdreg $0x0  }
0xa8: {  	s5 =	sshll.u32 s28, $0x1;
	[dreg:$0x2] =	wrdreg s3  }
0xa9: {  	[dreg:$0x3] =	wrdreg s5  }
0xaa: {  	[dreg:$0x4] =	wrdreg $0xC0  }
0xab: {  	_ =	task [dreg:s7], $0x5FFFF  }
0xac: {  	[dreg:$0x1] =	wrdreg $0xFFFFFFFF  }
0xad: {  	[dreg:$0x0] =	wrdreg $0x60  }
0xae: {  	[dreg:$0x2] =	wrdreg s24  }
0xaf: {  	[dreg:$0x3] =	wrdreg s2  }
0xb0: {  	[dreg:$0x4] =	wrdreg $0x66D00  }
0xb1: {  	[dreg:$0x5] =	wrdreg $0x9  }
0xb2: {  	_ =	task.clear_ibuf [dreg:s7], $0x6FFFF;
	_ =	strace $0x90000049  }
0xb3: {  	s29 =	simm.s32 $0x9;
	_ =	strace $0x8000004B  }
0xb4: {  	_ =	swait.ge [sflag:s29], $0x1  }
0xb5: {  	[sflag:s29] =	ssyncadd.s32 $0xFFFFFFFF  }
0xb6: {  	_ =	strace $0x9000004B  }
0xb7: {  	_ =	sfence  }
0xb8: {  	s30 =	sld [smem:$0x0];
	_ =	sdelay $0x2  }
0xb9: {  	s31 =	sshll.u32 s1, $0xD;
	s1 =	sshrl.u32 s1, $0x2  }
0xba: {  	s3 =	sand.u32 $0x4000, s31;
	s1 =	sadd.s32 s1, s30  }
0xbb: {  	s0 =	sor.u32 s3, s0;
	s1 =	sshll.u32 s1, $0x11  }
0xbc: {  	s0 =	sor.u32 s1, s0  }
0xbd: {  	s0 =	sadd.s32 $0x8F2B, s0  }
0xbe: {  	[sflag:s0] =	ssyncadd.remote.s32 $0x1  }
0xbf: {  	_ =	sfence.sel $0xFFFF  }
0xc0: {  	[dreg:$0x0] =	wrdreg $0xFFFFFFFF;
	(pc) =	sbr.abs _section_cstart, $3  }
0xc1: {  	[dreg:$0x1] =	wrdreg $0xFFFFFFFF  }
0xc2: {  	_ =	task.clear_ibuf [dreg:s7], $0x2FFFF;
	_ =	strace $0x9FFFFFFF  }
0xc3: {  	(tm) =	ssettm $0x7FFFFFFF  }
tec
execute0_lowered:
.L_overlay_start_1:
0x0: {  	(tag) =	ssettag $0x1  }
0x1: {  	s5 =	rddreg [dreg:$0x0]  }
0x2: {  	s2 =	rddreg [dreg:$0x1];
	s0 =	stileid.u32  }
0x3: {  	s1 =	srdreg.scid;
	s7 =	smul.u32 $0x4E20, s0  }
0x4: {  	s3 =	rddreg [dreg:$0x2];
	s6 =	sand.u32 $0x1, s1;
	s10 =	smul.u32 $0x13880, s0  }
0x5: {  	s4 =	simm.s32 $0x0;
	s1 =	rddreg [dreg:$0x3];
	s8 =	smul.u32 $0x2710, s6  }
0x6: {  	[smem:$0x7FF] =	sst s4;
	s30 =	smul.u32 $0x27100, s6;
	s6 =	ssub.s32 $0x2, s6  }
0x7: {  	s18 =	smul.u32 $0x4E200, s0;
	_ =	strace $0x8000004A;
	s31 =	sshrl.u32 s6, $0x1  }
0x8: {  	s14 =	sadd.s32 $0x3E80, s10;
	s15 =	sadd.s32 $0x7D00, s10;
	s16 =	sadd.s32 $0xBB80, s10  }
0x9: {  	s17 =	sadd.s32 $0xFA00, s10;
	s19 =	sshrl.u32 s10, $0x3;
	s7 =	sadd.s32 s8, s7  }
0xa: {  	s11 =	sadd.s32 s30, s5;
	s13 =	ssub.s32 s6, s31;
	s6 =	sadd.s32 s14, s3  }
0xb: {  	s8 =	sadd.s32 s16, s3;
	s9 =	sadd.s32 s17, s3;
	s21 =	sshrl.u32 s14, $0x3  }
0xc: {  	s22 =	sshrl.u32 s15, $0x3;
	s23 =	sshrl.u32 s16, $0x3;
	s24 =	sshrl.u32 s17, $0x3  }
0xd: {  	s14 =	simm.s32 $0x1;
	s7 =	sshrl.u32 s7, $0x3;
	s20 =	sadd.s32 $0x15A00, s11  }
0xe: {  	s11 =	sadd.s32 s18, s11;
	s12 =	sadd.s32 s7, s5;
	s5 =	sadd.s32 s10, s3  }
0xf: {  	s7 =	sadd.s32 s15, s3;
	s10 =	smax.u32 s13, $0x1;
	s11 =	sadd.s32 $0xA00E00, s11  }
0x10: {  	s13 =	simm.s32 $0x2850;
	s15 =	simm.s32 $0x50;
	s16 =	sadd.s32 s19, s20  }
0x11: {  	s17 =	sadd.s32 s21, s20;
	s18 =	sadd.s32 s22, s20;
	s19 =	sadd.s32 s23, s20  }
0x12: {  	s20 =	sadd.s32 s24, s20;
	s21 =	simm.s32 $0x0;
	s12 =	sadd.s32 $0xBC00, s12  }
.LBB2_1:
0x13: {  	[tilespmem:s13], [sflag:$0x1] =	stream.linear.gather [hbm4b:s2+s4], $0x3E80, $0x38;
	[tilespmem:$0x19F50] =	vst v63  }
0x14: {  	_ =	swait.ge [sflag:s14], $0x3E80  }
0x15: {  	[sflag:s14] =	ssyncset.done $0x0  }
0x16: {  	[sflag:s14] =	ssyncadd.s32 $0xFFFFC180  }
0x17: {  	[spmem:s5] =	stream.linear.scatter [tilespmem:s13], [sflag:$0x1], $0x3E80, $0x38;
	[tilespmem:$0x19F50] =	vst v63  }
0x18: {  	_ =	swait.ge [sflag:s14], $0x3E80  }
0x19: {  	[sflag:s14] =	ssyncset.done $0x0  }
0x1a: {  	[sflag:s14] =	ssyncadd.s32 $0xFFFFC180  }
0x1b: {  	[spmem:s6] =	stream.linear.scatter [tilespmem:s13], [sflag:$0x1], $0x3E80, $0x38;
	[tilespmem:$0x19F50] =	vst v63  }
0x1c: {  	_ =	swait.ge [sflag:s14], $0x3E80  }
0x1d: {  	[sflag:s14] =	ssyncset.done $0x0  }
0x1e: {  	[sflag:s14] =	ssyncadd.s32 $0xFFFFC180  }
0x1f: {  	[spmem:s7] =	stream.linear.scatter [tilespmem:s13], [sflag:$0x1], $0x3E80, $0x38;
	[tilespmem:$0x19F50] =	vst v63  }
0x20: {  	_ =	swait.ge [sflag:s14], $0x3E80  }
0x21: {  	[sflag:s14] =	ssyncset.done $0x0  }
0x22: {  	[sflag:s14] =	ssyncadd.s32 $0xFFFFC180  }
0x23: {  	[spmem:s8] =	stream.linear.scatter [tilespmem:s13], [sflag:$0x1], $0x3E80, $0x38;
	[tilespmem:$0x19F50] =	vst v63  }
0x24: {  	_ =	swait.ge [sflag:s14], $0x3E80  }
0x25: {  	[sflag:s14] =	ssyncset.done $0x0  }
0x26: {  	[sflag:s14] =	ssyncadd.s32 $0xFFFFC180  }
0x27: {  	[spmem:s9] =	stream.linear.scatter [tilespmem:s13], [sflag:$0x1], $0x3E80, $0x38;
	[tilespmem:$0x19F50] =	vst v63  }
0x28: {  	_ =	swait.ge [sflag:s14], $0x3E80  }
0x29: {  	[sflag:s14] =	ssyncset.done $0x0  }
0x2a: {  	[sflag:s14] =	ssyncadd.s32 $0xFFFFC180  }
0x2b: {  	s22 =	sadd.s32 $0x0, s12;
	[bflag:$0x0] =	sbarrier.arrive $0xFFFF  }
0x2c: {  	[tilespmem:s4], [sflag:$0x1] =	stream.linear.gather [hbm4b:s22+s4], $0x50, $0x38;
	[tilespmem:$0x19F50] =	vst v63  }
0x2d: {  	_ =	swait.ge [sflag:s14], $0x50  }
0x2e: {  	[sflag:s14] =	ssyncset.done $0x0  }
0x2f: {  	[sflag:s14] =	ssyncadd.s32 $0xFFFFFFB0  }
0x30: {  	[tilespmem:s15], [sflag:$0x1] =	stream.linear.gather [hbm4b:s11+s4], $0x2800, $0x38;
	[tilespmem:$0x19F50] =	vst v63  }
0x31: {  	_ =	swait.ge [sflag:s14], $0x2800  }
0x32: {  	[sflag:s14] =	ssyncset.done $0x0  }
0x33: {  	[sflag:s14] =	ssyncadd.s32 $0xFFFFD800  }
0x34: {  	[spmem:s3] =	stream.indirect.scatter.add.f32 [tilespmem:s15], [sflag:$0x1], $0x80, s4, s15, $0xb8;
	[tilespmem:$0x19F50] =	vst v63  }
0x35: {  	s23 =	simm.s32 $0xA;
	_ =	swait.ge [sflag:s14], $0x2800  }
0x36: {  	s24 =	simm.s32 $0x14;
	s22 =	sadd.s32 $0x500, s11;
	[sflag:s14] =	ssyncset.done $0x0  }
.LBB2_2:
0x37: {  	s25 =	sadd.s32 s23, s12  }
0x38: {  	[sflag:s14] =	ssyncadd.s32 $0xFFFFD800;
	s23 =	smov.u32 s24;
	s26 =	sadd.s32 $0xA, s24  }
0x39: {  	[tilespmem:s4], [sflag:$0x1] =	stream.linear.gather [hbm4b:s25+s4], $0x50, $0x38;
	[tilespmem:$0x19F50] =	vst v63  }
0x3a: {  	p0 =	sne.s32 s24, $0x4D8;
	_ =	swait.ge [sflag:s14], $0x50  }
0x3b: {  	[sflag:s14] =	ssyncset.done $0x0  }
0x3c: {  	[sflag:s14] =	ssyncadd.s32 $0xFFFFFFB0  }
0x3d: {  	[tilespmem:s15], [sflag:$0x1] =	stream.linear.gather [hbm4b:s22+s4], $0x2800, $0x38;
	[tilespmem:$0x19F50] =	vst v63  }
0x3e: {  	_ =	swait.ge [sflag:s14], $0x2800  }
.Ltmp0:
0x3f: {  	[sflag:s14] =	ssyncset.done $0x0;
	(pc) =	sbr.rel @p0 .LBB2_2-.Ltmp0, $4  }
0x40: {  	[sflag:s14] =	ssyncadd.s32 $0xFFFFD800  }
0x41: {  	[spmem:s3] =	stream.indirect.scatter.add.f32 [tilespmem:s15], [sflag:$0x1], $0x80, s4, s15, $0xb8;
	[tilespmem:$0x19F50] =	vst v63  }
0x42: {  	_ =	swait.ge [sflag:s14], $0x2800  }
0x43: {  	s24 =	smov.u32 s26;
	s22 =	sadd.s32 $0x500, s22;
	[sflag:s14] =	ssyncset.done $0x0  }
0x44: {  	s23 =	sadd.s32 s23, s12;
	[sflag:s14] =	ssyncadd.s32 $0xFFFFD800  }
0x45: {  	[tilespmem:s4], [sflag:$0x1] =	stream.linear.gather [hbm4b:s23+s4], $0x50, $0x38;
	[tilespmem:$0x19F50] =	vst v63  }
0x46: {  	_ =	swait.ge [sflag:s14], $0x50  }
0x47: {  	[sflag:s14] =	ssyncset.done $0x0  }
0x48: {  	[sflag:s14] =	ssyncadd.s32 $0xFFFFFFB0  }
0x49: {  	[tilespmem:s15], [sflag:$0x1] =	stream.linear.gather [hbm4b:s22+s4], $0x2800, $0x38;
	[tilespmem:$0x19F50] =	vst v63  }
0x4a: {  	_ =	swait.ge [sflag:s14], $0x2800  }
0x4b: {  	[sflag:s14] =	ssyncset.done $0x0  }
0x4c: {  	[sflag:s14] =	ssyncadd.s32 $0xFFFFD800  }
0x4d: {  	[spmem:s3] =	stream.indirect.scatter.add.f32 [tilespmem:s15], [sflag:$0x1], $0x80, s4, s15, $0xb8;
	[tilespmem:$0x19F50] =	vst v63  }
0x4e: {  	_ =	swait.ge [sflag:s14], $0x2800  }
0x4f: {  	[sflag:s14] =	ssyncset.done $0x0  }
0x50: {  	[sflag:s14] =	ssyncadd.s32 $0xFFFFD800  }
0x51: {  	[bflag:$0x0] =	sbarrier.arrive $0xFFFF  }
0x52: {  	[tilespmem:s13], [sflag:$0x1] =	stream.linear.gather [spmem:s5], $0x3E80, $0x38;
	[tilespmem:$0x19F50] =	vst v63  }
0x53: {  	_ =	swait.ge [sflag:s14], $0x3E80  }
0x54: {  	[sflag:s14] =	ssyncset.done $0x0  }
0x55: {  	[sflag:s14] =	ssyncadd.s32 $0xFFFFC180  }
0x56: {  	[hbm4b:s16+s4] =	stream.linear.scatter [tilespmem:s13], [sflag:$0x1], $0x3E80, $0x38;
	[tilespmem:$0x19F50] =	vst v63  }
0x57: {  	_ =	swait.ge [sflag:s14], $0x3E80  }
0x58: {  	[sflag:s14] =	ssyncset.done $0x0  }
0x59: {  	[sflag:s14] =	ssyncadd.s32 $0xFFFFC180  }
0x5a: {  	[tilespmem:s13], [sflag:$0x1] =	stream.linear.gather [spmem:s6], $0x3E80, $0x38;
	[tilespmem:$0x19F50] =	vst v63  }
0x5b: {  	_ =	swait.ge [sflag:s14], $0x3E80  }
0x5c: {  	[sflag:s14] =	ssyncset.done $0x0  }
0x5d: {  	[sflag:s14] =	ssyncadd.s32 $0xFFFFC180  }
0x5e: {  	[hbm4b:s17+s4] =	stream.linear.scatter [tilespmem:s13], [sflag:$0x1], $0x3E80, $0x38;
	[tilespmem:$0x19F50] =	vst v63  }
0x5f: {  	_ =	swait.ge [sflag:s14], $0x3E80  }
0x60: {  	[sflag:s14] =	ssyncset.done $0x0  }
0x61: {  	[sflag:s14] =	ssyncadd.s32 $0xFFFFC180  }
0x62: {  	[tilespmem:s13], [sflag:$0x1] =	stream.linear.gather [spmem:s7], $0x3E80, $0x38;
	[tilespmem:$0x19F50] =	vst v63  }
0x63: {  	_ =	swait.ge [sflag:s14], $0x3E80  }
0x64: {  	[sflag:s14] =	ssyncset.done $0x0  }
0x65: {  	[sflag:s14] =	ssyncadd.s32 $0xFFFFC180  }
0x66: {  	[hbm4b:s18+s4] =	stream.linear.scatter [tilespmem:s13], [sflag:$0x1], $0x3E80, $0x38;
	[tilespmem:$0x19F50] =	vst v63  }
0x67: {  	_ =	swait.ge [sflag:s14], $0x3E80  }
0x68: {  	[sflag:s14] =	ssyncset.done $0x0  }
0x69: {  	[sflag:s14] =	ssyncadd.s32 $0xFFFFC180  }
0x6a: {  	[tilespmem:s13], [sflag:$0x1] =	stream.linear.gather [spmem:s8], $0x3E80, $0x38;
	[tilespmem:$0x19F50] =	vst v63  }
0x6b: {  	_ =	swait.ge [sflag:s14], $0x3E80  }
0x6c: {  	[sflag:s14] =	ssyncset.done $0x0  }
0x6d: {  	[sflag:s14] =	ssyncadd.s32 $0xFFFFC180  }
0x6e: {  	[hbm4b:s19+s4] =	stream.linear.scatter [tilespmem:s13], [sflag:$0x1], $0x3E80, $0x38;
	[tilespmem:$0x19F50] =	vst v63  }
0x6f: {  	_ =	swait.ge [sflag:s14], $0x3E80  }
0x70: {  	[sflag:s14] =	ssyncset.done $0x0  }
0x71: {  	[sflag:s14] =	ssyncadd.s32 $0xFFFFC180  }
0x72: {  	[tilespmem:s13], [sflag:$0x1] =	stream.linear.gather [spmem:s9], $0x3E80, $0x38;
	[tilespmem:$0x19F50] =	vst v63  }
0x73: {  	s21 =	sadd.s32 $0x1, s21;
	_ =	swait.ge [sflag:s14], $0x3E80  }
0x74: {  	p0 =	sne.s32 s21, s10;
	[sflag:s14] =	ssyncset.done $0x0  }
.Ltmp1:
0x75: {  	[sflag:s14] =	ssyncadd.s32 $0xFFFFC180;
	(pc) =	sbr.rel @p0 .LBB2_1-.Ltmp1, $4  }
0x76: {  	[hbm4b:s20+s4] =	stream.linear.scatter [tilespmem:s13], [sflag:$0x1], $0x3E80, $0x38;
	[tilespmem:$0x19F50] =	vst v63  }
0x77: {  	_ =	swait.ge [sflag:s14], $0x3E80  }
0x78: {  	[sflag:s14] =	ssyncset.done $0x0  }
0x79: {  	[sflag:s14] =	ssyncadd.s32 $0xFFFFC180  }
0x7a: {  	_ =	sfence.sel $0x180000  }
0x7b: {  	[bflag:$0x0] =	sbarrier.arrive $0xFFFF  }
0x7c: {  	p0 =	sne.s32 s0, $0x0;
	_ =	strace $0x9000004A  }
0x7d: {  	s0 =	sadd.s32 @!p0 $0x100000, s1;
	[bflag:$0x2] =	sbarrier.arrive $0xFFFF  }
0x7e: {  	[sflag:s0] =	ssyncadd.tile.s32 @!p0 $0x1;
	_ =	shalt  }
.Lfunc_end2:
_tile_overlayer_lowered:
.L_overlay_start_2:
0x7f: {  	(tag) =	ssettag $0x2  }
0x80: {  	s0 =	rddreg [dreg:$0x0];
	s2 =	stileid.u32  }
0x81: {  	s1 =	rddreg [dreg:$0x1];
	p0 =	sne.s32 s2, $0x0  }
0x82: {  	s3 =	rddreg [dreg:$0x2];
	[bflag:$0x3] =	sbarrier.arrive $0xFFFF;
	s2 =	simm.s32 @!p0 $0x1C01  }
0x83: {  	[timem:s3], [sflag:s2] =	dma.local @!p0 [hbm:s0], s1  }
0x84: {  	s0 =	simm.s32 @!p0 $0x1  }
0x85: {  	_ =	swait.ge @!p0 [sflag:s0], s1  }
0x86: {  	s1 =	ssub.s32 @!p0 $0x0, s1;
	[sflag:s0] =	ssyncset.done @!p0 $0x0  }
0x87: {  	[sflag:s0] =	ssyncadd.s32 @!p0 s1  }
0x88: {  	[bflag:$0x3] =	sbarrier.arrive $0xFFFF  }
0x89: {  	_ =	shalt  }

// kernel: kernel.18.cloned.1.call-start
scs
__scs_entry_jumppad:
0x0: {  	(pc) =	sbr.rel $0x88, $3  }
0x1: {  	(tag) =	ssettag $0x0;
	lr =	simm.s32 $0x1  }
0x2: {  	[smem:$0x3F98] =	sst lr;
	_ =	strace $0xD0000000  }
0x3: {  	_ = 	snop  }
0x4: {  	_ = 	snop  }
0x5: {  	_ = 	snop  }
0x6: {  	_ = 	snop  }
0x7: {  	_ = 	snop  }
__scs_overlays_trampoline_lowered:
0x8: {  	[smem:$0x3FA7] =	sst s0  }
0x9: {  	[smem:$0x3FA8] =	sst s1  }
0xa: {  	[smem:$0x3FA9] =	sst s2  }
0xb: {  	[smem:$0x3FAA] =	sst s3  }
0xc: {  	[smem:$0x3FAB] =	sst s4  }
0xd: {  	[smem:$0x3FAC] =	sst s5  }
0xe: {  	[smem:$0x3FAD] =	sst s6  }
0xf: {  	[smem:$0x3FAE] =	sst s7  }
0x10: {  	[smem:$0x3FAF] =	sst s8  }
0x11: {  	[smem:$0x3FB0] =	sst s9;
	s0 =	simm.s32 @!p0 $0x0  }
0x12: {  	s1 =	sld [smem:$0x3F96];
	s0 =	simm.s32 @p0 $0x1  }
0x13: {  	[smem:$0x3FB1] =	sst s0;
	s0 =	simm.s32 @!p1 $0x0  }
0x14: {  	s2 =	sld [smem:$0x3F95];
	s0 =	simm.s32 @p1 $0x1  }
0x15: {  	[smem:$0x3FB2] =	sst s0;
	s0 =	simm.s32 @!p2 $0x0  }
0x16: {  	s3 =	sld [smem:$0x3FDB];
	s0 =	simm.s32 @p2 $0x1  }
0x17: {  	s4 =	simm.s32 $0x1BF5;
	[smem:$0x3FB4] =	sst s0  }
0x18: {  	s0 =	sld [smem:$0x3F97];
	_ =	swait.ge [sflag:s4], $0x0  }
0x19: {  	s7 =	sld [smem:$0x3F98]  }
0x1a: {  	s8 =	sadd.s32 $0xFFFFE003, lr  }
0x1b: {  	s9 =	sadd.s32 $0xFFFFFEF7, lr;
	s5 =	simm.s32 $0xFFFFFFFF;
	p2 =	slt.u32 s8, $0xFFFFF086  }
0x1c: {  	p1 =	slt.u32 s9, $0xF7A;
	s5 =	simm.s32 @!p2 $0x0  }
0x1d: {  	s5 =	simm.s32 @p1 $0x1;
	p0 =	seq.s32 s7, s2  }
0x1e: {  	s7 =	smul.u32 @!p0 $0xF7A, s2;
	p2 =	seq.s32 @!p0 s5, $0x0  }
0x1f: {  	s9 =	smul.u32 $0xF7A, s1;
	s8 =	simm.s32 @!p0 $0x1BF5;
	p2 =	por !p2, p0  }
0x20: {  	[sflag:s8] =	ssyncset.s32 @!p0 $0xFFFFF086;
	s6 =	sadd.s32 @!p0 s3, s7;
	s7 =	simm.s32 @!p0 $0x108  }
0x21: {  	s3 =	sadd.s32 s3, s9;
	s6 =	sadd.s32 @!p0 $0x88, s6;
	s7 =	simm.s32 @p2 $0x1082  }
0x22: {  	[simem:s7], [sflag:s8] =	dma.local @!p0 [hbm:s6], $0xF7A  }
0x23: {  	s9 =	sor.u32 $0xD0000000, s2;
	s6 =	simm.s32 $0x108;
	_ =	swait.ge @!p0 [sflag:s8], $0x0  }
0x24: {  	s3 =	sadd.s32 $0x88, s3;
	s6 =	simm.s32 @!p1 $0x1082;
	[sflag:s4] =	ssyncset.s32 $0xFFFFF086  }
0x25: {  	[simem:s6], [sflag:s4] =	dma.local [hbm:s3], $0xF7A  }
0x26: {  	[smem:$0x3F98] =	sst s1;
	(tag) =	ssettag s2;
	_ =	strace s9  }
0x27: {  	s1 =	sld [smem:$0x3FA8]  }
0x28: {  	s2 =	sld [smem:$0x3FA9]  }
0x29: {  	s4 =	sld [smem:$0x3FAB]  }
0x2a: {  	p0 =	seq.s32 s5, $0x0;
	s5 =	sld [smem:$0x3FAC]  }
0x2b: {  	s6 =	sld [smem:$0x3FAD]  }
0x2c: {  	s7 =	sld [smem:$0x3FAE]  }
0x2d: {  	s3 =	simm.s32 $0x108;
	s8 =	sld [smem:$0x3FAF]  }
0x2e: {  	s3 =	simm.s32 @!p0 $0x1082;
	s9 =	sld [smem:$0x3FB0]  }
0x2f: {  	lr =	sadd.s32 s0, s3;
	s0 =	sld [smem:$0x3FA7]  }
0x30: {  	s3 =	sld [smem:$0x3FAA]  }
0x31: {  	[smem:$0x3FB3] =	sst s10  }
0x32: {  	s10 =	sld [smem:$0x3FB1];
	_ =	sdelay $0x3  }
0x33: {  	p0 =	seq.s32 s10, $0x1;
	s10 =	sld [smem:$0x3FB3];
	_ =	sdelay $0x3  }
0x34: {  	[smem:$0x3FB3] =	sst s10  }
0x35: {  	s10 =	sld [smem:$0x3FB2];
	_ =	sdelay $0x3  }
0x36: {  	p1 =	seq.s32 s10, $0x1;
	s10 =	sld [smem:$0x3FB3];
	_ =	sdelay $0x3  }
0x37: {  	[smem:$0x3FB3] =	sst s10  }
0x38: {  	s10 =	sld [smem:$0x3FB4]  }
0x39: {  	_ = 	snop;
	(pc) =	sbr.ind lr, $3  }
0x3a: {  	_ = 	snop  }
0x3b: {  	_ = 	snop  }
0x3c: {  	p2 =	seq.s32 s10, $0x1;
	s10 =	sld [smem:$0x3FB3]  }
0x3d: {  	_ =	shalt  }
0x3e: {  	_ =	shalt  }
0x3f: {  	_ =	shalt  }
0x40: {  	_ =	shalt  }
0x41: {  	_ =	shalt  }
0x42: {  	_ =	shalt  }
0x43: {  	_ =	shalt  }
0x44: {  	_ =	shalt  }
0x45: {  	_ =	shalt  }
0x46: {  	_ =	shalt  }
0x47: {  	_ =	shalt  }
0x48: {  	_ =	shalt  }
0x49: {  	_ =	shalt  }
0x4a: {  	_ =	shalt  }
0x4b: {  	_ =	shalt  }
0x4c: {  	_ =	shalt  }
0x4d: {  	_ =	shalt  }
0x4e: {  	_ =	shalt  }
0x4f: {  	_ =	shalt  }
0x50: {  	_ =	shalt  }
0x51: {  	_ =	shalt  }
0x52: {  	_ =	shalt  }
0x53: {  	_ =	shalt  }
0x54: {  	_ =	shalt  }
0x55: {  	_ =	shalt  }
0x56: {  	_ =	shalt  }
0x57: {  	_ =	shalt  }
0x58: {  	_ =	shalt  }
0x59: {  	_ =	shalt  }
0x5a: {  	_ =	shalt  }
0x5b: {  	_ =	shalt  }
0x5c: {  	_ =	shalt  }
0x5d: {  	_ =	shalt  }
0x5e: {  	_ =	shalt  }
0x5f: {  	_ =	shalt  }
0x60: {  	_ =	shalt  }
0x61: {  	_ =	shalt  }
0x62: {  	_ =	shalt  }
0x63: {  	_ =	shalt  }
0x64: {  	_ =	shalt  }
0x65: {  	_ =	shalt  }
0x66: {  	_ =	shalt  }
0x67: {  	_ =	shalt  }
0x68: {  	_ =	shalt  }
0x69: {  	_ =	shalt  }
0x6a: {  	_ =	shalt  }
0x6b: {  	_ =	shalt  }
0x6c: {  	_ =	shalt  }
0x6d: {  	_ =	shalt  }
0x6e: {  	_ =	shalt  }
0x6f: {  	_ =	shalt  }
0x70: {  	_ =	shalt  }
0x71: {  	_ =	shalt  }
0x72: {  	_ =	shalt  }
0x73: {  	_ =	shalt  }
0x74: {  	_ =	shalt  }
0x75: {  	_ =	shalt  }
0x76: {  	_ =	shalt  }
0x77: {  	_ =	shalt  }
0x78: {  	_ =	shalt  }
0x79: {  	_ =	shalt  }
0x7a: {  	_ =	shalt  }
0x7b: {  	_ =	shalt  }
0x7c: {  	_ =	shalt  }
0x7d: {  	_ =	shalt  }
0x7e: {  	_ =	shalt  }
0x7f: {  	_ =	shalt  }
0x80: {  	_ =	shalt  }
0x81: {  	_ =	shalt  }
0x82: {  	_ =	shalt  }
0x83: {  	_ =	shalt  }
0x84: {  	_ =	shalt  }
0x85: {  	_ =	shalt  }
0x86: {  	_ =	shalt  }
0x87: {  	_ =	shalt  }
.Lfunc_end0:
.L_simem_size_0:
called_computation.2_lowered:
.L_overlay_start_0:
0x88: {  	s2 =	sld [smem:$0x3FD9]  }
0x89: {  	s3 =	sld [smem:$0x3FFE];
	_ =	sdelay $0x1  }
0x8a: {  	s1 =	srdreg.scid  }
0x8b: {  	s0 =	sand.u32 $0x1, s1  }
0x8c: {  	s16 =	sshll.u32 s0, $0xA;
	s2 =	sadd.s32 s3, s2  }
0x8d: {  	s2 =	sadd.s32 s2, s16  }
0x8e: {  	[smem:$0x3FBF] =	sst s2  }
0x8f: {  	_ = 	snop  }
0x90: {  	(tm) =	ssettm $0x1  }
0x91: {  	s17 =	sld [smem:$0x3FFB];
	_ =	sdelay $0x3  }
0x92: {  	_ =	strace s17  }
0x93: {  	s2 =	sld [smem:$0x3FFC];
	_ =	sdelay $0x3  }
0x94: {  	_ =	strace s2  }
0x95: {  	s2 =	sld [smem:$0x3FFD];
	_ =	sdelay $0x3  }
0x96: {  	_ =	strace s2  }
0x97: {  	_ =	strace $0x8FFFFFFF  }
0x98: {  	s18 =	sld [smem:$0x3FDB];
	_ =	sdelay $0x1  }
0x99: {  	s19 =	simm.s32 $_scs_section_size  }
0x9a: {  	s4 =	simm.s32 $_size__tile_overlayer_lowered;
	s5 =	simm.s32 $_tile_overlayer_lowered  }
0x9b: {  	s22 =	simm.s32 $0x1BFF;
	s21 =	sshll.u32 s5, $0x1;
	s2 =	sadd.s32 s19, s18  }
0x9c: {  	s6 =	simm.s32 $0x0;
	s20 =	sshll.u32 s4, $0x1;
	s4 =	sadd.s32 s21, s2  }
0x9d: {  	[timem:s6], [sflag:s22] =	dma.local [hbm:s4], s20  }
0x9e: {  	_ =	swait.ge [sflag:s22], s20  }
0x9f: {  	s3 =	ssub.s32 $0x0, s20;
	[sflag:s22] =	ssyncset.done $0x0  }
0xa0: {  	[sflag:s22] =	ssyncadd.s32 s3;
	_ =	sdelay $0x1  }
0xa1: {  	s23 =	simm.s32 $0x1B8B  }
0xa2: {  	_ =	swait.ge [sflag:s23], $0x1  }
0xa3: {  	[sflag:s23] =	ssyncset.done $0x0  }
0xa4: {  	s25 =	simm.s32 $0x1B8E;
	s24 =	sld [smem:$0x3FFE];
	[sflag:s23] =	ssyncadd.s32 $0xFFFFFFFF  }
0xa5: {  	s26 =	simm.s32 $execute0_lowered;
	[smem:$0x3FD2] =	sst s25  }
0xa6: {  	s4 =	sshll.u32 s26, $0x1;
	_ =	strace $0x8000004C;
	[dreg:$0x1] =	wrdreg $0xFFFFFFFF  }
0xa7: {  	s28 =	simm.s32 $_size_execute0_lowered;
	s2 =	sadd.s32 s2, s4;
	[dreg:$0x0] =	wrdreg $0x0  }
0xa8: {  	s4 =	sshll.u32 s28, $0x1;
	[dreg:$0x2] =	wrdreg s2  }
0xa9: {  	[dreg:$0x3] =	wrdreg s4  }
0xaa: {  	[dreg:$0x4] =	wrdreg $0xC0  }
0xab: {  	_ =	task [dreg:s6], $0x5FFFF  }
0xac: {  	[dreg:$0x1] =	wrdreg $0xFFFFFFFF  }
0xad: {  	[dreg:$0x0] =	wrdreg $0x60  }
0xae: {  	[dreg:$0x2] =	wrdreg s24  }
0xaf: {  	[dreg:$0x3] =	wrdreg $0x9  }
0xb0: {  	_ =	task.clear_ibuf [dreg:s6], $0x4FFFF;
	_ =	strace $0x9000004C  }
0xb1: {  	s29 =	simm.s32 $0x9;
	_ =	strace $0x8000004E  }
0xb2: {  	_ =	swait.ge [sflag:s29], $0x1  }
0xb3: {  	[sflag:s29] =	ssyncadd.s32 $0xFFFFFFFF  }
0xb4: {  	_ =	strace $0x9000004E  }
0xb5: {  	_ =	sfence  }
0xb6: {  	s30 =	sld [smem:$0x0];
	_ =	sdelay $0x2  }
0xb7: {  	s31 =	sshll.u32 s1, $0xD;
	s1 =	sshrl.u32 s1, $0x2  }
0xb8: {  	s3 =	sand.u32 $0x4000, s31;
	s1 =	sadd.s32 s1, s30  }
0xb9: {  	s0 =	sor.u32 s3, s0;
	s1 =	sshll.u32 s1, $0x11  }
0xba: {  	s0 =	sor.u32 s1, s0  }
0xbb: {  	s0 =	sadd.s32 $0x8F2B, s0  }
0xbc: {  	[sflag:s0] =	ssyncadd.remote.s32 $0x1  }
0xbd: {  	_ =	sfence.sel $0xFFFF  }
0xbe: {  	[dreg:$0x0] =	wrdreg $0xFFFFFFFF;
	(pc) =	sbr.abs _section_cstart, $3  }
0xbf: {  	[dreg:$0x1] =	wrdreg $0xFFFFFFFF  }
0xc0: {  	_ =	task.clear_ibuf [dreg:s6], $0x2FFFF;
	_ =	strace $0x9FFFFFFF  }
0xc1: {  	(tm) =	ssettm $0x7FFFFFFF  }
tec
execute0_lowered:
.L_overlay_start_1:
0x0: {  	(tag) =	ssettag $0x1  }
0x1: {  	s4 =	rddreg [dreg:$0x0]  }
0x2: {  	s0 =	rddreg [dreg:$0x1];
	s3 =	srdreg.scid  }
0x3: {  	s1 =	stileid.u32;
	s2 =	simm.s32 $0x0;
	s11 =	simm.s32 $0xA0  }
0x4: {  	s12 =	simm.s32 $0x28A0;
	s13 =	simm.s32 $0x1;
	s6 =	smul.u32 $0x4E20, s1  }
0x5: {  	s14 =	simm.s32 $0x2;
	s5 =	sand.u32 $0x1, s3;
	s8 =	smul.u32 $0x4E200, s1  }
0x6: {  	s15 =	simm.s32 $0x0;
	[smem:$0x7FF] =	sst s2;
	s7 =	smul.u32 $0x2710, s5  }
0x7: {  	s3 =	sadd.s32 $0x15A00, s4;
	s29 =	ssub.s32 $0x2, s5;
	s5 =	smul.u32 $0x27100, s5  }
0x8: {  	_ =	strace $0x8000004D;
	s8 =	sadd.s32 s8, s4;
	s9 =	sshrl.u32 s29, $0x1  }
0x9: {  	s6 =	sadd.s32 s7, s6;
	s30 =	ssub.s32 s29, s9;
	s31 =	sadd.s32 s5, s8  }
0xa: {  	s9 =	simm.s32 $0x3;
	s6 =	sshrl.u32 s6, $0x3;
	s5 =	sadd.s32 $0x51EC00, s31  }
0xb: {  	s10 =	sadd.s32 s6, s4;
	s4 =	smax.u32 s30, $0x1;
	s6 =	sadd.s32 $0x3CC00, s31  }
0xc: {  	s7 =	sadd.s32 $0xBC00, s10;
	s8 =	sadd.s32 $0x1E00, s10;
	s10 =	simm.s32 $0x50  }
.LBB2_1:
0xd: {  	s16 =	sadd.s32 $0x0, s8  }
0xe: {  	[tilespmem:s2], [sflag:$0x3] =	stream.linear.gather [hbm4b:s16+s2], $0x50, $0x38;
	[tilespmem:$0x50A0] =	vst v63  }
0xf: {  	_ =	swait.ge [sflag:s9], $0x50  }
0x10: {  	[sflag:s9] =	ssyncset.done $0x0  }
0x11: {  	s31 =	sadd.s32 $0x0, s7;
	[sflag:s9] =	ssyncadd.s32 $0xFFFFFFB0  }
0x12: {  	[tilespmem:s10], [sflag:$0x3] =	stream.linear.gather [hbm4b:s31+s2], $0x50, $0x38;
	[tilespmem:$0x50A0] =	vst v63  }
0x13: {  	_ =	swait.ge [sflag:s9], $0x50  }
0x14: {  	[sflag:s9] =	ssyncset.done $0x0  }
0x15: {  	[sflag:s9] =	ssyncadd.s32 $0xFFFFFFB0  }
0x16: {  	[tilespmem:s11], [sflag:$0x1] =	stream.indirect.gather [hbm4b:s3+s10], $0x80, s2, s10, $0xb8;
	[tilespmem:$0x50A0] =	vst v63  }
0x17: {  	_ = 	snop  }
0x18: {  	[tilespmem:s12], [sflag:$0x2] =	stream.indirect.gather [hbm4b:s3+s10], $0x80, s10, s10, $0xb8;
	[tilespmem:$0x50A0] =	vst v63  }
0x19: {  	_ =	swait.ge [sflag:s13], $0x2800  }
0x1a: {  	[sflag:s13] =	ssyncset.done $0x0  }
0x1b: {  	[sflag:s13] =	ssyncadd.s32 $0xFFFFD800  }
0x1c: {  	_ =	swait.ge [sflag:s14], $0x2800  }
0x1d: {  	[sflag:s14] =	ssyncset.done $0x0  }
0x1e: {  	[sflag:s14] =	ssyncadd.s32 $0xFFFFD800  }
0x1f: {  	[hbm4b:s6+s2] =	stream.linear.scatter [tilespmem:s11], [sflag:$0x3], $0x2800, $0x38;
	[tilespmem:$0x50A0] =	vst v63  }
0x20: {  	_ =	swait.ge [sflag:s9], $0x2800  }
0x21: {  	[sflag:s9] =	ssyncset.done $0x0  }
0x22: {  	[sflag:s9] =	ssyncadd.s32 $0xFFFFD800  }
0x23: {  	[hbm4b:s5+s2] =	stream.linear.scatter [tilespmem:s12], [sflag:$0x3], $0x2800, $0x38;
	[tilespmem:$0x50A0] =	vst v63  }
0x24: {  	s18 =	simm.s32 $0xA;
	s19 =	simm.s32 $0x14;
	_ =	swait.ge [sflag:s9], $0x2800  }
0x25: {  	s17 =	sadd.s32 $0x500, s6;
	s16 =	sadd.s32 $0x500, s5;
	[sflag:s9] =	ssyncset.done $0x0  }
.LBB2_2:
0x26: {  	s20 =	sadd.s32 s18, s8  }
0x27: {  	[sflag:s9] =	ssyncadd.s32 $0xFFFFD800;
	s21 =	smov.u32 s19;
	s22 =	sadd.s32 $0xA, s19  }
0x28: {  	[tilespmem:s2], [sflag:$0x3] =	stream.linear.gather [hbm4b:s20+s2], $0x50, $0x38;
	[tilespmem:$0x50A0] =	vst v63  }
0x29: {  	p0 =	sne.s32 s19, $0x4D8;
	_ =	swait.ge [sflag:s9], $0x50  }
0x2a: {  	[sflag:s9] =	ssyncset.done $0x0  }
0x2b: {  	s19 =	sadd.s32 s18, s7;
	s18 =	smov.u32 s21;
	[sflag:s9] =	ssyncadd.s32 $0xFFFFFFB0  }
0x2c: {  	[tilespmem:s10], [sflag:$0x3] =	stream.linear.gather [hbm4b:s19+s2], $0x50, $0x38;
	[tilespmem:$0x50A0] =	vst v63  }
0x2d: {  	_ =	swait.ge [sflag:s9], $0x50  }
0x2e: {  	[sflag:s9] =	ssyncset.done $0x0  }
0x2f: {  	[sflag:s9] =	ssyncadd.s32 $0xFFFFFFB0  }
0x30: {  	[tilespmem:s11], [sflag:$0x1] =	stream.indirect.gather [hbm4b:s3+s10], $0x80, s2, s10, $0xb8;
	[tilespmem:$0x50A0] =	vst v63  }
0x31: {  	_ = 	snop  }
0x32: {  	[tilespmem:s12], [sflag:$0x2] =	stream.indirect.gather [hbm4b:s3+s10], $0x80, s10, s10, $0xb8;
	[tilespmem:$0x50A0] =	vst v63  }
0x33: {  	_ =	swait.ge [sflag:s13], $0x2800  }
0x34: {  	[sflag:s13] =	ssyncset.done $0x0  }
0x35: {  	[sflag:s13] =	ssyncadd.s32 $0xFFFFD800  }
0x36: {  	_ =	swait.ge [sflag:s14], $0x2800  }
0x37: {  	[sflag:s14] =	ssyncset.done $0x0  }
0x38: {  	[sflag:s14] =	ssyncadd.s32 $0xFFFFD800  }
0x39: {  	[hbm4b:s17+s2] =	stream.linear.scatter [tilespmem:s11], [sflag:$0x3], $0x2800, $0x38;
	[tilespmem:$0x50A0] =	vst v63  }
0x3a: {  	_ =	swait.ge [sflag:s9], $0x2800  }
.Ltmp0:
0x3b: {  	[sflag:s9] =	ssyncset.done $0x0;
	(pc) =	sbr.rel @p0 .LBB2_2-.Ltmp0, $4  }
0x3c: {  	[sflag:s9] =	ssyncadd.s32 $0xFFFFD800  }
0x3d: {  	[hbm4b:s16+s2] =	stream.linear.scatter [tilespmem:s12], [sflag:$0x3], $0x2800, $0x38;
	[tilespmem:$0x50A0] =	vst v63  }
0x3e: {  	s19 =	smov.u32 s22;
	_ =	swait.ge [sflag:s9], $0x2800  }
0x3f: {  	s17 =	sadd.s32 $0x500, s17;
	s16 =	sadd.s32 $0x500, s16;
	[sflag:s9] =	ssyncset.done $0x0  }
0x40: {  	s19 =	sadd.s32 s18, s8;
	[sflag:s9] =	ssyncadd.s32 $0xFFFFD800  }
0x41: {  	[tilespmem:s2], [sflag:$0x3] =	stream.linear.gather [hbm4b:s19+s2], $0x50, $0x38;
	[tilespmem:$0x50A0] =	vst v63  }
0x42: {  	_ =	swait.ge [sflag:s9], $0x50  }
0x43: {  	[sflag:s9] =	ssyncset.done $0x0  }
0x44: {  	s31 =	sadd.s32 s18, s7;
	[sflag:s9] =	ssyncadd.s32 $0xFFFFFFB0  }
0x45: {  	[tilespmem:s10], [sflag:$0x3] =	stream.linear.gather [hbm4b:s31+s2], $0x50, $0x38;
	[tilespmem:$0x50A0] =	vst v63  }
0x46: {  	_ =	swait.ge [sflag:s9], $0x50  }
0x47: {  	[sflag:s9] =	ssyncset.done $0x0  }
0x48: {  	[sflag:s9] =	ssyncadd.s32 $0xFFFFFFB0  }
0x49: {  	[tilespmem:s11], [sflag:$0x1] =	stream.indirect.gather [hbm4b:s3+s10], $0x80, s2, s10, $0xb8;
	[tilespmem:$0x50A0] =	vst v63  }
0x4a: {  	_ = 	snop  }
0x4b: {  	[tilespmem:s12], [sflag:$0x2] =	stream.indirect.gather [hbm4b:s3+s10], $0x80, s10, s10, $0xb8;
	[tilespmem:$0x50A0] =	vst v63  }
0x4c: {  	_ =	swait.ge [sflag:s13], $0x2800  }
0x4d: {  	[sflag:s13] =	ssyncset.done $0x0  }
0x4e: {  	[sflag:s13] =	ssyncadd.s32 $0xFFFFD800  }
0x4f: {  	_ =	swait.ge [sflag:s14], $0x2800  }
0x50: {  	[sflag:s14] =	ssyncset.done $0x0  }
0x51: {  	[sflag:s14] =	ssyncadd.s32 $0xFFFFD800  }
0x52: {  	[hbm4b:s17+s2] =	stream.linear.scatter [tilespmem:s11], [sflag:$0x3], $0x2800, $0x38;
	[tilespmem:$0x50A0] =	vst v63  }
0x53: {  	s15 =	sadd.s32 $0x1, s15;
	_ =	swait.ge [sflag:s9], $0x2800  }
0x54: {  	p0 =	sne.s32 s15, s4;
	[sflag:s9] =	ssyncset.done $0x0  }
.Ltmp1:
0x55: {  	[sflag:s9] =	ssyncadd.s32 $0xFFFFD800;
	(pc) =	sbr.rel @p0 .LBB2_1-.Ltmp1, $4  }
0x56: {  	[hbm4b:s16+s2] =	stream.linear.scatter [tilespmem:s12], [sflag:$0x3], $0x2800, $0x38;
	[tilespmem:$0x50A0] =	vst v63  }
0x57: {  	_ =	swait.ge [sflag:s9], $0x2800  }
0x58: {  	[sflag:s9] =	ssyncset.done $0x0  }
0x59: {  	[sflag:s9] =	ssyncadd.s32 $0xFFFFD800  }
0x5a: {  	_ =	sfence.sel $0x180000  }
0x5b: {  	[bflag:$0x0] =	sbarrier.arrive $0xFFFF  }
0x5c: {  	p0 =	sne.s32 s1, $0x0;
	_ =	strace $0x9000004D  }
0x5d: {  	s0 =	sadd.s32 @!p0 $0x100000, s0;
	[bflag:$0x2] =	sbarrier.arrive $0xFFFF  }
0x5e: {  	[sflag:s0] =	ssyncadd.tile.s32 @!p0 $0x1;
	_ =	shalt  }
.Lfunc_end2:
_tile_overlayer_lowered:
.L_overlay_start_2:
0x5f: {  	(tag) =	ssettag $0x2  }
0x60: {  	s0 =	rddreg [dreg:$0x0];
	s2 =	stileid.u32  }
0x61: {  	s1 =	rddreg [dreg:$0x1];
	p0 =	sne.s32 s2, $0x0  }
0x62: {  	s3 =	rddreg [dreg:$0x2];
	[bflag:$0x3] =	sbarrier.arrive $0xFFFF;
	s2 =	simm.s32 @!p0 $0x1C03  }
0x63: {  	[timem:s3], [sflag:s2] =	dma.local @!p0 [hbm:s0], s1  }
0x64: {  	s0 =	simm.s32 @!p0 $0x3  }
0x65: {  	_ =	swait.ge @!p0 [sflag:s0], s1  }
0x66: {  	s1 =	ssub.s32 @!p0 $0x0, s1;
	[sflag:s0] =	ssyncset.done @!p0 $0x0  }
0x67: {  	[sflag:s0] =	ssyncadd.s32 @!p0 s1  }
0x68: {  	[bflag:$0x3] =	sbarrier.arrive $0xFFFF  }
0x69: {  	_ =	shalt  }

// kernel: kernel.21.cloned.1.call-start
scs
__scs_entry_jumppad:
0x0: {  	(pc) =	sbr.rel $0x88, $3  }
0x1: {  	(tag) =	ssettag $0x0;
	lr =	simm.s32 $0x1  }
0x2: {  	[smem:$0x3F98] =	sst lr;
	_ =	strace $0xD0000000  }
0x3: {  	_ = 	snop  }
0x4: {  	_ = 	snop  }
0x5: {  	_ = 	snop  }
0x6: {  	_ = 	snop  }
0x7: {  	_ = 	snop  }
__scs_overlays_trampoline_lowered:
0x8: {  	[smem:$0x3FA7] =	sst s0  }
0x9: {  	[smem:$0x3FA8] =	sst s1  }
0xa: {  	[smem:$0x3FA9] =	sst s2  }
0xb: {  	[smem:$0x3FAA] =	sst s3  }
0xc: {  	[smem:$0x3FAB] =	sst s4  }
0xd: {  	[smem:$0x3FAC] =	sst s5  }
0xe: {  	[smem:$0x3FAD] =	sst s6  }
0xf: {  	[smem:$0x3FAE] =	sst s7  }
0x10: {  	[smem:$0x3FAF] =	sst s8  }
0x11: {  	[smem:$0x3FB0] =	sst s9;
	s0 =	simm.s32 @!p0 $0x0  }
0x12: {  	s1 =	sld [smem:$0x3F96];
	s0 =	simm.s32 @p0 $0x1  }
0x13: {  	[smem:$0x3FB1] =	sst s0;
	s0 =	simm.s32 @!p1 $0x0  }
0x14: {  	s2 =	sld [smem:$0x3F95];
	s0 =	simm.s32 @p1 $0x1  }
0x15: {  	[smem:$0x3FB2] =	sst s0;
	s0 =	simm.s32 @!p2 $0x0  }
0x16: {  	s3 =	sld [smem:$0x3FDB];
	s0 =	simm.s32 @p2 $0x1  }
0x17: {  	s4 =	simm.s32 $0x1BF5;
	[smem:$0x3FB4] =	sst s0  }
0x18: {  	s0 =	sld [smem:$0x3F97];
	_ =	swait.ge [sflag:s4], $0x0  }
0x19: {  	s7 =	sld [smem:$0x3F98]  }
0x1a: {  	s8 =	sadd.s32 $0xFFFFE003, lr  }
0x1b: {  	s9 =	sadd.s32 $0xFFFFFEF7, lr;
	s5 =	simm.s32 $0xFFFFFFFF;
	p2 =	slt.u32 s8, $0xFFFFF086  }
0x1c: {  	p1 =	slt.u32 s9, $0xF7A;
	s5 =	simm.s32 @!p2 $0x0  }
0x1d: {  	s5 =	simm.s32 @p1 $0x1;
	p0 =	seq.s32 s7, s2  }
0x1e: {  	s7 =	smul.u32 @!p0 $0xF7A, s2;
	p2 =	seq.s32 @!p0 s5, $0x0  }
0x1f: {  	s9 =	smul.u32 $0xF7A, s1;
	s8 =	simm.s32 @!p0 $0x1BF5;
	p2 =	por !p2, p0  }
0x20: {  	[sflag:s8] =	ssyncset.s32 @!p0 $0xFFFFF086;
	s6 =	sadd.s32 @!p0 s3, s7;
	s7 =	simm.s32 @!p0 $0x108  }
0x21: {  	s3 =	sadd.s32 s3, s9;
	s6 =	sadd.s32 @!p0 $0x88, s6;
	s7 =	simm.s32 @p2 $0x1082  }
0x22: {  	[simem:s7], [sflag:s8] =	dma.local @!p0 [hbm:s6], $0xF7A  }
0x23: {  	s9 =	sor.u32 $0xD0000000, s2;
	s6 =	simm.s32 $0x108;
	_ =	swait.ge @!p0 [sflag:s8], $0x0  }
0x24: {  	s3 =	sadd.s32 $0x88, s3;
	s6 =	simm.s32 @!p1 $0x1082;
	[sflag:s4] =	ssyncset.s32 $0xFFFFF086  }
0x25: {  	[simem:s6], [sflag:s4] =	dma.local [hbm:s3], $0xF7A  }
0x26: {  	[smem:$0x3F98] =	sst s1;
	(tag) =	ssettag s2;
	_ =	strace s9  }
0x27: {  	s1 =	sld [smem:$0x3FA8]  }
0x28: {  	s2 =	sld [smem:$0x3FA9]  }
0x29: {  	s4 =	sld [smem:$0x3FAB]  }
0x2a: {  	p0 =	seq.s32 s5, $0x0;
	s5 =	sld [smem:$0x3FAC]  }
0x2b: {  	s6 =	sld [smem:$0x3FAD]  }
0x2c: {  	s7 =	sld [smem:$0x3FAE]  }
0x2d: {  	s3 =	simm.s32 $0x108;
	s8 =	sld [smem:$0x3FAF]  }
0x2e: {  	s3 =	simm.s32 @!p0 $0x1082;
	s9 =	sld [smem:$0x3FB0]  }
0x2f: {  	lr =	sadd.s32 s0, s3;
	s0 =	sld [smem:$0x3FA7]  }
0x30: {  	s3 =	sld [smem:$0x3FAA]  }
0x31: {  	[smem:$0x3FB3] =	sst s10  }
0x32: {  	s10 =	sld [smem:$0x3FB1];
	_ =	sdelay $0x3  }
0x33: {  	p0 =	seq.s32 s10, $0x1;
	s10 =	sld [smem:$0x3FB3];
	_ =	sdelay $0x3  }
0x34: {  	[smem:$0x3FB3] =	sst s10  }
0x35: {  	s10 =	sld [smem:$0x3FB2];
	_ =	sdelay $0x3  }
0x36: {  	p1 =	seq.s32 s10, $0x1;
	s10 =	sld [smem:$0x3FB3];
	_ =	sdelay $0x3  }
0x37: {  	[smem:$0x3FB3] =	sst s10  }
0x38: {  	s10 =	sld [smem:$0x3FB4]  }
0x39: {  	_ = 	snop;
	(pc) =	sbr.ind lr, $3  }
0x3a: {  	_ = 	snop  }
0x3b: {  	_ = 	snop  }
0x3c: {  	p2 =	seq.s32 s10, $0x1;
	s10 =	sld [smem:$0x3FB3]  }
0x3d: {  	_ =	shalt  }
0x3e: {  	_ =	shalt  }
0x3f: {  	_ =	shalt  }
0x40: {  	_ =	shalt  }
0x41: {  	_ =	shalt  }
0x42: {  	_ =	shalt  }
0x43: {  	_ =	shalt  }
0x44: {  	_ =	shalt  }
0x45: {  	_ =	shalt  }
0x46: {  	_ =	shalt  }
0x47: {  	_ =	shalt  }
0x48: {  	_ =	shalt  }
0x49: {  	_ =	shalt  }
0x4a: {  	_ =	shalt  }
0x4b: {  	_ =	shalt  }
0x4c: {  	_ =	shalt  }
0x4d: {  	_ =	shalt  }
0x4e: {  	_ =	shalt  }
0x4f: {  	_ =	shalt  }
0x50: {  	_ =	shalt  }
0x51: {  	_ =	shalt  }
0x52: {  	_ =	shalt  }
0x53: {  	_ =	shalt  }
0x54: {  	_ =	shalt  }
0x55: {  	_ =	shalt  }
0x56: {  	_ =	shalt  }
0x57: {  	_ =	shalt  }
0x58: {  	_ =	shalt  }
0x59: {  	_ =	shalt  }
0x5a: {  	_ =	shalt  }
0x5b: {  	_ =	shalt  }
0x5c: {  	_ =	shalt  }
0x5d: {  	_ =	shalt  }
0x5e: {  	_ =	shalt  }
0x5f: {  	_ =	shalt  }
0x60: {  	_ =	shalt  }
0x61: {  	_ =	shalt  }
0x62: {  	_ =	shalt  }
0x63: {  	_ =	shalt  }
0x64: {  	_ =	shalt  }
0x65: {  	_ =	shalt  }
0x66: {  	_ =	shalt  }
0x67: {  	_ =	shalt  }
0x68: {  	_ =	shalt  }
0x69: {  	_ =	shalt  }
0x6a: {  	_ =	shalt  }
0x6b: {  	_ =	shalt  }
0x6c: {  	_ =	shalt  }
0x6d: {  	_ =	shalt  }
0x6e: {  	_ =	shalt  }
0x6f: {  	_ =	shalt  }
0x70: {  	_ =	shalt  }
0x71: {  	_ =	shalt  }
0x72: {  	_ =	shalt  }
0x73: {  	_ =	shalt  }
0x74: {  	_ =	shalt  }
0x75: {  	_ =	shalt  }
0x76: {  	_ =	shalt  }
0x77: {  	_ =	shalt  }
0x78: {  	_ =	shalt  }
0x79: {  	_ =	shalt  }
0x7a: {  	_ =	shalt  }
0x7b: {  	_ =	shalt  }
0x7c: {  	_ =	shalt  }
0x7d: {  	_ =	shalt  }
0x7e: {  	_ =	shalt  }
0x7f: {  	_ =	shalt  }
0x80: {  	_ =	shalt  }
0x81: {  	_ =	shalt  }
0x82: {  	_ =	shalt  }
0x83: {  	_ =	shalt  }
0x84: {  	_ =	shalt  }
0x85: {  	_ =	shalt  }
0x86: {  	_ =	shalt  }
0x87: {  	_ =	shalt  }
.Lfunc_end0:
.L_simem_size_0:
called_computation.3_lowered:
.L_overlay_start_0:
0x88: {  	s2 =	sld [smem:$0x3FD9]  }
0x89: {  	s3 =	sld [smem:$0x3FFE];
	_ =	sdelay $0x1  }
0x8a: {  	s1 =	srdreg.scid  }
0x8b: {  	s0 =	sand.u32 $0x1, s1  }
0x8c: {  	s17 =	sshll.u32 s0, $0xA;
	s2 =	sadd.s32 s3, s2  }
0x8d: {  	s2 =	sadd.s32 s2, s17  }
0x8e: {  	[smem:$0x3FBF] =	sst s2  }
0x8f: {  	_ = 	snop  }
0x90: {  	s2 =	sld [smem:$0x3FD0];
	(tm) =	ssettm $0x1  }
0x91: {  	s18 =	sld [smem:$0x3FFB];
	_ =	sdelay $0x3  }
0x92: {  	_ =	strace s18  }
0x93: {  	s3 =	sld [smem:$0x3FFC];
	_ =	sdelay $0x3  }
0x94: {  	_ =	strace s3  }
0x95: {  	s3 =	sld [smem:$0x3FFD];
	_ =	sdelay $0x3  }
0x96: {  	_ =	strace s3  }
0x97: {  	_ =	strace $0x8FFFFFFF  }
0x98: {  	s19 =	sld [smem:$0x3FDB];
	_ =	sdelay $0x1  }
0x99: {  	s4 =	simm.s32 $_scs_section_size  }
0x9a: {  	s5 =	simm.s32 $_size__tile_overlayer_lowered;
	s6 =	simm.s32 $_tile_overlayer_lowered  }
0x9b: {  	s22 =	simm.s32 $0x1BFF;
	s21 =	sshll.u32 s6, $0x1;
	s3 =	sadd.s32 s4, s19  }
0x9c: {  	s7 =	simm.s32 $0x0;
	s20 =	sshll.u32 s5, $0x1;
	s5 =	sadd.s32 s21, s3  }
0x9d: {  	[timem:s7], [sflag:s22] =	dma.local [hbm:s5], s20  }
0x9e: {  	_ =	swait.ge [sflag:s22], s20  }
0x9f: {  	s4 =	ssub.s32 $0x0, s20;
	[sflag:s22] =	ssyncset.done $0x0  }
0xa0: {  	[sflag:s22] =	ssyncadd.s32 s4;
	_ =	sdelay $0x1  }
0xa1: {  	s23 =	simm.s32 $0x1B8B  }
0xa2: {  	_ =	swait.ge [sflag:s23], $0x1  }
0xa3: {  	[sflag:s23] =	ssyncset.done $0x0  }
0xa4: {  	s25 =	simm.s32 $0x1B8E;
	s24 =	sld [smem:$0x3FFE];
	[sflag:s23] =	ssyncadd.s32 $0xFFFFFFFF  }
0xa5: {  	s26 =	simm.s32 $execute0_lowered;
	[smem:$0x3FD2] =	sst s25  }
0xa6: {  	s5 =	sshll.u32 s26, $0x1;
	_ =	strace $0x8000004F;
	[dreg:$0x1] =	wrdreg $0xFFFFFFFF  }
0xa7: {  	s28 =	simm.s32 $_size_execute0_lowered;
	s3 =	sadd.s32 s3, s5;
	[dreg:$0x0] =	wrdreg $0x0  }
0xa8: {  	s5 =	sshll.u32 s28, $0x1;
	[dreg:$0x2] =	wrdreg s3  }
0xa9: {  	[dreg:$0x3] =	wrdreg s5  }
0xaa: {  	[dreg:$0x4] =	wrdreg $0xC0  }
0xab: {  	_ =	task [dreg:s7], $0x5FFFF  }
0xac: {  	[dreg:$0x1] =	wrdreg $0xFFFFFFFF  }
0xad: {  	[dreg:$0x0] =	wrdreg $0x60  }
0xae: {  	[dreg:$0x2] =	wrdreg s24  }
0xaf: {  	[dreg:$0x3] =	wrdreg s2  }
0xb0: {  	[dreg:$0x4] =	wrdreg $0x66D00  }
0xb1: {  	[dreg:$0x5] =	wrdreg $0x1AC200  }
0xb2: {  	[dreg:$0x6] =	wrdreg $0x9  }
0xb3: {  	_ =	task.clear_ibuf [dreg:s7], $0x7FFFF;
	_ =	strace $0x9000004F  }
0xb4: {  	s29 =	simm.s32 $0x9;
	_ =	strace $0x80000051  }
0xb5: {  	_ =	swait.ge [sflag:s29], $0x1  }
0xb6: {  	[sflag:s29] =	ssyncadd.s32 $0xFFFFFFFF  }
0xb7: {  	_ =	strace $0x90000051  }
0xb8: {  	_ =	sfence  }
0xb9: {  	s30 =	sld [smem:$0x0];
	_ =	sdelay $0x2  }
0xba: {  	s31 =	sshll.u32 s1, $0xD;
	s1 =	sshrl.u32 s1, $0x2  }
0xbb: {  	s3 =	sand.u32 $0x4000, s31;
	s1 =	sadd.s32 s1, s30  }
0xbc: {  	s0 =	sor.u32 s3, s0;
	s1 =	sshll.u32 s1, $0x11  }
0xbd: {  	s0 =	sor.u32 s1, s0  }
0xbe: {  	s0 =	sadd.s32 $0x8F2B, s0  }
0xbf: {  	[sflag:s0] =	ssyncadd.remote.s32 $0x1  }
0xc0: {  	_ =	sfence.sel $0xFFFF  }
0xc1: {  	[dreg:$0x0] =	wrdreg $0xFFFFFFFF;
	(pc) =	sbr.abs _section_cstart, $3  }
0xc2: {  	[dreg:$0x1] =	wrdreg $0xFFFFFFFF  }
0xc3: {  	_ =	task.clear_ibuf [dreg:s7], $0x2FFFF;
	_ =	strace $0x9FFFFFFF  }
0xc4: {  	(tm) =	ssettm $0x7FFFFFFF  }
0xc5: {  	_ =	shalt  }
tec
execute0_lowered:
.L_overlay_start_1:
0x0: {  	(tag) =	ssettag $0x1  }
0x1: {  	s20 =	stileid.u32  }
0x2: {  	s2 =	smul.u32 $0x4E20, s20  }
0x3: {  	s9 =	smul.u32 $0x271, s20  }
0x4: {  	s0 =	rddreg [dreg:$0x0];
	s11 =	smul.u32 $0x2710, s20  }
0x5: {  	s1 =	srdreg.scid;
	s13 =	smul.u32 $0x13880, s20  }
0x6: {  	s3 =	rddreg [dreg:$0x2];
	s1 =	sand.u32 $0x1, s1;
	s18 =	smul.u32 $0x9C40, s20  }
0x7: {  	s4 =	rddreg [dreg:$0x3];
	s5 =	simm.s32 $0x0;
	s6 =	smul.u32 $0x2710, s1  }
0x8: {  	[smem:$0x7FF] =	sst s5;
	s23 =	smul.u32 $0x27100, s1  }
0x9: {  	s8 =	sadd.s32 $0x1E00, s0;
	s7 =	smul.u32 $0x4E20, s1;
	s1 =	ssub.s32 $0x2, s1  }
0xa: {  	_ =	strace $0x80000050;
	[dreg:$0x5] =	wrdreg s8;
	s24 =	sshrl.u32 s1, $0x1  }
0xb: {  	s12 =	sadd.s32 $0x7D, s9;
	s14 =	sadd.s32 $0xFA, s9;
	s15 =	sadd.s32 $0x177, s9  }
0xc: {  	s9 =	sadd.s32 $0x1F4, s9;
	s2 =	sadd.s32 s6, s2;
	s6 =	sadd.s32 s23, s0  }
0xd: {  	s1 =	ssub.s32 s1, s24;
	s25 =	sshll.u32 s12, $0x7;
	s23 =	sshll.u32 s12, $0x4  }
0xe: {  	s10 =	sshll.u32 s14, $0x7;
	s30 =	sshll.u32 s14, $0x4;
	s16 =	sshll.u32 s15, $0x7  }
0xf: {  	s12 =	sshll.u32 s12, $0x1;
	s14 =	sshll.u32 s14, $0x1;
	s19 =	sshll.u32 s15, $0x1  }
0x10: {  	s26 =	sshll.u32 s9, $0x1;
	s2 =	sshrl.u32 s2, $0x3;
	s8 =	sadd.s32 s25, s3  }
0x11: {  	s10 =	sadd.s32 s10, s3;
	s25 =	smul.u32 $0x4E200, s20;
	[dreg:$0xb] =	wrdreg s23  }
0x12: {  	s1 =	smax.u32 s1, $0x1;
	s29 =	sadd.s32 s23, s4;
	[dreg:$0xc] =	wrdreg s30  }
0x13: {  	s30 =	sadd.s32 s30, s4;
	s2 =	sadd.s32 s2, s0;
	s0 =	sadd.s32 s7, s0  }
0x14: {  	s7 =	sadd.s32 s11, s4;
	s11 =	sshrl.u32 s11, $0x3;
	[dreg:$0xd] =	wrdreg s1  }
0x15: {  	s1 =	simm.s32 $0x1;
	s17 =	sadd.s32 $0xA00E00, s0;
	s0 =	sadd.s32 s18, s0  }
0x16: {  	s18 =	sshrl.u32 s13, $0x3;
	s11 =	sadd.s32 s11, s17;
	s12 =	sadd.s32 s12, s17  }
0x17: {  	s21 =	sadd.s32 s14, s17;
	s22 =	sadd.s32 s19, s17;
	[dreg:$0x6] =	wrdreg s11  }
0x18: {  	s24 =	sadd.s32 s26, s17;
	s17 =	sadd.s32 s16, s3;
	[dreg:$0x7] =	wrdreg s12  }
0x19: {  	s14 =	sshll.u32 s15, $0x4;
	s26 =	sshll.u32 s9, $0x7;
	[dreg:$0x8] =	wrdreg s21  }
0x1a: {  	s15 =	sshll.u32 s9, $0x4;
	s16 =	sadd.s32 s25, s6;
	[dreg:$0x9] =	wrdreg s22  }
0x1b: {  	s9 =	simm.s32 $0x50;
	[dreg:$0xa] =	wrdreg s24;
	s19 =	sadd.s32 s26, s3  }
0x1c: {  	s21 =	sadd.s32 $0xA0AC00, s6;
	s22 =	sadd.s32 s13, s3;
	s24 =	sadd.s32 $0x15A00, s0  }
0x1d: {  	s25 =	sadd.s32 $0xEE2E00, s16;
	s26 =	sadd.s32 $0xBC00, s2;
	s31 =	sadd.s32 s14, s4  }
0x1e: {  	s28 =	smov.u32 s15;
	s2 =	sadd.s32 s15, s4;
	s0 =	simm.s32 $0x2850  }
0x1f: {  	s6 =	simm.s32 $0x1A450;
	s11 =	simm.s32 $0x19F50;
	s20 =	sadd.s32 s18, s21  }
0x20: {  	s12 =	simm.s32 $0x0;
	[dreg:$0xe] =	wrdreg s20;
	s20 =	smov.u32 s14  }
.LBB2_1:
0x21: {  	s13 =	rddreg [dreg:$0x1]  }
0x22: {  	[tilespmem:s0], [sflag:$0x1] =	stream.linear.gather [hbm4b:s13+s5], $0x3E80, $0x38;
	[tilespmem:$0x1D330] =	vst v63  }
0x23: {  	_ =	swait.ge [sflag:s1], $0x3E80  }
0x24: {  	[sflag:s1] =	ssyncset.done $0x0  }
0x25: {  	s18 =	rddreg [dreg:$0x5];
	[sflag:s1] =	ssyncadd.s32 $0xFFFFC180  }
0x26: {  	[tilespmem:s6], [sflag:$0x1] =	stream.linear.gather [hbm4b:s18+s5], $0x7D0, $0x38;
	[tilespmem:$0x1D330] =	vst v63  }
0x27: {  	_ =	swait.ge [sflag:s1], $0x7D0  }
0x28: {  	[sflag:s1] =	ssyncset.done $0x0  }
0x29: {  	[sflag:s1] =	ssyncadd.s32 $0xFFFFF830  }
0x2a: {  	[spmem:s22] =	stream.linear.scatter [tilespmem:s0], [sflag:$0x1], $0x3E80, $0x38;
	[tilespmem:$0x1D330] =	vst v63  }
0x2b: {  	_ =	swait.ge [sflag:s1], $0x3E80  }
0x2c: {  	[sflag:s1] =	ssyncset.done $0x0  }
0x2d: {  	[sflag:s1] =	ssyncadd.s32 $0xFFFFC180  }
0x2e: {  	[spmem:s7] =	stream.linear.scatter [tilespmem:s6], [sflag:$0x1], $0x7D0, $0x38;
	[tilespmem:$0x1D330] =	vst v63  }
0x2f: {  	_ =	swait.ge [sflag:s1], $0x7D0  }
0x30: {  	[sflag:s1] =	ssyncset.done $0x0  }
0x31: {  	[sflag:s1] =	ssyncadd.s32 $0xFFFFF830  }
0x32: {  	[spmem:s8] =	stream.linear.scatter [tilespmem:s0], [sflag:$0x1], $0x3E80, $0x38;
	[tilespmem:$0x1D330] =	vst v63  }
0x33: {  	_ =	swait.ge [sflag:s1], $0x3E80  }
0x34: {  	[sflag:s1] =	ssyncset.done $0x0  }
0x35: {  	[sflag:s1] =	ssyncadd.s32 $0xFFFFC180  }
0x36: {  	[spmem:s29] =	stream.linear.scatter [tilespmem:s6], [sflag:$0x1], $0x7D0, $0x38;
	[tilespmem:$0x1D330] =	vst v63  }
0x37: {  	_ =	swait.ge [sflag:s1], $0x7D0  }
0x38: {  	[sflag:s1] =	ssyncset.done $0x0  }
0x39: {  	[sflag:s1] =	ssyncadd.s32 $0xFFFFF830  }
0x3a: {  	[spmem:s10] =	stream.linear.scatter [tilespmem:s0], [sflag:$0x1], $0x3E80, $0x38;
	[tilespmem:$0x1D330] =	vst v63  }
0x3b: {  	_ =	swait.ge [sflag:s1], $0x3E80  }
0x3c: {  	[sflag:s1] =	ssyncset.done $0x0  }
0x3d: {  	[sflag:s1] =	ssyncadd.s32 $0xFFFFC180  }
0x3e: {  	[spmem:s30] =	stream.linear.scatter [tilespmem:s6], [sflag:$0x1], $0x7D0, $0x38;
	[tilespmem:$0x1D330] =	vst v63  }
0x3f: {  	_ =	swait.ge [sflag:s1], $0x7D0  }
0x40: {  	[sflag:s1] =	ssyncset.done $0x0  }
0x41: {  	[sflag:s1] =	ssyncadd.s32 $0xFFFFF830  }
0x42: {  	[spmem:s17] =	stream.linear.scatter [tilespmem:s0], [sflag:$0x1], $0x3E80, $0x38;
	[tilespmem:$0x1D330] =	vst v63  }
0x43: {  	_ =	swait.ge [sflag:s1], $0x3E80  }
0x44: {  	[sflag:s1] =	ssyncset.done $0x0  }
0x45: {  	[sflag:s1] =	ssyncadd.s32 $0xFFFFC180  }
0x46: {  	[spmem:s31] =	stream.linear.scatter [tilespmem:s6], [sflag:$0x1], $0x7D0, $0x38;
	[tilespmem:$0x1D330] =	vst v63  }
0x47: {  	_ =	swait.ge [sflag:s1], $0x7D0  }
0x48: {  	[sflag:s1] =	ssyncset.done $0x0  }
0x49: {  	[sflag:s1] =	ssyncadd.s32 $0xFFFFF830  }
0x4a: {  	[spmem:s19] =	stream.linear.scatter [tilespmem:s0], [sflag:$0x1], $0x3E80, $0x38;
	[tilespmem:$0x1D330] =	vst v63  }
0x4b: {  	_ =	swait.ge [sflag:s1], $0x3E80  }
0x4c: {  	[sflag:s1] =	ssyncset.done $0x0  }
0x4d: {  	[sflag:s1] =	ssyncadd.s32 $0xFFFFC180  }
0x4e: {  	[spmem:s2] =	stream.linear.scatter [tilespmem:s6], [sflag:$0x1], $0x7D0, $0x38;
	[tilespmem:$0x1D330] =	vst v63  }
0x4f: {  	_ =	swait.ge [sflag:s1], $0x7D0  }
0x50: {  	[sflag:s1] =	ssyncset.done $0x0  }
0x51: {  	[sflag:s1] =	ssyncadd.s32 $0xFFFFF830  }
0x52: {  	s23 =	sadd.s32 $0x0, s26;
	[bflag:$0x0] =	sbarrier.arrive $0xFFFF  }
0x53: {  	[tilespmem:s5], [sflag:$0x1] =	stream.linear.gather [hbm4b:s23+s5], $0x50, $0x38;
	[tilespmem:$0x1D330] =	vst v63  }
0x54: {  	_ =	swait.ge [sflag:s1], $0x50  }
0x55: {  	[sflag:s1] =	ssyncset.done $0x0  }
0x56: {  	[sflag:s1] =	ssyncadd.s32 $0xFFFFFFB0  }
0x57: {  	[tilespmem:s9], [sflag:$0x1] =	stream.linear.gather [hbm4b:s25+s5], $0x2800, $0x38;
	[tilespmem:$0x1D330] =	vst v63  }
0x58: {  	_ =	swait.ge [sflag:s1], $0x2800  }
0x59: {  	[sflag:s1] =	ssyncset.done $0x0  }
0x5a: {  	[sflag:s1] =	ssyncadd.s32 $0xFFFFD800  }
0x5b: {  	[spmem:s3] =	stream.indirect.scatter.add.f32 [tilespmem:s9], [sflag:$0x1], $0x80, s5, s9, $0xb8;
	[tilespmem:$0x1D330] =	vst v63  }
0x5c: {  	_ =	swait.ge [sflag:s1], $0x2800  }
0x5d: {  	[sflag:s1] =	ssyncset.done $0x0  }
0x5e: {  	[sflag:s1] =	ssyncadd.s32 $0xFFFFD800  }
0x5f: {  	[tilespmem:s11], [sflag:$0x1] =	stream.linear.gather [hbm4b:s24+s5], $0x500, $0x38;
	[tilespmem:$0x1D330] =	vst v63  }
0x60: {  	_ =	swait.ge [sflag:s1], $0x500  }
0x61: {  	[sflag:s1] =	ssyncset.done $0x0  }
0x62: {  	[sflag:s1] =	ssyncadd.s32 $0xFFFFFB00  }
0x63: {  	[spmem:s4] =	stream.indirect.scatter.add.f32 [tilespmem:s11], [sflag:$0x1], $0x10, s5, s9, $0xb8;
	[tilespmem:$0x1D330] =	vst v63  }
0x64: {  	s15 =	simm.s32 $0xA;
	s16 =	simm.s32 $0x14;
	_ =	swait.ge [sflag:s1], $0x500  }
0x65: {  	s14 =	sadd.s32 $0x500, s25;
	s13 =	sadd.s32 $0xA0, s24;
	[sflag:s1] =	ssyncset.done $0x0  }
.LBB2_2:
0x66: {  	s23 =	sadd.s32 s15, s26  }
0x67: {  	[sflag:s1] =	ssyncadd.s32 $0xFFFFFB00;
	s15 =	smov.u32 s16;
	s18 =	sadd.s32 $0xA, s16  }
0x68: {  	[tilespmem:s5], [sflag:$0x1] =	stream.linear.gather [hbm4b:s23+s5], $0x50, $0x38;
	[tilespmem:$0x1D330] =	vst v63  }
0x69: {  	p0 =	sne.s32 s16, $0x4D8;
	_ =	swait.ge [sflag:s1], $0x50  }
0x6a: {  	[sflag:s1] =	ssyncset.done $0x0  }
0x6b: {  	[sflag:s1] =	ssyncadd.s32 $0xFFFFFFB0  }
0x6c: {  	[tilespmem:s9], [sflag:$0x1] =	stream.linear.gather [hbm4b:s14+s5], $0x2800, $0x38;
	[tilespmem:$0x1D330] =	vst v63  }
0x6d: {  	_ =	swait.ge [sflag:s1], $0x2800  }
0x6e: {  	[sflag:s1] =	ssyncset.done $0x0  }
0x6f: {  	[sflag:s1] =	ssyncadd.s32 $0xFFFFD800  }
0x70: {  	[spmem:s3] =	stream.indirect.scatter.add.f32 [tilespmem:s9], [sflag:$0x1], $0x80, s5, s9, $0xb8;
	[tilespmem:$0x1D330] =	vst v63  }
0x71: {  	_ =	swait.ge [sflag:s1], $0x2800  }
0x72: {  	[sflag:s1] =	ssyncset.done $0x0  }
0x73: {  	[sflag:s1] =	ssyncadd.s32 $0xFFFFD800  }
0x74: {  	[tilespmem:s11], [sflag:$0x1] =	stream.linear.gather [hbm4b:s13+s5], $0x500, $0x38;
	[tilespmem:$0x1D330] =	vst v63  }
0x75: {  	_ =	swait.ge [sflag:s1], $0x500  }
.Ltmp0:
0x76: {  	[sflag:s1] =	ssyncset.done $0x0;
	(pc) =	sbr.rel @p0 .LBB2_2-.Ltmp0, $4  }
0x77: {  	[sflag:s1] =	ssyncadd.s32 $0xFFFFFB00  }
0x78: {  	[spmem:s4] =	stream.indirect.scatter.add.f32 [tilespmem:s11], [sflag:$0x1], $0x10, s5, s9, $0xb8;
	[tilespmem:$0x1D330] =	vst v63  }
0x79: {  	s16 =	smov.u32 s18;
	_ =	swait.ge [sflag:s1], $0x500  }
0x7a: {  	s14 =	sadd.s32 $0x500, s14;
	s13 =	sadd.s32 $0xA0, s13;
	[sflag:s1] =	ssyncset.done $0x0  }
0x7b: {  	s15 =	sadd.s32 s15, s26;
	[sflag:s1] =	ssyncadd.s32 $0xFFFFFB00  }
0x7c: {  	[tilespmem:s5], [sflag:$0x1] =	stream.linear.gather [hbm4b:s15+s5], $0x50, $0x38;
	[tilespmem:$0x1D330] =	vst v63  }
0x7d: {  	_ =	swait.ge [sflag:s1], $0x50  }
0x7e: {  	[sflag:s1] =	ssyncset.done $0x0  }
0x7f: {  	[sflag:s1] =	ssyncadd.s32 $0xFFFFFFB0  }
0x80: {  	[tilespmem:s9], [sflag:$0x1] =	stream.linear.gather [hbm4b:s14+s5], $0x2800, $0x38;
	[tilespmem:$0x1D330] =	vst v63  }
0x81: {  	_ =	swait.ge [sflag:s1], $0x2800  }
0x82: {  	[sflag:s1] =	ssyncset.done $0x0  }
0x83: {  	[sflag:s1] =	ssyncadd.s32 $0xFFFFD800  }
0x84: {  	[spmem:s3] =	stream.indirect.scatter.add.f32 [tilespmem:s9], [sflag:$0x1], $0x80, s5, s9, $0xb8;
	[tilespmem:$0x1D330] =	vst v63  }
0x85: {  	_ =	swait.ge [sflag:s1], $0x2800  }
0x86: {  	[sflag:s1] =	ssyncset.done $0x0  }
0x87: {  	[sflag:s1] =	ssyncadd.s32 $0xFFFFD800  }
0x88: {  	[tilespmem:s11], [sflag:$0x1] =	stream.linear.gather [hbm4b:s13+s5], $0x500, $0x38;
	[tilespmem:$0x1D330] =	vst v63  }
0x89: {  	_ =	swait.ge [sflag:s1], $0x500  }
0x8a: {  	[sflag:s1] =	ssyncset.done $0x0  }
0x8b: {  	[sflag:s1] =	ssyncadd.s32 $0xFFFFFB00  }
0x8c: {  	[spmem:s4] =	stream.indirect.scatter.add.f32 [tilespmem:s11], [sflag:$0x1], $0x10, s5, s9, $0xb8;
	[tilespmem:$0x1D330] =	vst v63  }
0x8d: {  	_ =	swait.ge [sflag:s1], $0x500  }
0x8e: {  	[sflag:s1] =	ssyncset.done $0x0  }
0x8f: {  	[sflag:s1] =	ssyncadd.s32 $0xFFFFFB00  }
0x90: {  	[bflag:$0x0] =	sbarrier.arrive $0xFFFF  }
0x91: {  	[tilespmem:s0], [sflag:$0x1] =	stream.linear.gather [spmem:s22], $0x3E80, $0x38;
	[tilespmem:$0x1D330] =	vst v63  }
0x92: {  	_ =	swait.ge [sflag:s1], $0x3E80  }
0x93: {  	[sflag:s1] =	ssyncset.done $0x0  }
0x94: {  	s23 =	rddreg [dreg:$0xe];
	[sflag:s1] =	ssyncadd.s32 $0xFFFFC180  }
0x95: {  	[hbm4b:s23+s5] =	stream.linear.scatter [tilespmem:s0], [sflag:$0x1], $0x3E80, $0x38;
	[tilespmem:$0x1D330] =	vst v63  }
0x96: {  	_ =	swait.ge [sflag:s1], $0x3E80  }
0x97: {  	[sflag:s1] =	ssyncset.done $0x0  }
0x98: {  	[sflag:s1] =	ssyncadd.s32 $0xFFFFC180  }
0x99: {  	[tilespmem:s6], [sflag:$0x1] =	stream.linear.gather [spmem:s7], $0x7D0, $0x38;
	[tilespmem:$0x1D330] =	vst v63  }
0x9a: {  	_ =	swait.ge [sflag:s1], $0x7D0  }
0x9b: {  	[sflag:s1] =	ssyncset.done $0x0  }
0x9c: {  	s14 =	rddreg [dreg:$0x6];
	[sflag:s1] =	ssyncadd.s32 $0xFFFFF830  }
0x9d: {  	[hbm4b:s14+s5] =	stream.linear.scatter [tilespmem:s6], [sflag:$0x1], $0x7D0, $0x38;
	[tilespmem:$0x1D330] =	vst v63  }
0x9e: {  	_ =	swait.ge [sflag:s1], $0x7D0  }
0x9f: {  	[sflag:s1] =	ssyncset.done $0x0  }
0xa0: {  	[sflag:s1] =	ssyncadd.s32 $0xFFFFF830  }
0xa1: {  	[tilespmem:s0], [sflag:$0x1] =	stream.linear.gather [spmem:s8], $0x3E80, $0x38;
	[tilespmem:$0x1D330] =	vst v63  }
0xa2: {  	_ =	swait.ge [sflag:s1], $0x3E80  }
0xa3: {  	[sflag:s1] =	ssyncset.done $0x0;
	s15 =	rddreg [dreg:$0xb]  }
0xa4: {  	[sflag:s1] =	ssyncadd.s32 $0xFFFFC180;
	s13 =	sadd.s32 s15, s21  }
0xa5: {  	[hbm4b:s13+s5] =	stream.linear.scatter [tilespmem:s0], [sflag:$0x1], $0x3E80, $0x38;
	[tilespmem:$0x1D330] =	vst v63  }
0xa6: {  	_ =	swait.ge [sflag:s1], $0x3E80  }
0xa7: {  	[sflag:s1] =	ssyncset.done $0x0  }
0xa8: {  	[sflag:s1] =	ssyncadd.s32 $0xFFFFC180  }
0xa9: {  	[tilespmem:s6], [sflag:$0x1] =	stream.linear.gather [spmem:s29], $0x7D0, $0x38;
	[tilespmem:$0x1D330] =	vst v63  }
0xaa: {  	_ =	swait.ge [sflag:s1], $0x7D0  }
0xab: {  	[sflag:s1] =	ssyncset.done $0x0  }
0xac: {  	s16 =	rddreg [dreg:$0x7];
	[sflag:s1] =	ssyncadd.s32 $0xFFFFF830  }
0xad: {  	[hbm4b:s16+s5] =	stream.linear.scatter [tilespmem:s6], [sflag:$0x1], $0x7D0, $0x38;
	[tilespmem:$0x1D330] =	vst v63  }
0xae: {  	_ =	swait.ge [sflag:s1], $0x7D0  }
0xaf: {  	[sflag:s1] =	ssyncset.done $0x0  }
0xb0: {  	[sflag:s1] =	ssyncadd.s32 $0xFFFFF830  }
0xb1: {  	[tilespmem:s0], [sflag:$0x1] =	stream.linear.gather [spmem:s10], $0x3E80, $0x38;
	[tilespmem:$0x1D330] =	vst v63  }
0xb2: {  	_ =	swait.ge [sflag:s1], $0x3E80  }
0xb3: {  	[sflag:s1] =	ssyncset.done $0x0;
	s18 =	rddreg [dreg:$0xc]  }
0xb4: {  	[sflag:s1] =	ssyncadd.s32 $0xFFFFC180;
	s13 =	sadd.s32 s18, s21  }
0xb5: {  	[hbm4b:s13+s5] =	stream.linear.scatter [tilespmem:s0], [sflag:$0x1], $0x3E80, $0x38;
	[tilespmem:$0x1D330] =	vst v63  }
0xb6: {  	_ =	swait.ge [sflag:s1], $0x3E80  }
0xb7: {  	[sflag:s1] =	ssyncset.done $0x0  }
0xb8: {  	[sflag:s1] =	ssyncadd.s32 $0xFFFFC180  }
0xb9: {  	[tilespmem:s6], [sflag:$0x1] =	stream.linear.gather [spmem:s30], $0x7D0, $0x38;
	[tilespmem:$0x1D330] =	vst v63  }
0xba: {  	_ =	swait.ge [sflag:s1], $0x7D0  }
0xbb: {  	[sflag:s1] =	ssyncset.done $0x0  }
0xbc: {  	s23 =	rddreg [dreg:$0x8];
	[sflag:s1] =	ssyncadd.s32 $0xFFFFF830  }
0xbd: {  	[hbm4b:s23+s5] =	stream.linear.scatter [tilespmem:s6], [sflag:$0x1], $0x7D0, $0x38;
	[tilespmem:$0x1D330] =	vst v63  }
0xbe: {  	_ =	swait.ge [sflag:s1], $0x7D0  }
0xbf: {  	[sflag:s1] =	ssyncset.done $0x0  }
0xc0: {  	[sflag:s1] =	ssyncadd.s32 $0xFFFFF830  }
0xc1: {  	[tilespmem:s0], [sflag:$0x1] =	stream.linear.gather [spmem:s17], $0x3E80, $0x38;
	[tilespmem:$0x1D330] =	vst v63  }
0xc2: {  	_ =	swait.ge [sflag:s1], $0x3E80  }
0xc3: {  	[sflag:s1] =	ssyncset.done $0x0  }
0xc4: {  	s14 =	sadd.s32 s20, s21;
	[sflag:s1] =	ssyncadd.s32 $0xFFFFC180  }
0xc5: {  	[hbm4b:s14+s5] =	stream.linear.scatter [tilespmem:s0], [sflag:$0x1], $0x3E80, $0x38;
	[tilespmem:$0x1D330] =	vst v63  }
0xc6: {  	_ =	swait.ge [sflag:s1], $0x3E80  }
0xc7: {  	[sflag:s1] =	ssyncset.done $0x0  }
0xc8: {  	[sflag:s1] =	ssyncadd.s32 $0xFFFFC180  }
0xc9: {  	[tilespmem:s6], [sflag:$0x1] =	stream.linear.gather [spmem:s31], $0x7D0, $0x38;
	[tilespmem:$0x1D330] =	vst v63  }
0xca: {  	_ =	swait.ge [sflag:s1], $0x7D0  }
0xcb: {  	[sflag:s1] =	ssyncset.done $0x0  }
0xcc: {  	s15 =	rddreg [dreg:$0x9];
	[sflag:s1] =	ssyncadd.s32 $0xFFFFF830  }
0xcd: {  	[hbm4b:s15+s5] =	stream.linear.scatter [tilespmem:s6], [sflag:$0x1], $0x7D0, $0x38;
	[tilespmem:$0x1D330] =	vst v63  }
0xce: {  	_ =	swait.ge [sflag:s1], $0x7D0  }
0xcf: {  	[sflag:s1] =	ssyncset.done $0x0  }
0xd0: {  	[sflag:s1] =	ssyncadd.s32 $0xFFFFF830  }
0xd1: {  	[tilespmem:s0], [sflag:$0x1] =	stream.linear.gather [spmem:s19], $0x3E80, $0x38;
	[tilespmem:$0x1D330] =	vst v63  }
0xd2: {  	_ =	swait.ge [sflag:s1], $0x3E80  }
0xd3: {  	[sflag:s1] =	ssyncset.done $0x0  }
0xd4: {  	s16 =	sadd.s32 s28, s21;
	[sflag:s1] =	ssyncadd.s32 $0xFFFFC180  }
0xd5: {  	[hbm4b:s16+s5] =	stream.linear.scatter [tilespmem:s0], [sflag:$0x1], $0x3E80, $0x38;
	[tilespmem:$0x1D330] =	vst v63  }
0xd6: {  	_ =	swait.ge [sflag:s1], $0x3E80  }
0xd7: {  	[sflag:s1] =	ssyncset.done $0x0  }
0xd8: {  	[sflag:s1] =	ssyncadd.s32 $0xFFFFC180  }
0xd9: {  	[tilespmem:s6], [sflag:$0x1] =	stream.linear.gather [spmem:s2], $0x7D0, $0x38;
	[tilespmem:$0x1D330] =	vst v63  }
0xda: {  	_ =	swait.ge [sflag:s1], $0x7D0  }
0xdb: {  	[sflag:s1] =	ssyncset.done $0x0  }
0xdc: {  	s18 =	rddreg [dreg:$0xa];
	[sflag:s1] =	ssyncadd.s32 $0xFFFFF830  }
0xdd: {  	[hbm4b:s18+s5] =	stream.linear.scatter [tilespmem:s6], [sflag:$0x1], $0x7D0, $0x38;
	[tilespmem:$0x1D330] =	vst v63  }
0xde: {  	_ =	swait.ge [sflag:s1], $0x7D0  }
0xdf: {  	s12 =	sadd.s32 $0x1, s12;
	s23 =	rddreg [dreg:$0xd]  }
0xe0: {  	p0 =	sne.s32 s12, s23  }
.Ltmp1:
0xe1: {  	_ = 	snop;
	(pc) =	sbr.rel @p0 .LBB2_1-.Ltmp1, $3  }
0xe2: {  	_ =	sdelay $0x1  }
0xe3: {  	[sflag:s1] =	ssyncset.done $0x0  }
0xe4: {  	[sflag:s1] =	ssyncadd.s32 $0xFFFFF830  }
0xe5: {  	_ =	sfence.sel $0x180000  }
0xe6: {  	[bflag:$0x0] =	sbarrier.arrive $0xFFFF  }
0xe7: {  	_ =	strace $0x90000050  }
0xe8: {  	s0 =	stileid.u32;
	[bflag:$0x2] =	sbarrier.arrive $0xFFFF  }
0xe9: {  	p0 =	sne.s32 s0, $0x0;
	s0 =	rddreg [dreg:$0x4]  }
0xea: {  	s0 =	sadd.s32 @!p0 $0x100000, s0  }
0xeb: {  	[sflag:s0] =	ssyncadd.tile.s32 @!p0 $0x1;
	_ =	shalt  }
.Lfunc_end2:
_tile_overlayer_lowered:
.L_overlay_start_2:
0xec: {  	(tag) =	ssettag $0x2  }
0xed: {  	s0 =	rddreg [dreg:$0x0];
	s2 =	stileid.u32  }
0xee: {  	s1 =	rddreg [dreg:$0x1];
	p0 =	sne.s32 s2, $0x0  }
0xef: {  	s3 =	rddreg [dreg:$0x2];
	[bflag:$0x3] =	sbarrier.arrive $0xFFFF;
	s2 =	simm.s32 @!p0 $0x1C01  }
0xf0: {  	[timem:s3], [sflag:s2] =	dma.local @!p0 [hbm:s0], s1  }
0xf1: {  	s0 =	simm.s32 @!p0 $0x1  }
0xf2: {  	_ =	swait.ge @!p0 [sflag:s0], s1  }
0xf3: {  	s1 =	ssub.s32 @!p0 $0x0, s1;
	[sflag:s0] =	ssyncset.done @!p0 $0x0  }
0xf4: {  	[sflag:s0] =	ssyncadd.s32 @!p0 s1  }
0xf5: {  	[bflag:$0x3] =	sbarrier.arrive $0xFFFF  }
0xf6: {  	_ =	shalt  }

// kernel: kernel.24.cloned.1.call-start
scs
__scs_entry_jumppad:
0x0: {  	(pc) =	sbr.rel $0x88, $3  }
0x1: {  	(tag) =	ssettag $0x0;
	lr =	simm.s32 $0x1  }
0x2: {  	[smem:$0x3F98] =	sst lr;
	_ =	strace $0xD0000000  }
0x3: {  	_ = 	snop  }
0x4: {  	_ = 	snop  }
0x5: {  	_ = 	snop  }
0x6: {  	_ = 	snop  }
0x7: {  	_ = 	snop  }
__scs_overlays_trampoline_lowered:
0x8: {  	[smem:$0x3FA7] =	sst s0  }
0x9: {  	[smem:$0x3FA8] =	sst s1  }
0xa: {  	[smem:$0x3FA9] =	sst s2  }
0xb: {  	[smem:$0x3FAA] =	sst s3  }
0xc: {  	[smem:$0x3FAB] =	sst s4  }
0xd: {  	[smem:$0x3FAC] =	sst s5  }
0xe: {  	[smem:$0x3FAD] =	sst s6  }
0xf: {  	[smem:$0x3FAE] =	sst s7  }
0x10: {  	[smem:$0x3FAF] =	sst s8  }
0x11: {  	[smem:$0x3FB0] =	sst s9;
	s0 =	simm.s32 @!p0 $0x0  }
0x12: {  	s1 =	sld [smem:$0x3F96];
	s0 =	simm.s32 @p0 $0x1  }
0x13: {  	[smem:$0x3FB1] =	sst s0;
	s0 =	simm.s32 @!p1 $0x0  }
0x14: {  	s2 =	sld [smem:$0x3F95];
	s0 =	simm.s32 @p1 $0x1  }
0x15: {  	[smem:$0x3FB2] =	sst s0;
	s0 =	simm.s32 @!p2 $0x0  }
0x16: {  	s3 =	sld [smem:$0x3FDB];
	s0 =	simm.s32 @p2 $0x1  }
0x17: {  	s4 =	simm.s32 $0x1BF5;
	[smem:$0x3FB4] =	sst s0  }
0x18: {  	s0 =	sld [smem:$0x3F97];
	_ =	swait.ge [sflag:s4], $0x0  }
0x19: {  	s7 =	sld [smem:$0x3F98]  }
0x1a: {  	s8 =	sadd.s32 $0xFFFFE003, lr  }
0x1b: {  	s9 =	sadd.s32 $0xFFFFFEF7, lr;
	s5 =	simm.s32 $0xFFFFFFFF;
	p2 =	slt.u32 s8, $0xFFFFF086  }
0x1c: {  	p1 =	slt.u32 s9, $0xF7A;
	s5 =	simm.s32 @!p2 $0x0  }
0x1d: {  	s5 =	simm.s32 @p1 $0x1;
	p0 =	seq.s32 s7, s2  }
0x1e: {  	s7 =	smul.u32 @!p0 $0xF7A, s2;
	p2 =	seq.s32 @!p0 s5, $0x0  }
0x1f: {  	s9 =	smul.u32 $0xF7A, s1;
	s8 =	simm.s32 @!p0 $0x1BF5;
	p2 =	por !p2, p0  }
0x20: {  	[sflag:s8] =	ssyncset.s32 @!p0 $0xFFFFF086;
	s6 =	sadd.s32 @!p0 s3, s7;
	s7 =	simm.s32 @!p0 $0x108  }
0x21: {  	s3 =	sadd.s32 s3, s9;
	s6 =	sadd.s32 @!p0 $0x88, s6;
	s7 =	simm.s32 @p2 $0x1082  }
0x22: {  	[simem:s7], [sflag:s8] =	dma.local @!p0 [hbm:s6], $0xF7A  }
0x23: {  	s9 =	sor.u32 $0xD0000000, s2;
	s6 =	simm.s32 $0x108;
	_ =	swait.ge @!p0 [sflag:s8], $0x0  }
0x24: {  	s3 =	sadd.s32 $0x88, s3;
	s6 =	simm.s32 @!p1 $0x1082;
	[sflag:s4] =	ssyncset.s32 $0xFFFFF086  }
0x25: {  	[simem:s6], [sflag:s4] =	dma.local [hbm:s3], $0xF7A  }
0x26: {  	[smem:$0x3F98] =	sst s1;
	(tag) =	ssettag s2;
	_ =	strace s9  }
0x27: {  	s1 =	sld [smem:$0x3FA8]  }
0x28: {  	s2 =	sld [smem:$0x3FA9]  }
0x29: {  	s4 =	sld [smem:$0x3FAB]  }
0x2a: {  	p0 =	seq.s32 s5, $0x0;
	s5 =	sld [smem:$0x3FAC]  }
0x2b: {  	s6 =	sld [smem:$0x3FAD]  }
0x2c: {  	s7 =	sld [smem:$0x3FAE]  }
0x2d: {  	s3 =	simm.s32 $0x108;
	s8 =	sld [smem:$0x3FAF]  }
0x2e: {  	s3 =	simm.s32 @!p0 $0x1082;
	s9 =	sld [smem:$0x3FB0]  }
0x2f: {  	lr =	sadd.s32 s0, s3;
	s0 =	sld [smem:$0x3FA7]  }
0x30: {  	s3 =	sld [smem:$0x3FAA]  }
0x31: {  	[smem:$0x3FB3] =	sst s10  }
0x32: {  	s10 =	sld [smem:$0x3FB1];
	_ =	sdelay $0x3  }
0x33: {  	p0 =	seq.s32 s10, $0x1;
	s10 =	sld [smem:$0x3FB3];
	_ =	sdelay $0x3  }
0x34: {  	[smem:$0x3FB3] =	sst s10  }
0x35: {  	s10 =	sld [smem:$0x3FB2];
	_ =	sdelay $0x3  }
0x36: {  	p1 =	seq.s32 s10, $0x1;
	s10 =	sld [smem:$0x3FB3];
	_ =	sdelay $0x3  }
0x37: {  	[smem:$0x3FB3] =	sst s10  }
0x38: {  	s10 =	sld [smem:$0x3FB4]  }
0x39: {  	_ = 	snop;
	(pc) =	sbr.ind lr, $3  }
0x3a: {  	_ = 	snop  }
0x3b: {  	_ = 	snop  }
0x3c: {  	p2 =	seq.s32 s10, $0x1;
	s10 =	sld [smem:$0x3FB3]  }
0x3d: {  	_ =	shalt  }
0x3e: {  	_ =	shalt  }
0x3f: {  	_ =	shalt  }
0x40: {  	_ =	shalt  }
0x41: {  	_ =	shalt  }
0x42: {  	_ =	shalt  }
0x43: {  	_ =	shalt  }
0x44: {  	_ =	shalt  }
0x45: {  	_ =	shalt  }
0x46: {  	_ =	shalt  }
0x47: {  	_ =	shalt  }
0x48: {  	_ =	shalt  }
0x49: {  	_ =	shalt  }
0x4a: {  	_ =	shalt  }
0x4b: {  	_ =	shalt  }
0x4c: {  	_ =	shalt  }
0x4d: {  	_ =	shalt  }
0x4e: {  	_ =	shalt  }
0x4f: {  	_ =	shalt  }
0x50: {  	_ =	shalt  }
0x51: {  	_ =	shalt  }
0x52: {  	_ =	shalt  }
0x53: {  	_ =	shalt  }
0x54: {  	_ =	shalt  }
0x55: {  	_ =	shalt  }
0x56: {  	_ =	shalt  }
0x57: {  	_ =	shalt  }
0x58: {  	_ =	shalt  }
0x59: {  	_ =	shalt  }
0x5a: {  	_ =	shalt  }
0x5b: {  	_ =	shalt  }
0x5c: {  	_ =	shalt  }
0x5d: {  	_ =	shalt  }
0x5e: {  	_ =	shalt  }
0x5f: {  	_ =	shalt  }
0x60: {  	_ =	shalt  }
0x61: {  	_ =	shalt  }
0x62: {  	_ =	shalt  }
0x63: {  	_ =	shalt  }
0x64: {  	_ =	shalt  }
0x65: {  	_ =	shalt  }
0x66: {  	_ =	shalt  }
0x67: {  	_ =	shalt  }
0x68: {  	_ =	shalt  }
0x69: {  	_ =	shalt  }
0x6a: {  	_ =	shalt  }
0x6b: {  	_ =	shalt  }
0x6c: {  	_ =	shalt  }
0x6d: {  	_ =	shalt  }
0x6e: {  	_ =	shalt  }
0x6f: {  	_ =	shalt  }
0x70: {  	_ =	shalt  }
0x71: {  	_ =	shalt  }
0x72: {  	_ =	shalt  }
0x73: {  	_ =	shalt  }
0x74: {  	_ =	shalt  }
0x75: {  	_ =	shalt  }
0x76: {  	_ =	shalt  }
0x77: {  	_ =	shalt  }
0x78: {  	_ =	shalt  }
0x79: {  	_ =	shalt  }
0x7a: {  	_ =	shalt  }
0x7b: {  	_ =	shalt  }
0x7c: {  	_ =	shalt  }
0x7d: {  	_ =	shalt  }
0x7e: {  	_ =	shalt  }
0x7f: {  	_ =	shalt  }
0x80: {  	_ =	shalt  }
0x81: {  	_ =	shalt  }
0x82: {  	_ =	shalt  }
0x83: {  	_ =	shalt  }
0x84: {  	_ =	shalt  }
0x85: {  	_ =	shalt  }
0x86: {  	_ =	shalt  }
0x87: {  	_ =	shalt  }
.Lfunc_end0:
.L_simem_size_0:
called_computation.4_lowered:
.L_overlay_start_0:
0x88: {  	s2 =	sld [smem:$0x3FD9]  }
0x89: {  	s3 =	sld [smem:$0x3FFE];
	_ =	sdelay $0x1  }
0x8a: {  	s1 =	srdreg.scid  }
0x8b: {  	s0 =	sand.u32 $0x1, s1  }
0x8c: {  	s17 =	sshll.u32 s0, $0xA;
	s2 =	sadd.s32 s3, s2  }
0x8d: {  	s2 =	sadd.s32 s2, s17  }
0x8e: {  	[smem:$0x3FBF] =	sst s2  }
0x8f: {  	_ = 	snop  }
0x90: {  	s2 =	sld [smem:$0x3FD0];
	(tm) =	ssettm $0x1  }
0x91: {  	s18 =	sld [smem:$0x3FFB];
	_ =	sdelay $0x3  }
0x92: {  	_ =	strace s18  }
0x93: {  	s3 =	sld [smem:$0x3FFC];
	_ =	sdelay $0x3  }
0x94: {  	_ =	strace s3  }
0x95: {  	s3 =	sld [smem:$0x3FFD];
	_ =	sdelay $0x3  }
0x96: {  	_ =	strace s3  }
0x97: {  	_ =	strace $0x8FFFFFFF  }
0x98: {  	s19 =	sld [smem:$0x3FDB];
	_ =	sdelay $0x1  }
0x99: {  	s4 =	simm.s32 $_scs_section_size  }
0x9a: {  	s5 =	simm.s32 $_size__tile_overlayer_lowered;
	s6 =	simm.s32 $_tile_overlayer_lowered  }
0x9b: {  	s22 =	simm.s32 $0x1BFF;
	s21 =	sshll.u32 s6, $0x1;
	s3 =	sadd.s32 s4, s19  }
0x9c: {  	s7 =	simm.s32 $0x0;
	s20 =	sshll.u32 s5, $0x1;
	s5 =	sadd.s32 s21, s3  }
0x9d: {  	[timem:s7], [sflag:s22] =	dma.local [hbm:s5], s20  }
0x9e: {  	_ =	swait.ge [sflag:s22], s20  }
0x9f: {  	s4 =	ssub.s32 $0x0, s20;
	[sflag:s22] =	ssyncset.done $0x0  }
0xa0: {  	[sflag:s22] =	ssyncadd.s32 s4;
	_ =	sdelay $0x1  }
0xa1: {  	s23 =	simm.s32 $0x1B8B  }
0xa2: {  	_ =	swait.ge [sflag:s23], $0x1  }
0xa3: {  	[sflag:s23] =	ssyncset.done $0x0  }
0xa4: {  	s25 =	simm.s32 $0x1B8E;
	s24 =	sld [smem:$0x3FFE];
	[sflag:s23] =	ssyncadd.s32 $0xFFFFFFFF  }
0xa5: {  	s26 =	simm.s32 $execute0_lowered;
	[smem:$0x3FD2] =	sst s25  }
0xa6: {  	s5 =	sshll.u32 s26, $0x1;
	_ =	strace $0x80000052;
	[dreg:$0x1] =	wrdreg $0xFFFFFFFF  }
0xa7: {  	s28 =	simm.s32 $_size_execute0_lowered;
	s3 =	sadd.s32 s3, s5;
	[dreg:$0x0] =	wrdreg $0x0  }
0xa8: {  	s5 =	sshll.u32 s28, $0x1;
	[dreg:$0x2] =	wrdreg s3  }
0xa9: {  	[dreg:$0x3] =	wrdreg s5  }
0xaa: {  	[dreg:$0x4] =	wrdreg $0xC0  }
0xab: {  	_ =	task [dreg:s7], $0x5FFFF  }
0xac: {  	[dreg:$0x1] =	wrdreg $0xFFFFFFFF  }
0xad: {  	[dreg:$0x0] =	wrdreg $0x60  }
0xae: {  	[dreg:$0x2] =	wrdreg s24  }
0xaf: {  	[dreg:$0x3] =	wrdreg s2  }
0xb0: {  	[dreg:$0x4] =	wrdreg $0x9  }
0xb1: {  	_ =	task.clear_ibuf [dreg:s7], $0x5FFFF;
	_ =	strace $0x90000052  }
0xb2: {  	s29 =	simm.s32 $0x9;
	_ =	strace $0x80000054  }
0xb3: {  	_ =	swait.ge [sflag:s29], $0x1  }
0xb4: {  	[sflag:s29] =	ssyncadd.s32 $0xFFFFFFFF  }
0xb5: {  	_ =	strace $0x90000054  }
0xb6: {  	_ =	sfence  }
0xb7: {  	s30 =	sld [smem:$0x0];
	_ =	sdelay $0x2  }
0xb8: {  	s31 =	sshll.u32 s1, $0xD;
	s1 =	sshrl.u32 s1, $0x2  }
0xb9: {  	s3 =	sand.u32 $0x4000, s31;
	s1 =	sadd.s32 s1, s30  }
0xba: {  	s0 =	sor.u32 s3, s0;
	s1 =	sshll.u32 s1, $0x11  }
0xbb: {  	s0 =	sor.u32 s1, s0  }
0xbc: {  	s0 =	sadd.s32 $0x8F2B, s0  }
0xbd: {  	[sflag:s0] =	ssyncadd.remote.s32 $0x1  }
0xbe: {  	_ =	sfence.sel $0xFFFF  }
0xbf: {  	[dreg:$0x0] =	wrdreg $0xFFFFFFFF;
	(pc) =	sbr.abs _section_cstart, $3  }
0xc0: {  	[dreg:$0x1] =	wrdreg $0xFFFFFFFF  }
0xc1: {  	_ =	task.clear_ibuf [dreg:s7], $0x2FFFF;
	_ =	strace $0x9FFFFFFF  }
0xc2: {  	(tm) =	ssettm $0x7FFFFFFF  }
0xc3: {  	_ =	shalt  }
tec
execute0_lowered:
.L_overlay_start_1:
0x0: {  	(tag) =	ssettag $0x1  }
0x1: {  	s1 =	srdreg.scid  }
0x2: {  	s0 =	stileid.u32;
	s6 =	sand.u32 $0x1, s1  }
0x3: {  	s5 =	rddreg [dreg:$0x0];
	s30 =	sshll.u32 s0, $0x6;
	s2 =	sshll.u32 s6, $0x5  }
0x4: {  	s8 =	rddreg [dreg:$0x1];
	s9 =	sor.u32 s2, s30  }
0x5: {  	s1 =	rddreg [dreg:$0x2];
	s2 =	simm.s32 $0x0;
	s3 =	sshrl.u32 s9, $0x3  }
0x6: {  	s10 =	ssub.s32 $0x2, s6;
	[smem:$0x7FF] =	sst s2;
	s3 =	sadd.s32 s3, s5  }
0x7: {  	_ =	strace $0x80000053;
	s4 =	sadd.s32 $0x2000, s3;
	s3 =	simm.s32 $0x2  }
0x8: {  	[tilespmem:s2], [sflag:$0x2] =	stream.linear.gather [hbm4b:s4+s2], $0x20, $0x38;
	[tilespmem:$0x220] =	vst v63  }
0x9: {  	s7 =	simm.s32 $0x1;
	s11 =	sshrl.u32 s10, $0x1;
	_ =	swait.ge [sflag:s3], $0x20  }
0xa: {  	s6 =	simm.s32 $0x20;
	s10 =	ssub.s32 s10, s11;
	[sflag:s3] =	ssyncset.done $0x0  }
0xb: {  	s5 =	sadd.s32 $0x2200, s5;
	s31 =	smax.u32 s10, $0x1;
	[sflag:s3] =	ssyncadd.s32 $0xFFFFFFE0  }
0xc: {  	[tilespmem:s6], [sflag:$0x1] =	stream.indirect.gather [hbm4b:s5+s6], $0x10, s2, s6, $0xb8;
	[tilespmem:$0x220] =	vst v63  }
0xd: {  	p0 =	sne.s32 s31, $0x1;
	_ =	swait.ge [sflag:s7], $0x200  }
.Ltmp0:
0xe: {  	s9 =	sshll.u32 s9, $0x1;
	[sflag:s7] =	ssyncset.done $0x0;
	(pc) =	sbr.rel @!p0 .LBB2_2-.Ltmp0, $4  }
0xf: {  	s8 =	sadd.s32 s8, s9;
	[sflag:s7] =	ssyncadd.s32 $0xFFFFFE00  }
0x10: {  	[hbm4b:s8+s2] =	stream.linear.scatter [tilespmem:s6], [sflag:$0x2], $0x200, $0x38;
	[tilespmem:$0x220] =	vst v63  }
0x11: {  	_ =	swait.ge [sflag:s3], $0x200  }
0x12: {  	s9 =	sadd.s32 $0xFFFFFFFF, s31;
	[sflag:s3] =	ssyncset.done $0x0  }
.LBB2_1:
0x13: {  	p0 =	sne.s32 s9, $0x1;
	s9 =	sadd.s32 $0xFFFFFFFF, s9;
	[sflag:s3] =	ssyncadd.s32 $0xFFFFFE00  }
0x14: {  	[tilespmem:s2], [sflag:$0x2] =	stream.linear.gather [hbm4b:s4+s2], $0x20, $0x38;
	[tilespmem:$0x220] =	vst v63  }
0x15: {  	_ =	swait.ge [sflag:s3], $0x20  }
0x16: {  	[sflag:s3] =	ssyncset.done $0x0  }
0x17: {  	[sflag:s3] =	ssyncadd.s32 $0xFFFFFFE0  }
0x18: {  	[tilespmem:s6], [sflag:$0x1] =	stream.indirect.gather [hbm4b:s5+s6], $0x10, s2, s6, $0xb8;
	[tilespmem:$0x220] =	vst v63  }
0x19: {  	_ =	swait.ge [sflag:s7], $0x200  }
.Ltmp1:
0x1a: {  	[sflag:s7] =	ssyncset.done $0x0;
	(pc) =	sbr.rel @p0 .LBB2_1-.Ltmp1, $4  }
0x1b: {  	[sflag:s7] =	ssyncadd.s32 $0xFFFFFE00  }
0x1c: {  	[hbm4b:s8+s2] =	stream.linear.scatter [tilespmem:s6], [sflag:$0x2], $0x200, $0x38;
	[tilespmem:$0x220] =	vst v63  }
0x1d: {  	_ =	swait.ge [sflag:s3], $0x200  }
0x1e: {  	[sflag:s3] =	ssyncset.done $0x0  }
.LBB2_2:
0x1f: {  	[sflag:s3] =	ssyncadd.s32 $0xFFFFFE00  }
0x20: {  	_ =	sfence.sel $0x180000  }
0x21: {  	[bflag:$0x0] =	sbarrier.arrive $0xFFFF  }
0x22: {  	p0 =	sne.s32 s0, $0x0;
	_ =	strace $0x90000053  }
0x23: {  	s0 =	sadd.s32 @!p0 $0x100000, s1;
	[bflag:$0x2] =	sbarrier.arrive $0xFFFF  }
0x24: {  	[sflag:s0] =	ssyncadd.tile.s32 @!p0 $0x1;
	_ =	shalt  }
.Lfunc_end2:
_tile_overlayer_lowered:
.L_overlay_start_2:
0x25: {  	(tag) =	ssettag $0x2  }
0x26: {  	s0 =	rddreg [dreg:$0x0];
	s2 =	stileid.u32  }
0x27: {  	s1 =	rddreg [dreg:$0x1];
	p0 =	sne.s32 s2, $0x0  }
0x28: {  	s3 =	rddreg [dreg:$0x2];
	[bflag:$0x3] =	sbarrier.arrive $0xFFFF;
	s2 =	simm.s32 @!p0 $0x1C02  }
0x29: {  	[timem:s3], [sflag:s2] =	dma.local @!p0 [hbm:s0], s1  }
0x2a: {  	s0 =	simm.s32 @!p0 $0x2  }
0x2b: {  	_ =	swait.ge @!p0 [sflag:s0], s1  }
0x2c: {  	s1 =	ssub.s32 @!p0 $0x0, s1;
	[sflag:s0] =	ssyncset.done @!p0 $0x0  }
0x2d: {  	[sflag:s0] =	ssyncadd.s32 @!p0 s1  }
0x2e: {  	[bflag:$0x3] =	sbarrier.arrive $0xFFFF  }
0x2f: {  	_ =	shalt  }

</sc_bundles>
